<compile_context>
chip_gen: v7x
topology: tpu7x:2x2x1
jax: 0.10.2.dev20260603
libtpu: 0.0.44.dev20260713+nightly
codegen_flags: <defaults>
</compile_context>

<pallas_src>
import functools

import jax
import jax.numpy as jnp
from jax import lax
from jax.experimental import pallas as pl
from jax.experimental.pallas import tpu as pltpu
from jax.experimental.pallas import tpu_sc as plsc

_NC = 2
_NS = 16
_NW = _NC * _NS
_L = 16


def _sc_gather(me3, flat):
    nw, chunks, c = me3.shape
    _, d = flat.shape
    m = nw * chunks * c

    mesh = plsc.VectorSubcoreMesh(
        core_axis_name="c", subcore_axis_name="s",
        num_cores=_NC, num_subcores=_NS)

    @functools.partial(
        pl.kernel, mesh=mesh,
        out_type=jax.ShapeDtypeStruct((m, d), jnp.float32),
        scratch_types=[
            pltpu.VMEM((chunks, c), jnp.int32),
            pltpu.VMEM((3, c, d), jnp.float32),
            pltpu.SemaphoreType.DMA,
            pltpu.SemaphoreType.DMA,
            pltpu.SemaphoreType.DMA,
            pltpu.SemaphoreType.DMA,
            pltpu.SemaphoreType.DMA,
            pltpu.SemaphoreType.DMA,
        ],
    )
    def gather_k(me_hbm, flat_hbm, out_hbm, idx_v, rows3,
                 si0, si1, si2, so0, so1, so2):
        wid = lax.axis_index("s") * _NC + lax.axis_index("c")
        pltpu.sync_copy(me_hbm.at[wid], idx_v)
        base = wid * (chunks * c)
        sin = (si0, si1, si2)
        sout = (so0, so1, so2)
        nb = 3
        in_d = [None] * chunks
        out_d = [None] * chunks

        def start_in(j):
            in_d[j] = pltpu.async_copy(
                flat_hbm.at[idx_v.at[j]], rows3.at[j % nb], sin[j % nb])

        def start_out(j):
            out_d[j] = pltpu.async_copy(
                rows3.at[j % nb], out_hbm.at[pl.ds(base + j * c, c)],
                sout[j % nb])

        start_in(0)
        start_in(1)
        for j in range(chunks):
            if j + 2 < chunks:
                if j >= 1:
                    out_d[j - 1].wait()
                start_in(j + 2)
            in_d[j].wait()
            start_out(j)
        for j in range(max(chunks - 3, 0), chunks):
            out_d[j].wait()

    return gather_k(me3, flat)


def _tc_mixer(gathered, w1b, w2c, bm=1024):
    m, d = gathered.shape
    _, h = w1b.shape

    def body(x_ref, w1_ref, w2_ref, o_ref):
        xb = x_ref[...].astype(jnp.bfloat16)
        acts = jnp.dot(xb, w1_ref[...], preferred_element_type=jnp.float32)
        acts = jax.nn.gelu(acts).astype(jnp.bfloat16)
        o_ref[...] = jnp.dot(acts, w2_ref[...],
                             preferred_element_type=jnp.float32)

    return pl.pallas_call(
        body,
        grid=(m // bm,),
        in_specs=[
            pl.BlockSpec((bm, d), lambda i: (i, 0)),
            pl.BlockSpec((d, h), lambda i: (0, 0)),
            pl.BlockSpec((h, 1), lambda i: (0, 0)),
        ],
        out_specs=pl.BlockSpec((bm, 1), lambda i: (i, 0)),
        out_shape=jax.ShapeDtypeStruct((m, 1), jnp.float32),
    )(gathered, w1b, w2c)


def _tc_oidx(me2, cu2, b, max_seqlen):
    rows, c = me2.shape

    def body(me_ref, cu_ref, o_ref):
        me = me_ref[...]
        doc = jnp.zeros(me.shape, jnp.int32)
        base = jnp.zeros(me.shape, jnp.int32)
        for j in range(1, b):
            cu_j = cu_ref[0, j]
            doc = doc + jnp.where(me >= cu_j, 1, 0)
        for j in range(1, b):
            base = base + jnp.where(doc == j, cu_ref[0, j], 0)
        o_ref[...] = doc * max_seqlen + me - base

    return pl.pallas_call(
        body,
        out_shape=jax.ShapeDtypeStruct((rows, c), jnp.int32),
    )(me2, cu2)


def _sc_scatter(pred_chunks, oidx_f, b, max_seqlen):
    (m,) = oidx_f.shape
    n_in = len(pred_chunks)
    sizes = [int(p.shape[0]) for p in pred_chunks]
    offs = [sum(sizes[:i]) for i in range(n_in)]
    per_tile = (b * max_seqlen) // _NS

    mesh = plsc.VectorSubcoreMesh(
        core_axis_name="c", subcore_axis_name="s",
        num_cores=1, num_subcores=_NS)

    @functools.partial(
        pl.kernel, mesh=mesh,
        compiler_params=pltpu.CompilerParams(needs_layout_passes=False),
        out_type=jax.ShapeDtypeStruct((b, max_seqlen), jnp.float32),
        scratch_types=[
            pltpu.VMEM((m,), jnp.float32),
            pltpu.VMEM((m,), jnp.int32),
            pltpu.VMEM((per_tile,), jnp.float32),
            pltpu.SemaphoreType.DMA,
        ],
    )
    def scatter_k(*refs):
        pred_hbms = refs[:n_in]
        oidx_hbm, out_hbm, pred_v, oidx_v, zbuf, sem = refs[n_in:]
        sid = lax.axis_index("s")
        cps = [
            pltpu.async_copy(pred_hbms[i],
                             pred_v.at[pl.ds(offs[i], sizes[i])], sem)
            for i in range(n_in)
        ]
        cps.append(pltpu.async_copy(oidx_hbm, oidx_v, sem))

        def zero_body(i, _):
            zbuf[pl.ds(i * _L, _L)] = jnp.zeros((_L,), jnp.float32)
            return 0
        lax.fori_loop(0, per_tile // _L, zero_body, 0)
        for cp in cps:
            cp.wait()

        lo = sid * per_tile
        inner = 8

        def scan_body(i, _):
            o = i * (inner * _L)
            for kk in range(inner):
                idx16 = oidx_v[pl.ds(o + kk * _L, _L)]
                p16 = pred_v[pl.ds(o + kk * _L, _L)]
                li = idx16 - lo
                msk = (li >= 0) & (li < per_tile)
                plsc.store_scatter(zbuf, [li], p16, mask=msk)
            return 0
        lax.fori_loop(0, m // (inner * _L), scan_body, 0)

        pltpu.sync_copy(zbuf, out_hbm.at[sid])

    return scatter_k(*pred_chunks, oidx_f)


def kernel(flat, cu_seqlens, match_ends, W1, w2):
    total_tok, d = flat.shape
    (m,) = match_ends.shape
    b = cu_seqlens.shape[0] - 1
    max_seqlen = 4096

    sizes = (m // 2, m // 2)
    chunk = 16
    w1b = W1.astype(jnp.bfloat16)
    w2c = w2.reshape(d, 1).astype(jnp.bfloat16)
    pred_chunks = []
    off = 0
    for mc in sizes:
        me_i = lax.slice_in_dim(match_ends, off, off + mc)
        me3_i = me_i.reshape(_NW, mc // (_NW * chunk), chunk)
        g_i = _sc_gather(me3_i, flat)
        pred_chunks.append(_tc_mixer(g_i, w1b, w2c, bm=1024).reshape(mc))
        off += mc

    cu2 = jnp.concatenate(
        [cu_seqlens.astype(jnp.int32),
         jnp.zeros((1024 - cu_seqlens.shape[0],), jnp.int32)]).reshape(8, 128)
    oidx = _tc_oidx(match_ends.reshape(m // 128, 128), cu2, b, max_seqlen)
    return _sc_scatter(pred_chunks, oidx.reshape(m), b, max_seqlen)

# --- scband reference (transcript-rebuilt; emitter-appended) ---
"""Pipeline reference for scband-synth-feat-71339406787432 (READ-ONLY COPY).

The authoritative reference and input builder live on the scoring server;
editing this copy changes nothing except your own understanding.
"""

import jax, jax.numpy as jnp
import numpy as np

B = 16
MAX_SEQLEN = 4096
TOTAL_TOK = 32768
D = 2048
H = 2048
M = 8192


def setup_inputs(seed: int = 0) -> dict:
    key = jax.random.key(seed)
    k1, k2, k3, k4 = jax.random.split(key, 4)
    # flat ragged token feature matrix [total_tok, d]
    flat = jax.random.normal(k1, (TOTAL_TOK, D), dtype=jnp.float32)
    # ragged doc boundaries: alternating lengths 1024/3072 summing to TOTAL_TOK, all <= MAX_SEQLEN
    lengths = np.array([1024 if i % 2 == 0 else 3072 for i in range(B)], dtype=np.int64)
    cu_seqlens = jnp.asarray(np.concatenate([[0], np.cumsum(lengths)]), dtype=jnp.int32)
    # match end positions (flat token indices where a tokre match ends)
    match_ends = jax.random.randint(k2, (M,), 0, TOTAL_TOK, dtype=jnp.int32)
    # learned mixer parameters (stand-in for matcher.mixer / Embed tables)
    W1 = jax.random.normal(k3, (D, H), dtype=jnp.float32) * (1.0 / np.sqrt(D))
    w2 = jax.random.normal(k4, (H,), dtype=jnp.float32) * (1.0 / np.sqrt(H))
    return {"flat": flat, "cu_seqlens": cu_seqlens, "match_ends": match_ends, "W1": W1, "w2": w2}


def reference(flat, cu_seqlens, match_ends, W1, w2):
    # Tensorized SynthFeat.get_preds:
    # 1) gather token features at match end positions (ragged gather)
    gathered = jnp.take(flat, match_ends, axis=0)  # [M, D]
    # 2) mixer: per-match prediction (get_single_prediction analogue)
    h = jax.nn.gelu(gathered @ W1)                 # [M, H]
    preds = h @ w2                                  # [M]
    # 3) map flat match indices back to (doc_idx, within-doc position) via cu_seqlens
    doc_ids = jnp.searchsorted(cu_seqlens, match_ends, side='right') - 1
    doc_ids = jnp.clip(doc_ids, 0, B - 1)
    pos = match_ends - jnp.take(cu_seqlens, doc_ids)
    # 4) scatter-overwrite predictions into dense [B, max_seqlen] synth_acts (synth_acts[doc, end-1] = pred)
    synth_acts = jnp.zeros((B, MAX_SEQLEN), dtype=jnp.float32).at[doc_ids, pos].set(preds)
    return synth_acts

if __name__ == "__main__":
    import jax
    _d = setup_inputs()
    print(jax.jit(kernel)(*tuple(_d.values())))

</pallas_src>

<mosaic_0001>
#map = affine_map<(d0, d1) -> (0, 0, 0)>
#map1 = affine_map<(d0, d1) -> (0, 0)>
module attributes {stable_mosaic.version = 14 : i64} {
  func.func @gather_k(%arg0: i32, %arg1: i32, %arg2: memref<32x8x16xi32, #tpu.memory_space<hbm>>, %arg3: memref<32768x2048xf32, #tpu.memory_space<hbm>>, %arg4: memref<4096x2048xf32, #tpu.memory_space<hbm>>, %arg5: memref<8x16xi32, #tpu.memory_space<vmem>>, %arg6: memref<3x16x2048xf32, #tpu.memory_space<vmem>>, %arg7: memref<!tpu.dma_semaphore, #tpu.memory_space<semaphore_mem>>, %arg8: memref<!tpu.dma_semaphore, #tpu.memory_space<semaphore_mem>>, %arg9: memref<!tpu.dma_semaphore, #tpu.memory_space<semaphore_mem>>, %arg10: memref<!tpu.dma_semaphore, #tpu.memory_space<semaphore_mem>>, %arg11: memref<!tpu.dma_semaphore, #tpu.memory_space<semaphore_mem>>, %arg12: memref<!tpu.dma_semaphore, #tpu.memory_space<semaphore_mem>>) attributes {dimension_semantics = [#tpu.dimension_semantics<core_parallel>, #tpu.dimension_semantics<subcore_parallel>], iteration_bounds = array<i64: 2, 16>, scalar_prefetch = 0 : i64, scratch_operands = 8 : i64, tpu.core_type = #tpu.core_type<sc_vector_subcore>, window_params = [{transform_indices = #map}, {transform_indices = #map1}, {transform_indices = #map1}]} {
    %mul3A = arith.constant 2 : i32
    %mul3A_0 = arith.muli %arg1, %mul3A : i32
    %add3A = arith.addi %mul3A_0, %arg0 : i32
    "tpu.region"() ({
      %run_scoped3A = tpu.sem_alloc : memref<!tpu.dma_semaphore, #tpu.memory_space<semaphore_mem>>
      %dma_start3A_417 = arith.constant 0 : i32
      %dma_start3A_418 = arith.constant 0 : i32
      %dma_start3A_419 = tpu.memref_slice %arg2[%add3A, %dma_start3A_417, %dma_start3A_418] : memref<32x8x16xi32, #tpu.memory_space<hbm>> -> memref<1x8x16xi32, #tpu.memory_space<hbm>>
      %dma_start3A_420 = tpu.memref_squeeze %dma_start3A_419 : memref<1x8x16xi32, #tpu.memory_space<hbm>> -> memref<8x16xi32, #tpu.memory_space<hbm>>
      %dma_start3A_421 = arith.constant 0 : i32
      %dma_start3A_422 = arith.constant 0 : i32
      %dma_start3A_423 = tpu.memref_slice %arg2[%add3A, %dma_start3A_421, %dma_start3A_422] : memref<32x8x16xi32, #tpu.memory_space<hbm>> -> memref<1x8x16xi32, #tpu.memory_space<hbm>>
      %dma_start3A_424 = tpu.memref_squeeze %dma_start3A_423 : memref<1x8x16xi32, #tpu.memory_space<hbm>> -> memref<8x16xi32, #tpu.memory_space<hbm>>
      tpu.enqueue_dma source(%dma_start3A_424 : memref<8x16xi32, #tpu.memory_space<hbm>>) target(%arg5 : memref<8x16xi32, #tpu.memory_space<vmem>>) target_semaphore(%run_scoped3A : memref<!tpu.dma_semaphore, #tpu.memory_space<semaphore_mem>>)
      %dma_wait3A_425 = arith.constant 0 : i32
      %dma_wait3A_426 = arith.constant 0 : i32
      %dma_wait3A_427 = tpu.memref_slice %arg2[%add3A, %dma_wait3A_425, %dma_wait3A_426] : memref<32x8x16xi32, #tpu.memory_space<hbm>> -> memref<1x8x16xi32, #tpu.memory_space<hbm>>
      %dma_wait3A_428 = tpu.memref_squeeze %dma_wait3A_427 : memref<1x8x16xi32, #tpu.memory_space<hbm>> -> memref<8x16xi32, #tpu.memory_space<hbm>>
      %dma_wait3A_429 = arith.constant 0 : i32
      %dma_wait3A_430 = arith.constant 0 : i32
      %dma_wait3A_431 = tpu.memref_slice %arg2[%add3A, %dma_wait3A_429, %dma_wait3A_430] : memref<32x8x16xi32, #tpu.memory_space<hbm>> -> memref<1x8x16xi32, #tpu.memory_space<hbm>>
      %dma_wait3A_432 = tpu.memref_squeeze %dma_wait3A_431 : memref<1x8x16xi32, #tpu.memory_space<hbm>> -> memref<8x16xi32, #tpu.memory_space<hbm>>
      tpu.wait_dma2 semaphore(%run_scoped3A : memref<!tpu.dma_semaphore, #tpu.memory_space<semaphore_mem>>) src(%dma_wait3A_432 : memref<8x16xi32, #tpu.memory_space<hbm>>) dst(%arg5 : memref<8x16xi32, #tpu.memory_space<vmem>>)
      tpu.yield
    }) : () -> ()
    %mul3A_1 = arith.constant 128 : i32
    %mul3A_2 = arith.muli %add3A, %mul3A_1 : i32
    %dma_start3A = arith.constant 0 : i32
    %dma_start3A_3 = arith.constant 0 : i32
    %dma_start3A_4 = arith.constant 0 : i32
    %dma_start3A_5 = arith.constant 0 : i32
    %dma_start3A_6 = tpu.memref_slice %arg6[%dma_start3A_3, %dma_start3A_4, %dma_start3A_5] : memref<3x16x2048xf32, #tpu.memory_space<vmem>> -> memref<1x16x2048xf32, #tpu.memory_space<vmem>>
    %dma_start3A_7 = tpu.memref_squeeze %dma_start3A_6 : memref<1x16x2048xf32, #tpu.memory_space<vmem>> -> memref<16x2048xf32, #tpu.memory_space<vmem>>
    %dma_start3A_8 = arith.constant 0 : i32
    %dma_start3A_9 = tpu.memref_slice %arg5[%dma_start3A, %dma_start3A_8] : memref<8x16xi32, #tpu.memory_space<vmem>> -> memref<1x16xi32, #tpu.memory_space<vmem>>
    %dma_start3A_10 = tpu.memref_squeeze %dma_start3A_9 : memref<1x16xi32, #tpu.memory_space<vmem>> -> memref<16xi32, #tpu.memory_space<vmem>>
    %dma_start3A_11 = arith.constant 0 : i32
    %dma_start3A_12 = arith.constant 0 : i32
    %dma_start3A_13 = tpu.memref_slice %arg3[%dma_start3A_11, %dma_start3A_12] : memref<32768x2048xf32, #tpu.memory_space<hbm>> -> memref<32768x2048xf32, #tpu.memory_space<hbm>>
    tpu.enqueue_indirect_dma source(%dma_start3A_13 : memref<32768x2048xf32, #tpu.memory_space<hbm>>) target(%dma_start3A_7 : memref<16x2048xf32, #tpu.memory_space<vmem>>) offsets(%dma_start3A_10 : memref<16xi32, #tpu.memory_space<vmem>>) semaphore(%arg7 : memref<!tpu.dma_semaphore, #tpu.memory_space<semaphore_mem>>)
    %dma_start3A_14 = arith.constant 1 : i32
    %dma_start3A_15 = arith.constant 1 : i32
    %dma_start3A_16 = arith.constant 0 : i32
    %dma_start3A_17 = arith.constant 0 : i32
    %dma_start3A_18 = tpu.memref_slice %arg6[%dma_start3A_15, %dma_start3A_16, %dma_start3A_17] : memref<3x16x2048xf32, #tpu.memory_space<vmem>> -> memref<1x16x2048xf32, #tpu.memory_space<vmem>>
    %dma_start3A_19 = tpu.memref_squeeze %dma_start3A_18 : memref<1x16x2048xf32, #tpu.memory_space<vmem>> -> memref<16x2048xf32, #tpu.memory_space<vmem>>
    %dma_start3A_20 = arith.constant 0 : i32
    %dma_start3A_21 = tpu.memref_slice %arg5[%dma_start3A_14, %dma_start3A_20] : memref<8x16xi32, #tpu.memory_space<vmem>> -> memref<1x16xi32, #tpu.memory_space<vmem>>
    %dma_start3A_22 = tpu.memref_squeeze %dma_start3A_21 : memref<1x16xi32, #tpu.memory_space<vmem>> -> memref<16xi32, #tpu.memory_space<vmem>>
    %dma_start3A_23 = arith.constant 0 : i32
    %dma_start3A_24 = arith.constant 0 : i32
    %dma_start3A_25 = tpu.memref_slice %arg3[%dma_start3A_23, %dma_start3A_24] : memref<32768x2048xf32, #tpu.memory_space<hbm>> -> memref<32768x2048xf32, #tpu.memory_space<hbm>>
    tpu.enqueue_indirect_dma source(%dma_start3A_25 : memref<32768x2048xf32, #tpu.memory_space<hbm>>) target(%dma_start3A_19 : memref<16x2048xf32, #tpu.memory_space<vmem>>) offsets(%dma_start3A_22 : memref<16xi32, #tpu.memory_space<vmem>>) semaphore(%arg8 : memref<!tpu.dma_semaphore, #tpu.memory_space<semaphore_mem>>)
    %dma_start3A_26 = arith.constant 2 : i32
    %dma_start3A_27 = arith.constant 2 : i32
    %dma_start3A_28 = arith.constant 0 : i32
    %dma_start3A_29 = arith.constant 0 : i32
    %dma_start3A_30 = tpu.memref_slice %arg6[%dma_start3A_27, %dma_start3A_28, %dma_start3A_29] : memref<3x16x2048xf32, #tpu.memory_space<vmem>> -> memref<1x16x2048xf32, #tpu.memory_space<vmem>>
    %dma_start3A_31 = tpu.memref_squeeze %dma_start3A_30 : memref<1x16x2048xf32, #tpu.memory_space<vmem>> -> memref<16x2048xf32, #tpu.memory_space<vmem>>
    %dma_start3A_32 = arith.constant 0 : i32
    %dma_start3A_33 = tpu.memref_slice %arg5[%dma_start3A_26, %dma_start3A_32] : memref<8x16xi32, #tpu.memory_space<vmem>> -> memref<1x16xi32, #tpu.memory_space<vmem>>
    %dma_start3A_34 = tpu.memref_squeeze %dma_start3A_33 : memref<1x16xi32, #tpu.memory_space<vmem>> -> memref<16xi32, #tpu.memory_space<vmem>>
    %dma_start3A_35 = arith.constant 0 : i32
    %dma_start3A_36 = arith.constant 0 : i32
    %dma_start3A_37 = tpu.memref_slice %arg3[%dma_start3A_35, %dma_start3A_36] : memref<32768x2048xf32, #tpu.memory_space<hbm>> -> memref<32768x2048xf32, #tpu.memory_space<hbm>>
    tpu.enqueue_indirect_dma source(%dma_start3A_37 : memref<32768x2048xf32, #tpu.memory_space<hbm>>) target(%dma_start3A_31 : memref<16x2048xf32, #tpu.memory_space<vmem>>) offsets(%dma_start3A_34 : memref<16xi32, #tpu.memory_space<vmem>>) semaphore(%arg9 : memref<!tpu.dma_semaphore, #tpu.memory_space<semaphore_mem>>)
    %dma_wait3A = arith.constant 0 : i32
    %dma_wait3A_38 = arith.constant 0 : i32
    %dma_wait3A_39 = arith.constant 0 : i32
    %dma_wait3A_40 = arith.constant 0 : i32
    %dma_wait3A_41 = tpu.memref_slice %arg6[%dma_wait3A_38, %dma_wait3A_39, %dma_wait3A_40] : memref<3x16x2048xf32, #tpu.memory_space<vmem>> -> memref<1x16x2048xf32, #tpu.memory_space<vmem>>
    %dma_wait3A_42 = tpu.memref_squeeze %dma_wait3A_41 : memref<1x16x2048xf32, #tpu.memory_space<vmem>> -> memref<16x2048xf32, #tpu.memory_space<vmem>>
    %dma_wait3A_43 = arith.constant 0 : i32
    %dma_wait3A_44 = tpu.memref_slice %arg5[%dma_wait3A, %dma_wait3A_43] : memref<8x16xi32, #tpu.memory_space<vmem>> -> memref<1x16xi32, #tpu.memory_space<vmem>>
    %dma_wait3A_45 = tpu.memref_squeeze %dma_wait3A_44 : memref<1x16xi32, #tpu.memory_space<vmem>> -> memref<16xi32, #tpu.memory_space<vmem>>
    %dma_wait3A_46 = arith.constant 0 : i32
    %dma_wait3A_47 = arith.constant 0 : i32
    %dma_wait3A_48 = tpu.memref_slice %arg3[%dma_wait3A_46, %dma_wait3A_47] : memref<32768x2048xf32, #tpu.memory_space<hbm>> -> memref<32768x2048xf32, #tpu.memory_space<hbm>>
    tpu.wait_indirect_dma semaphore(%arg7 : memref<!tpu.dma_semaphore, #tpu.memory_space<semaphore_mem>>) src(%dma_wait3A_48 : memref<32768x2048xf32, #tpu.memory_space<hbm>>) dst(%dma_wait3A_42 : memref<16x2048xf32, #tpu.memory_space<vmem>>)
    %add3A_49 = arith.constant 0 : i32
    %add3A_50 = arith.addi %mul3A_2, %add3A_49 : i32
    %dma_start3A_51 = arith.constant 0 : i32
    %dma_start3A_52 = arith.constant 0 : i32
    %dma_start3A_53 = arith.constant 0 : i32
    %dma_start3A_54 = tpu.memref_slice %arg6[%dma_start3A_51, %dma_start3A_52, %dma_start3A_53] : memref<3x16x2048xf32, #tpu.memory_space<vmem>> -> memref<1x16x2048xf32, #tpu.memory_space<vmem>>
    %dma_start3A_55 = tpu.memref_squeeze %dma_start3A_54 : memref<1x16x2048xf32, #tpu.memory_space<vmem>> -> memref<16x2048xf32, #tpu.memory_space<vmem>>
    %dma_start3A_56 = arith.constant 0 : i32
    %dma_start3A_57 = tpu.memref_slice %arg4[%add3A_50, %dma_start3A_56] : memref<4096x2048xf32, #tpu.memory_space<hbm>> -> memref<16x2048xf32, #tpu.memory_space<hbm>>
    %dma_start3A_58 = arith.constant 0 : i32
    %dma_start3A_59 = tpu.memref_slice %arg4[%add3A_50, %dma_start3A_58] : memref<4096x2048xf32, #tpu.memory_space<hbm>> -> memref<16x2048xf32, #tpu.memory_space<hbm>>
    %dma_start3A_60 = arith.constant 0 : i32
    %dma_start3A_61 = arith.constant 0 : i32
    %dma_start3A_62 = tpu.memref_slice %arg6[%dma_start3A_51, %dma_start3A_60, %dma_start3A_61] : memref<3x16x2048xf32, #tpu.memory_space<vmem>> -> memref<1x16x2048xf32, #tpu.memory_space<vmem>>
    %dma_start3A_63 = tpu.memref_squeeze %dma_start3A_62 : memref<1x16x2048xf32, #tpu.memory_space<vmem>> -> memref<16x2048xf32, #tpu.memory_space<vmem>>
    tpu.enqueue_dma source(%dma_start3A_63 : memref<16x2048xf32, #tpu.memory_space<vmem>>) target(%dma_start3A_59 : memref<16x2048xf32, #tpu.memory_space<hbm>>) target_semaphore(%arg10 : memref<!tpu.dma_semaphore, #tpu.memory_space<semaphore_mem>>)
    %dma_wait3A_64 = arith.constant 0 : i32
    %dma_wait3A_65 = arith.constant 0 : i32
    %dma_wait3A_66 = arith.constant 0 : i32
    %dma_wait3A_67 = tpu.memref_slice %arg6[%dma_wait3A_64, %dma_wait3A_65, %dma_wait3A_66] : memref<3x16x2048xf32, #tpu.memory_space<vmem>> -> memref<1x16x2048xf32, #tpu.memory_space<vmem>>
    %dma_wait3A_68 = tpu.memref_squeeze %dma_wait3A_67 : memref<1x16x2048xf32, #tpu.memory_space<vmem>> -> memref<16x2048xf32, #tpu.memory_space<vmem>>
    %dma_wait3A_69 = arith.constant 0 : i32
    %dma_wait3A_70 = tpu.memref_slice %arg4[%add3A_50, %dma_wait3A_69] : memref<4096x2048xf32, #tpu.memory_space<hbm>> -> memref<16x2048xf32, #tpu.memory_space<hbm>>
    %dma_wait3A_71 = arith.constant 0 : i32
    %dma_wait3A_72 = tpu.memref_slice %arg4[%add3A_50, %dma_wait3A_71] : memref<4096x2048xf32, #tpu.memory_space<hbm>> -> memref<16x2048xf32, #tpu.memory_space<hbm>>
    %dma_wait3A_73 = arith.constant 0 : i32
    %dma_wait3A_74 = arith.constant 0 : i32
    %dma_wait3A_75 = tpu.memref_slice %arg6[%dma_wait3A_64, %dma_wait3A_73, %dma_wait3A_74] : memref<3x16x2048xf32, #tpu.memory_space<vmem>> -> memref<1x16x2048xf32, #tpu.memory_space<vmem>>
    %dma_wait3A_76 = tpu.memref_squeeze %dma_wait3A_75 : memref<1x16x2048xf32, #tpu.memory_space<vmem>> -> memref<16x2048xf32, #tpu.memory_space<vmem>>
    tpu.wait_dma2 semaphore(%arg10 : memref<!tpu.dma_semaphore, #tpu.memory_space<semaphore_mem>>) src(%dma_wait3A_76 : memref<16x2048xf32, #tpu.memory_space<vmem>>) dst(%dma_wait3A_72 : memref<16x2048xf32, #tpu.memory_space<hbm>>)
    %dma_start3A_77 = arith.constant 3 : i32
    %dma_start3A_78 = arith.constant 0 : i32
    %dma_start3A_79 = arith.constant 0 : i32
    %dma_start3A_80 = arith.constant 0 : i32
    %dma_start3A_81 = tpu.memref_slice %arg6[%dma_start3A_78, %dma_start3A_79, %dma_start3A_80] : memref<3x16x2048xf32, #tpu.memory_space<vmem>> -> memref<1x16x2048xf32, #tpu.memory_space<vmem>>
    %dma_start3A_82 = tpu.memref_squeeze %dma_start3A_81 : memref<1x16x2048xf32, #tpu.memory_space<vmem>> -> memref<16x2048xf32, #tpu.memory_space<vmem>>
    %dma_start3A_83 = arith.constant 0 : i32
    %dma_start3A_84 = tpu.memref_slice %arg5[%dma_start3A_77, %dma_start3A_83] : memref<8x16xi32, #tpu.memory_space<vmem>> -> memref<1x16xi32, #tpu.memory_space<vmem>>
    %dma_start3A_85 = tpu.memref_squeeze %dma_start3A_84 : memref<1x16xi32, #tpu.memory_space<vmem>> -> memref<16xi32, #tpu.memory_space<vmem>>
    %dma_start3A_86 = arith.constant 0 : i32
    %dma_start3A_87 = arith.constant 0 : i32
    %dma_start3A_88 = tpu.memref_slice %arg3[%dma_start3A_86, %dma_start3A_87] : memref<32768x2048xf32, #tpu.memory_space<hbm>> -> memref<32768x2048xf32, #tpu.memory_space<hbm>>
    tpu.enqueue_indirect_dma source(%dma_start3A_88 : memref<32768x2048xf32, #tpu.memory_space<hbm>>) target(%dma_start3A_82 : memref<16x2048xf32, #tpu.memory_space<vmem>>) offsets(%dma_start3A_85 : memref<16xi32, #tpu.memory_space<vmem>>) semaphore(%arg7 : memref<!tpu.dma_semaphore, #tpu.memory_space<semaphore_mem>>)
    %dma_wait3A_89 = arith.constant 1 : i32
    %dma_wait3A_90 = arith.constant 1 : i32
    %dma_wait3A_91 = arith.constant 0 : i32
    %dma_wait3A_92 = arith.constant 0 : i32
    %dma_wait3A_93 = tpu.memref_slice %arg6[%dma_wait3A_90, %dma_wait3A_91, %dma_wait3A_92] : memref<3x16x2048xf32, #tpu.memory_space<vmem>> -> memref<1x16x2048xf32, #tpu.memory_space<vmem>>
    %dma_wait3A_94 = tpu.memref_squeeze %dma_wait3A_93 : memref<1x16x2048xf32, #tpu.memory_space<vmem>> -> memref<16x2048xf32, #tpu.memory_space<vmem>>
    %dma_wait3A_95 = arith.constant 0 : i32
    %dma_wait3A_96 = tpu.memref_slice %arg5[%dma_wait3A_89, %dma_wait3A_95] : memref<8x16xi32, #tpu.memory_space<vmem>> -> memref<1x16xi32, #tpu.memory_space<vmem>>
    %dma_wait3A_97 = tpu.memref_squeeze %dma_wait3A_96 : memref<1x16xi32, #tpu.memory_space<vmem>> -> memref<16xi32, #tpu.memory_space<vmem>>
    %dma_wait3A_98 = arith.constant 0 : i32
    %dma_wait3A_99 = arith.constant 0 : i32
    %dma_wait3A_100 = tpu.memref_slice %arg3[%dma_wait3A_98, %dma_wait3A_99] : memref<32768x2048xf32, #tpu.memory_space<hbm>> -> memref<32768x2048xf32, #tpu.memory_space<hbm>>
    tpu.wait_indirect_dma semaphore(%arg8 : memref<!tpu.dma_semaphore, #tpu.memory_space<semaphore_mem>>) src(%dma_wait3A_100 : memref<32768x2048xf32, #tpu.memory_space<hbm>>) dst(%dma_wait3A_94 : memref<16x2048xf32, #tpu.memory_space<vmem>>)
    %add3A_101 = arith.constant 16 : i32
    %add3A_102 = arith.addi %mul3A_2, %add3A_101 : i32
    %dma_start3A_103 = arith.constant 1 : i32
    %dma_start3A_104 = arith.constant 0 : i32
    %dma_start3A_105 = arith.constant 0 : i32
    %dma_start3A_106 = tpu.memref_slice %arg6[%dma_start3A_103, %dma_start3A_104, %dma_start3A_105] : memref<3x16x2048xf32, #tpu.memory_space<vmem>> -> memref<1x16x2048xf32, #tpu.memory_space<vmem>>
    %dma_start3A_107 = tpu.memref_squeeze %dma_start3A_106 : memref<1x16x2048xf32, #tpu.memory_space<vmem>> -> memref<16x2048xf32, #tpu.memory_space<vmem>>
    %dma_start3A_108 = arith.constant 0 : i32
    %dma_start3A_109 = tpu.memref_slice %arg4[%add3A_102, %dma_start3A_108] : memref<4096x2048xf32, #tpu.memory_space<hbm>> -> memref<16x2048xf32, #tpu.memory_space<hbm>>
    %dma_start3A_110 = arith.constant 0 : i32
    %dma_start3A_111 = tpu.memref_slice %arg4[%add3A_102, %dma_start3A_110] : memref<4096x2048xf32, #tpu.memory_space<hbm>> -> memref<16x2048xf32, #tpu.memory_space<hbm>>
    %dma_start3A_112 = arith.constant 0 : i32
    %dma_start3A_113 = arith.constant 0 : i32
    %dma_start3A_114 = tpu.memref_slice %arg6[%dma_start3A_103, %dma_start3A_112, %dma_start3A_113] : memref<3x16x2048xf32, #tpu.memory_space<vmem>> -> memref<1x16x2048xf32, #tpu.memory_space<vmem>>
    %dma_start3A_115 = tpu.memref_squeeze %dma_start3A_114 : memref<1x16x2048xf32, #tpu.memory_space<vmem>> -> memref<16x2048xf32, #tpu.memory_space<vmem>>
    tpu.enqueue_dma source(%dma_start3A_115 : memref<16x2048xf32, #tpu.memory_space<vmem>>) target(%dma_start3A_111 : memref<16x2048xf32, #tpu.memory_space<hbm>>) target_semaphore(%arg11 : memref<!tpu.dma_semaphore, #tpu.memory_space<semaphore_mem>>)
    %dma_wait3A_116 = arith.constant 1 : i32
    %dma_wait3A_117 = arith.constant 0 : i32
    %dma_wait3A_118 = arith.constant 0 : i32
    %dma_wait3A_119 = tpu.memref_slice %arg6[%dma_wait3A_116, %dma_wait3A_117, %dma_wait3A_118] : memref<3x16x2048xf32, #tpu.memory_space<vmem>> -> memref<1x16x2048xf32, #tpu.memory_space<vmem>>
    %dma_wait3A_120 = tpu.memref_squeeze %dma_wait3A_119 : memref<1x16x2048xf32, #tpu.memory_space<vmem>> -> memref<16x2048xf32, #tpu.memory_space<vmem>>
    %dma_wait3A_121 = arith.constant 0 : i32
    %dma_wait3A_122 = tpu.memref_slice %arg4[%add3A_102, %dma_wait3A_121] : memref<4096x2048xf32, #tpu.memory_space<hbm>> -> memref<16x2048xf32, #tpu.memory_space<hbm>>
    %dma_wait3A_123 = arith.constant 0 : i32
    %dma_wait3A_124 = tpu.memref_slice %arg4[%add3A_102, %dma_wait3A_123] : memref<4096x2048xf32, #tpu.memory_space<hbm>> -> memref<16x2048xf32, #tpu.memory_space<hbm>>
    %dma_wait3A_125 = arith.constant 0 : i32
    %dma_wait3A_126 = arith.constant 0 : i32
    %dma_wait3A_127 = tpu.memref_slice %arg6[%dma_wait3A_116, %dma_wait3A_125, %dma_wait3A_126] : memref<3x16x2048xf32, #tpu.memory_space<vmem>> -> memref<1x16x2048xf32, #tpu.memory_space<vmem>>
    %dma_wait3A_128 = tpu.memref_squeeze %dma_wait3A_127 : memref<1x16x2048xf32, #tpu.memory_space<vmem>> -> memref<16x2048xf32, #tpu.memory_space<vmem>>
    tpu.wait_dma2 semaphore(%arg11 : memref<!tpu.dma_semaphore, #tpu.memory_space<semaphore_mem>>) src(%dma_wait3A_128 : memref<16x2048xf32, #tpu.memory_space<vmem>>) dst(%dma_wait3A_124 : memref<16x2048xf32, #tpu.memory_space<hbm>>)
    %dma_start3A_129 = arith.constant 4 : i32
    %dma_start3A_130 = arith.constant 1 : i32
    %dma_start3A_131 = arith.constant 0 : i32
    %dma_start3A_132 = arith.constant 0 : i32
    %dma_start3A_133 = tpu.memref_slice %arg6[%dma_start3A_130, %dma_start3A_131, %dma_start3A_132] : memref<3x16x2048xf32, #tpu.memory_space<vmem>> -> memref<1x16x2048xf32, #tpu.memory_space<vmem>>
    %dma_start3A_134 = tpu.memref_squeeze %dma_start3A_133 : memref<1x16x2048xf32, #tpu.memory_space<vmem>> -> memref<16x2048xf32, #tpu.memory_space<vmem>>
    %dma_start3A_135 = arith.constant 0 : i32
    %dma_start3A_136 = tpu.memref_slice %arg5[%dma_start3A_129, %dma_start3A_135] : memref<8x16xi32, #tpu.memory_space<vmem>> -> memref<1x16xi32, #tpu.memory_space<vmem>>
    %dma_start3A_137 = tpu.memref_squeeze %dma_start3A_136 : memref<1x16xi32, #tpu.memory_space<vmem>> -> memref<16xi32, #tpu.memory_space<vmem>>
    %dma_start3A_138 = arith.constant 0 : i32
    %dma_start3A_139 = arith.constant 0 : i32
    %dma_start3A_140 = tpu.memref_slice %arg3[%dma_start3A_138, %dma_start3A_139] : memref<32768x2048xf32, #tpu.memory_space<hbm>> -> memref<32768x2048xf32, #tpu.memory_space<hbm>>
    tpu.enqueue_indirect_dma source(%dma_start3A_140 : memref<32768x2048xf32, #tpu.memory_space<hbm>>) target(%dma_start3A_134 : memref<16x2048xf32, #tpu.memory_space<vmem>>) offsets(%dma_start3A_137 : memref<16xi32, #tpu.memory_space<vmem>>) semaphore(%arg8 : memref<!tpu.dma_semaphore, #tpu.memory_space<semaphore_mem>>)
    %dma_wait3A_141 = arith.constant 2 : i32
    %dma_wait3A_142 = arith.constant 2 : i32
    %dma_wait3A_143 = arith.constant 0 : i32
    %dma_wait3A_144 = arith.constant 0 : i32
    %dma_wait3A_145 = tpu.memref_slice %arg6[%dma_wait3A_142, %dma_wait3A_143, %dma_wait3A_144] : memref<3x16x2048xf32, #tpu.memory_space<vmem>> -> memref<1x16x2048xf32, #tpu.memory_space<vmem>>
    %dma_wait3A_146 = tpu.memref_squeeze %dma_wait3A_145 : memref<1x16x2048xf32, #tpu.memory_space<vmem>> -> memref<16x2048xf32, #tpu.memory_space<vmem>>
    %dma_wait3A_147 = arith.constant 0 : i32
    %dma_wait3A_148 = tpu.memref_slice %arg5[%dma_wait3A_141, %dma_wait3A_147] : memref<8x16xi32, #tpu.memory_space<vmem>> -> memref<1x16xi32, #tpu.memory_space<vmem>>
    %dma_wait3A_149 = tpu.memref_squeeze %dma_wait3A_148 : memref<1x16xi32, #tpu.memory_space<vmem>> -> memref<16xi32, #tpu.memory_space<vmem>>
    %dma_wait3A_150 = arith.constant 0 : i32
    %dma_wait3A_151 = arith.constant 0 : i32
    %dma_wait3A_152 = tpu.memref_slice %arg3[%dma_wait3A_150, %dma_wait3A_151] : memref<32768x2048xf32, #tpu.memory_space<hbm>> -> memref<32768x2048xf32, #tpu.memory_space<hbm>>
    tpu.wait_indirect_dma semaphore(%arg9 : memref<!tpu.dma_semaphore, #tpu.memory_space<semaphore_mem>>) src(%dma_wait3A_152 : memref<32768x2048xf32, #tpu.memory_space<hbm>>) dst(%dma_wait3A_146 : memref<16x2048xf32, #tpu.memory_space<vmem>>)
    %add3A_153 = arith.constant 32 : i32
    %add3A_154 = arith.addi %mul3A_2, %add3A_153 : i32
    %dma_start3A_155 = arith.constant 2 : i32
    %dma_start3A_156 = arith.constant 0 : i32
    %dma_start3A_157 = arith.constant 0 : i32
    %dma_start3A_158 = tpu.memref_slice %arg6[%dma_start3A_155, %dma_start3A_156, %dma_start3A_157] : memref<3x16x2048xf32, #tpu.memory_space<vmem>> -> memref<1x16x2048xf32, #tpu.memory_space<vmem>>
    %dma_start3A_159 = tpu.memref_squeeze %dma_start3A_158 : memref<1x16x2048xf32, #tpu.memory_space<vmem>> -> memref<16x2048xf32, #tpu.memory_space<vmem>>
    %dma_start3A_160 = arith.constant 0 : i32
    %dma_start3A_161 = tpu.memref_slice %arg4[%add3A_154, %dma_start3A_160] : memref<4096x2048xf32, #tpu.memory_space<hbm>> -> memref<16x2048xf32, #tpu.memory_space<hbm>>
    %dma_start3A_162 = arith.constant 0 : i32
    %dma_start3A_163 = tpu.memref_slice %arg4[%add3A_154, %dma_start3A_162] : memref<4096x2048xf32, #tpu.memory_space<hbm>> -> memref<16x2048xf32, #tpu.memory_space<hbm>>
    %dma_start3A_164 = arith.constant 0 : i32
    %dma_start3A_165 = arith.constant 0 : i32
    %dma_start3A_166 = tpu.memref_slice %arg6[%dma_start3A_155, %dma_start3A_164, %dma_start3A_165] : memref<3x16x2048xf32, #tpu.memory_space<vmem>> -> memref<1x16x2048xf32, #tpu.memory_space<vmem>>
    %dma_start3A_167 = tpu.memref_squeeze %dma_start3A_166 : memref<1x16x2048xf32, #tpu.memory_space<vmem>> -> memref<16x2048xf32, #tpu.memory_space<vmem>>
    tpu.enqueue_dma source(%dma_start3A_167 : memref<16x2048xf32, #tpu.memory_space<vmem>>) target(%dma_start3A_163 : memref<16x2048xf32, #tpu.memory_space<hbm>>) target_semaphore(%arg12 : memref<!tpu.dma_semaphore, #tpu.memory_space<semaphore_mem>>)
    %dma_wait3A_168 = arith.constant 2 : i32
    %dma_wait3A_169 = arith.constant 0 : i32
    %dma_wait3A_170 = arith.constant 0 : i32
    %dma_wait3A_171 = tpu.memref_slice %arg6[%dma_wait3A_168, %dma_wait3A_169, %dma_wait3A_170] : memref<3x16x2048xf32, #tpu.memory_space<vmem>> -> memref<1x16x2048xf32, #tpu.memory_space<vmem>>
    %dma_wait3A_172 = tpu.memref_squeeze %dma_wait3A_171 : memref<1x16x2048xf32, #tpu.memory_space<vmem>> -> memref<16x2048xf32, #tpu.memory_space<vmem>>
    %dma_wait3A_173 = arith.constant 0 : i32
    %dma_wait3A_174 = tpu.memref_slice %arg4[%add3A_154, %dma_wait3A_173] : memref<4096x2048xf32, #tpu.memory_space<hbm>> -> memref<16x2048xf32, #tpu.memory_space<hbm>>
    %dma_wait3A_175 = arith.constant 0 : i32
    %dma_wait3A_176 = tpu.memref_slice %arg4[%add3A_154, %dma_wait3A_175] : memref<4096x2048xf32, #tpu.memory_space<hbm>> -> memref<16x2048xf32, #tpu.memory_space<hbm>>
    %dma_wait3A_177 = arith.constant 0 : i32
    %dma_wait3A_178 = arith.constant 0 : i32
    %dma_wait3A_179 = tpu.memref_slice %arg6[%dma_wait3A_168, %dma_wait3A_177, %dma_wait3A_178] : memref<3x16x2048xf32, #tpu.memory_space<vmem>> -> memref<1x16x2048xf32, #tpu.memory_space<vmem>>
    %dma_wait3A_180 = tpu.memref_squeeze %dma_wait3A_179 : memref<1x16x2048xf32, #tpu.memory_space<vmem>> -> memref<16x2048xf32, #tpu.memory_space<vmem>>
    tpu.wait_dma2 semaphore(%arg12 : memref<!tpu.dma_semaphore, #tpu.memory_space<semaphore_mem>>) src(%dma_wait3A_180 : memref<16x2048xf32, #tpu.memory_space<vmem>>) dst(%dma_wait3A_176 : memref<16x2048xf32, #tpu.memory_space<hbm>>)
    %dma_start3A_181 = arith.constant 5 : i32
    %dma_start3A_182 = arith.constant 2 : i32
    %dma_start3A_183 = arith.constant 0 : i32
    %dma_start3A_184 = arith.constant 0 : i32
    %dma_start3A_185 = tpu.memref_slice %arg6[%dma_start3A_182, %dma_start3A_183, %dma_start3A_184] : memref<3x16x2048xf32, #tpu.memory_space<vmem>> -> memref<1x16x2048xf32, #tpu.memory_space<vmem>>
    %dma_start3A_186 = tpu.memref_squeeze %dma_start3A_185 : memref<1x16x2048xf32, #tpu.memory_space<vmem>> -> memref<16x2048xf32, #tpu.memory_space<vmem>>
    %dma_start3A_187 = arith.constant 0 : i32
    %dma_start3A_188 = tpu.memref_slice %arg5[%dma_start3A_181, %dma_start3A_187] : memref<8x16xi32, #tpu.memory_space<vmem>> -> memref<1x16xi32, #tpu.memory_space<vmem>>
    %dma_start3A_189 = tpu.memref_squeeze %dma_start3A_188 : memref<1x16xi32, #tpu.memory_space<vmem>> -> memref<16xi32, #tpu.memory_space<vmem>>
    %dma_start3A_190 = arith.constant 0 : i32
    %dma_start3A_191 = arith.constant 0 : i32
    %dma_start3A_192 = tpu.memref_slice %arg3[%dma_start3A_190, %dma_start3A_191] : memref<32768x2048xf32, #tpu.memory_space<hbm>> -> memref<32768x2048xf32, #tpu.memory_space<hbm>>
    tpu.enqueue_indirect_dma source(%dma_start3A_192 : memref<32768x2048xf32, #tpu.memory_space<hbm>>) target(%dma_start3A_186 : memref<16x2048xf32, #tpu.memory_space<vmem>>) offsets(%dma_start3A_189 : memref<16xi32, #tpu.memory_space<vmem>>) semaphore(%arg9 : memref<!tpu.dma_semaphore, #tpu.memory_space<semaphore_mem>>)
    %dma_wait3A_193 = arith.constant 3 : i32
    %dma_wait3A_194 = arith.constant 0 : i32
    %dma_wait3A_195 = arith.constant 0 : i32
    %dma_wait3A_196 = arith.constant 0 : i32
    %dma_wait3A_197 = tpu.memref_slice %arg6[%dma_wait3A_194, %dma_wait3A_195, %dma_wait3A_196] : memref<3x16x2048xf32, #tpu.memory_space<vmem>> -> memref<1x16x2048xf32, #tpu.memory_space<vmem>>
    %dma_wait3A_198 = tpu.memref_squeeze %dma_wait3A_197 : memref<1x16x2048xf32, #tpu.memory_space<vmem>> -> memref<16x2048xf32, #tpu.memory_space<vmem>>
    %dma_wait3A_199 = arith.constant 0 : i32
    %dma_wait3A_200 = tpu.memref_slice %arg5[%dma_wait3A_193, %dma_wait3A_199] : memref<8x16xi32, #tpu.memory_space<vmem>> -> memref<1x16xi32, #tpu.memory_space<vmem>>
    %dma_wait3A_201 = tpu.memref_squeeze %dma_wait3A_200 : memref<1x16xi32, #tpu.memory_space<vmem>> -> memref<16xi32, #tpu.memory_space<vmem>>
    %dma_wait3A_202 = arith.constant 0 : i32
    %dma_wait3A_203 = arith.constant 0 : i32
    %dma_wait3A_204 = tpu.memref_slice %arg3[%dma_wait3A_202, %dma_wait3A_203] : memref<32768x2048xf32, #tpu.memory_space<hbm>> -> memref<32768x2048xf32, #tpu.memory_space<hbm>>
    tpu.wait_indirect_dma semaphore(%arg7 : memref<!tpu.dma_semaphore, #tpu.memory_space<semaphore_mem>>) src(%dma_wait3A_204 : memref<32768x2048xf32, #tpu.memory_space<hbm>>) dst(%dma_wait3A_198 : memref<16x2048xf32, #tpu.memory_space<vmem>>)
    %add3A_205 = arith.constant 48 : i32
    %add3A_206 = arith.addi %mul3A_2, %add3A_205 : i32
    %dma_start3A_207 = arith.constant 0 : i32
    %dma_start3A_208 = arith.constant 0 : i32
    %dma_start3A_209 = arith.constant 0 : i32
    %dma_start3A_210 = tpu.memref_slice %arg6[%dma_start3A_207, %dma_start3A_208, %dma_start3A_209] : memref<3x16x2048xf32, #tpu.memory_space<vmem>> -> memref<1x16x2048xf32, #tpu.memory_space<vmem>>
    %dma_start3A_211 = tpu.memref_squeeze %dma_start3A_210 : memref<1x16x2048xf32, #tpu.memory_space<vmem>> -> memref<16x2048xf32, #tpu.memory_space<vmem>>
    %dma_start3A_212 = arith.constant 0 : i32
    %dma_start3A_213 = tpu.memref_slice %arg4[%add3A_206, %dma_start3A_212] : memref<4096x2048xf32, #tpu.memory_space<hbm>> -> memref<16x2048xf32, #tpu.memory_space<hbm>>
    %dma_start3A_214 = arith.constant 0 : i32
    %dma_start3A_215 = tpu.memref_slice %arg4[%add3A_206, %dma_start3A_214] : memref<4096x2048xf32, #tpu.memory_space<hbm>> -> memref<16x2048xf32, #tpu.memory_space<hbm>>
    %dma_start3A_216 = arith.constant 0 : i32
    %dma_start3A_217 = arith.constant 0 : i32
    %dma_start3A_218 = tpu.memref_slice %arg6[%dma_start3A_207, %dma_start3A_216, %dma_start3A_217] : memref<3x16x2048xf32, #tpu.memory_space<vmem>> -> memref<1x16x2048xf32, #tpu.memory_space<vmem>>
    %dma_start3A_219 = tpu.memref_squeeze %dma_start3A_218 : memref<1x16x2048xf32, #tpu.memory_space<vmem>> -> memref<16x2048xf32, #tpu.memory_space<vmem>>
    tpu.enqueue_dma source(%dma_start3A_219 : memref<16x2048xf32, #tpu.memory_space<vmem>>) target(%dma_start3A_215 : memref<16x2048xf32, #tpu.memory_space<hbm>>) target_semaphore(%arg10 : memref<!tpu.dma_semaphore, #tpu.memory_space<semaphore_mem>>)
    %dma_wait3A_220 = arith.constant 0 : i32
    %dma_wait3A_221 = arith.constant 0 : i32
    %dma_wait3A_222 = arith.constant 0 : i32
    %dma_wait3A_223 = tpu.memref_slice %arg6[%dma_wait3A_220, %dma_wait3A_221, %dma_wait3A_222] : memref<3x16x2048xf32, #tpu.memory_space<vmem>> -> memref<1x16x2048xf32, #tpu.memory_space<vmem>>
    %dma_wait3A_224 = tpu.memref_squeeze %dma_wait3A_223 : memref<1x16x2048xf32, #tpu.memory_space<vmem>> -> memref<16x2048xf32, #tpu.memory_space<vmem>>
    %dma_wait3A_225 = arith.constant 0 : i32
    %dma_wait3A_226 = tpu.memref_slice %arg4[%add3A_206, %dma_wait3A_225] : memref<4096x2048xf32, #tpu.memory_space<hbm>> -> memref<16x2048xf32, #tpu.memory_space<hbm>>
    %dma_wait3A_227 = arith.constant 0 : i32
    %dma_wait3A_228 = tpu.memref_slice %arg4[%add3A_206, %dma_wait3A_227] : memref<4096x2048xf32, #tpu.memory_space<hbm>> -> memref<16x2048xf32, #tpu.memory_space<hbm>>
    %dma_wait3A_229 = arith.constant 0 : i32
    %dma_wait3A_230 = arith.constant 0 : i32
    %dma_wait3A_231 = tpu.memref_slice %arg6[%dma_wait3A_220, %dma_wait3A_229, %dma_wait3A_230] : memref<3x16x2048xf32, #tpu.memory_space<vmem>> -> memref<1x16x2048xf32, #tpu.memory_space<vmem>>
    %dma_wait3A_232 = tpu.memref_squeeze %dma_wait3A_231 : memref<1x16x2048xf32, #tpu.memory_space<vmem>> -> memref<16x2048xf32, #tpu.memory_space<vmem>>
    tpu.wait_dma2 semaphore(%arg10 : memref<!tpu.dma_semaphore, #tpu.memory_space<semaphore_mem>>) src(%dma_wait3A_232 : memref<16x2048xf32, #tpu.memory_space<vmem>>) dst(%dma_wait3A_228 : memref<16x2048xf32, #tpu.memory_space<hbm>>)
    %dma_start3A_233 = arith.constant 6 : i32
    %dma_start3A_234 = arith.constant 0 : i32
    %dma_start3A_235 = arith.constant 0 : i32
    %dma_start3A_236 = arith.constant 0 : i32
    %dma_start3A_237 = tpu.memref_slice %arg6[%dma_start3A_234, %dma_start3A_235, %dma_start3A_236] : memref<3x16x2048xf32, #tpu.memory_space<vmem>> -> memref<1x16x2048xf32, #tpu.memory_space<vmem>>
    %dma_start3A_238 = tpu.memref_squeeze %dma_start3A_237 : memref<1x16x2048xf32, #tpu.memory_space<vmem>> -> memref<16x2048xf32, #tpu.memory_space<vmem>>
    %dma_start3A_239 = arith.constant 0 : i32
    %dma_start3A_240 = tpu.memref_slice %arg5[%dma_start3A_233, %dma_start3A_239] : memref<8x16xi32, #tpu.memory_space<vmem>> -> memref<1x16xi32, #tpu.memory_space<vmem>>
    %dma_start3A_241 = tpu.memref_squeeze %dma_start3A_240 : memref<1x16xi32, #tpu.memory_space<vmem>> -> memref<16xi32, #tpu.memory_space<vmem>>
    %dma_start3A_242 = arith.constant 0 : i32
    %dma_start3A_243 = arith.constant 0 : i32
    %dma_start3A_244 = tpu.memref_slice %arg3[%dma_start3A_242, %dma_start3A_243] : memref<32768x2048xf32, #tpu.memory_space<hbm>> -> memref<32768x2048xf32, #tpu.memory_space<hbm>>
    tpu.enqueue_indirect_dma source(%dma_start3A_244 : memref<32768x2048xf32, #tpu.memory_space<hbm>>) target(%dma_start3A_238 : memref<16x2048xf32, #tpu.memory_space<vmem>>) offsets(%dma_start3A_241 : memref<16xi32, #tpu.memory_space<vmem>>) semaphore(%arg7 : memref<!tpu.dma_semaphore, #tpu.memory_space<semaphore_mem>>)
    %dma_wait3A_245 = arith.constant 4 : i32
    %dma_wait3A_246 = arith.constant 1 : i32
    %dma_wait3A_247 = arith.constant 0 : i32
    %dma_wait3A_248 = arith.constant 0 : i32
    %dma_wait3A_249 = tpu.memref_slice %arg6[%dma_wait3A_246, %dma_wait3A_247, %dma_wait3A_248] : memref<3x16x2048xf32, #tpu.memory_space<vmem>> -> memref<1x16x2048xf32, #tpu.memory_space<vmem>>
    %dma_wait3A_250 = tpu.memref_squeeze %dma_wait3A_249 : memref<1x16x2048xf32, #tpu.memory_space<vmem>> -> memref<16x2048xf32, #tpu.memory_space<vmem>>
    %dma_wait3A_251 = arith.constant 0 : i32
    %dma_wait3A_252 = tpu.memref_slice %arg5[%dma_wait3A_245, %dma_wait3A_251] : memref<8x16xi32, #tpu.memory_space<vmem>> -> memref<1x16xi32, #tpu.memory_space<vmem>>
    %dma_wait3A_253 = tpu.memref_squeeze %dma_wait3A_252 : memref<1x16xi32, #tpu.memory_space<vmem>> -> memref<16xi32, #tpu.memory_space<vmem>>
    %dma_wait3A_254 = arith.constant 0 : i32
    %dma_wait3A_255 = arith.constant 0 : i32
    %dma_wait3A_256 = tpu.memref_slice %arg3[%dma_wait3A_254, %dma_wait3A_255] : memref<32768x2048xf32, #tpu.memory_space<hbm>> -> memref<32768x2048xf32, #tpu.memory_space<hbm>>
    tpu.wait_indirect_dma semaphore(%arg8 : memref<!tpu.dma_semaphore, #tpu.memory_space<semaphore_mem>>) src(%dma_wait3A_256 : memref<32768x2048xf32, #tpu.memory_space<hbm>>) dst(%dma_wait3A_250 : memref<16x2048xf32, #tpu.memory_space<vmem>>)
    %add3A_257 = arith.constant 64 : i32
    %add3A_258 = arith.addi %mul3A_2, %add3A_257 : i32
    %dma_start3A_259 = arith.constant 1 : i32
    %dma_start3A_260 = arith.constant 0 : i32
    %dma_start3A_261 = arith.constant 0 : i32
    %dma_start3A_262 = tpu.memref_slice %arg6[%dma_start3A_259, %dma_start3A_260, %dma_start3A_261] : memref<3x16x2048xf32, #tpu.memory_space<vmem>> -> memref<1x16x2048xf32, #tpu.memory_space<vmem>>
    %dma_start3A_263 = tpu.memref_squeeze %dma_start3A_262 : memref<1x16x2048xf32, #tpu.memory_space<vmem>> -> memref<16x2048xf32, #tpu.memory_space<vmem>>
    %dma_start3A_264 = arith.constant 0 : i32
    %dma_start3A_265 = tpu.memref_slice %arg4[%add3A_258, %dma_start3A_264] : memref<4096x2048xf32, #tpu.memory_space<hbm>> -> memref<16x2048xf32, #tpu.memory_space<hbm>>
    %dma_start3A_266 = arith.constant 0 : i32
    %dma_start3A_267 = tpu.memref_slice %arg4[%add3A_258, %dma_start3A_266] : memref<4096x2048xf32, #tpu.memory_space<hbm>> -> memref<16x2048xf32, #tpu.memory_space<hbm>>
    %dma_start3A_268 = arith.constant 0 : i32
    %dma_start3A_269 = arith.constant 0 : i32
    %dma_start3A_270 = tpu.memref_slice %arg6[%dma_start3A_259, %dma_start3A_268, %dma_start3A_269] : memref<3x16x2048xf32, #tpu.memory_space<vmem>> -> memref<1x16x2048xf32, #tpu.memory_space<vmem>>
    %dma_start3A_271 = tpu.memref_squeeze %dma_start3A_270 : memref<1x16x2048xf32, #tpu.memory_space<vmem>> -> memref<16x2048xf32, #tpu.memory_space<vmem>>
    tpu.enqueue_dma source(%dma_start3A_271 : memref<16x2048xf32, #tpu.memory_space<vmem>>) target(%dma_start3A_267 : memref<16x2048xf32, #tpu.memory_space<hbm>>) target_semaphore(%arg11 : memref<!tpu.dma_semaphore, #tpu.memory_space<semaphore_mem>>)
    %dma_wait3A_272 = arith.constant 1 : i32
    %dma_wait3A_273 = arith.constant 0 : i32
    %dma_wait3A_274 = arith.constant 0 : i32
    %dma_wait3A_275 = tpu.memref_slice %arg6[%dma_wait3A_272, %dma_wait3A_273, %dma_wait3A_274] : memref<3x16x2048xf32, #tpu.memory_space<vmem>> -> memref<1x16x2048xf32, #tpu.memory_space<vmem>>
    %dma_wait3A_276 = tpu.memref_squeeze %dma_wait3A_275 : memref<1x16x2048xf32, #tpu.memory_space<vmem>> -> memref<16x2048xf32, #tpu.memory_space<vmem>>
    %dma_wait3A_277 = arith.constant 0 : i32
    %dma_wait3A_278 = tpu.memref_slice %arg4[%add3A_258, %dma_wait3A_277] : memref<4096x2048xf32, #tpu.memory_space<hbm>> -> memref<16x2048xf32, #tpu.memory_space<hbm>>
    %dma_wait3A_279 = arith.constant 0 : i32
    %dma_wait3A_280 = tpu.memref_slice %arg4[%add3A_258, %dma_wait3A_279] : memref<4096x2048xf32, #tpu.memory_space<hbm>> -> memref<16x2048xf32, #tpu.memory_space<hbm>>
    %dma_wait3A_281 = arith.constant 0 : i32
    %dma_wait3A_282 = arith.constant 0 : i32
    %dma_wait3A_283 = tpu.memref_slice %arg6[%dma_wait3A_272, %dma_wait3A_281, %dma_wait3A_282] : memref<3x16x2048xf32, #tpu.memory_space<vmem>> -> memref<1x16x2048xf32, #tpu.memory_space<vmem>>
    %dma_wait3A_284 = tpu.memref_squeeze %dma_wait3A_283 : memref<1x16x2048xf32, #tpu.memory_space<vmem>> -> memref<16x2048xf32, #tpu.memory_space<vmem>>
    tpu.wait_dma2 semaphore(%arg11 : memref<!tpu.dma_semaphore, #tpu.memory_space<semaphore_mem>>) src(%dma_wait3A_284 : memref<16x2048xf32, #tpu.memory_space<vmem>>) dst(%dma_wait3A_280 : memref<16x2048xf32, #tpu.memory_space<hbm>>)
    %dma_start3A_285 = arith.constant 7 : i32
    %dma_start3A_286 = arith.constant 1 : i32
    %dma_start3A_287 = arith.constant 0 : i32
    %dma_start3A_288 = arith.constant 0 : i32
    %dma_start3A_289 = tpu.memref_slice %arg6[%dma_start3A_286, %dma_start3A_287, %dma_start3A_288] : memref<3x16x2048xf32, #tpu.memory_space<vmem>> -> memref<1x16x2048xf32, #tpu.memory_space<vmem>>
    %dma_start3A_290 = tpu.memref_squeeze %dma_start3A_289 : memref<1x16x2048xf32, #tpu.memory_space<vmem>> -> memref<16x2048xf32, #tpu.memory_space<vmem>>
    %dma_start3A_291 = arith.constant 0 : i32
    %dma_start3A_292 = tpu.memref_slice %arg5[%dma_start3A_285, %dma_start3A_291] : memref<8x16xi32, #tpu.memory_space<vmem>> -> memref<1x16xi32, #tpu.memory_space<vmem>>
    %dma_start3A_293 = tpu.memref_squeeze %dma_start3A_292 : memref<1x16xi32, #tpu.memory_space<vmem>> -> memref<16xi32, #tpu.memory_space<vmem>>
    %dma_start3A_294 = arith.constant 0 : i32
    %dma_start3A_295 = arith.constant 0 : i32
    %dma_start3A_296 = tpu.memref_slice %arg3[%dma_start3A_294, %dma_start3A_295] : memref<32768x2048xf32, #tpu.memory_space<hbm>> -> memref<32768x2048xf32, #tpu.memory_space<hbm>>
    tpu.enqueue_indirect_dma source(%dma_start3A_296 : memref<32768x2048xf32, #tpu.memory_space<hbm>>) target(%dma_start3A_290 : memref<16x2048xf32, #tpu.memory_space<vmem>>) offsets(%dma_start3A_293 : memref<16xi32, #tpu.memory_space<vmem>>) semaphore(%arg8 : memref<!tpu.dma_semaphore, #tpu.memory_space<semaphore_mem>>)
    %dma_wait3A_297 = arith.constant 5 : i32
    %dma_wait3A_298 = arith.constant 2 : i32
    %dma_wait3A_299 = arith.constant 0 : i32
    %dma_wait3A_300 = arith.constant 0 : i32
    %dma_wait3A_301 = tpu.memref_slice %arg6[%dma_wait3A_298, %dma_wait3A_299, %dma_wait3A_300] : memref<3x16x2048xf32, #tpu.memory_space<vmem>> -> memref<1x16x2048xf32, #tpu.memory_space<vmem>>
    %dma_wait3A_302 = tpu.memref_squeeze %dma_wait3A_301 : memref<1x16x2048xf32, #tpu.memory_space<vmem>> -> memref<16x2048xf32, #tpu.memory_space<vmem>>
    %dma_wait3A_303 = arith.constant 0 : i32
    %dma_wait3A_304 = tpu.memref_slice %arg5[%dma_wait3A_297, %dma_wait3A_303] : memref<8x16xi32, #tpu.memory_space<vmem>> -> memref<1x16xi32, #tpu.memory_space<vmem>>
    %dma_wait3A_305 = tpu.memref_squeeze %dma_wait3A_304 : memref<1x16xi32, #tpu.memory_space<vmem>> -> memref<16xi32, #tpu.memory_space<vmem>>
    %dma_wait3A_306 = arith.constant 0 : i32
    %dma_wait3A_307 = arith.constant 0 : i32
    %dma_wait3A_308 = tpu.memref_slice %arg3[%dma_wait3A_306, %dma_wait3A_307] : memref<32768x2048xf32, #tpu.memory_space<hbm>> -> memref<32768x2048xf32, #tpu.memory_space<hbm>>
    tpu.wait_indirect_dma semaphore(%arg9 : memref<!tpu.dma_semaphore, #tpu.memory_space<semaphore_mem>>) src(%dma_wait3A_308 : memref<32768x2048xf32, #tpu.memory_space<hbm>>) dst(%dma_wait3A_302 : memref<16x2048xf32, #tpu.memory_space<vmem>>)
    %add3A_309 = arith.constant 80 : i32
    %add3A_310 = arith.addi %mul3A_2, %add3A_309 : i32
    %dma_start3A_311 = arith.constant 2 : i32
    %dma_start3A_312 = arith.constant 0 : i32
    %dma_start3A_313 = arith.constant 0 : i32
    %dma_start3A_314 = tpu.memref_slice %arg6[%dma_start3A_311, %dma_start3A_312, %dma_start3A_313] : memref<3x16x2048xf32, #tpu.memory_space<vmem>> -> memref<1x16x2048xf32, #tpu.memory_space<vmem>>
    %dma_start3A_315 = tpu.memref_squeeze %dma_start3A_314 : memref<1x16x2048xf32, #tpu.memory_space<vmem>> -> memref<16x2048xf32, #tpu.memory_space<vmem>>
    %dma_start3A_316 = arith.constant 0 : i32
    %dma_start3A_317 = tpu.memref_slice %arg4[%add3A_310, %dma_start3A_316] : memref<4096x2048xf32, #tpu.memory_space<hbm>> -> memref<16x2048xf32, #tpu.memory_space<hbm>>
    %dma_start3A_318 = arith.constant 0 : i32
    %dma_start3A_319 = tpu.memref_slice %arg4[%add3A_310, %dma_start3A_318] : memref<4096x2048xf32, #tpu.memory_space<hbm>> -> memref<16x2048xf32, #tpu.memory_space<hbm>>
    %dma_start3A_320 = arith.constant 0 : i32
    %dma_start3A_321 = arith.constant 0 : i32
    %dma_start3A_322 = tpu.memref_slice %arg6[%dma_start3A_311, %dma_start3A_320, %dma_start3A_321] : memref<3x16x2048xf32, #tpu.memory_space<vmem>> -> memref<1x16x2048xf32, #tpu.memory_space<vmem>>
    %dma_start3A_323 = tpu.memref_squeeze %dma_start3A_322 : memref<1x16x2048xf32, #tpu.memory_space<vmem>> -> memref<16x2048xf32, #tpu.memory_space<vmem>>
    tpu.enqueue_dma source(%dma_start3A_323 : memref<16x2048xf32, #tpu.memory_space<vmem>>) target(%dma_start3A_319 : memref<16x2048xf32, #tpu.memory_space<hbm>>) target_semaphore(%arg12 : memref<!tpu.dma_semaphore, #tpu.memory_space<semaphore_mem>>)
    %dma_wait3A_324 = arith.constant 6 : i32
    %dma_wait3A_325 = arith.constant 0 : i32
    %dma_wait3A_326 = arith.constant 0 : i32
    %dma_wait3A_327 = arith.constant 0 : i32
    %dma_wait3A_328 = tpu.memref_slice %arg6[%dma_wait3A_325, %dma_wait3A_326, %dma_wait3A_327] : memref<3x16x2048xf32, #tpu.memory_space<vmem>> -> memref<1x16x2048xf32, #tpu.memory_space<vmem>>
    %dma_wait3A_329 = tpu.memref_squeeze %dma_wait3A_328 : memref<1x16x2048xf32, #tpu.memory_space<vmem>> -> memref<16x2048xf32, #tpu.memory_space<vmem>>
    %dma_wait3A_330 = arith.constant 0 : i32
    %dma_wait3A_331 = tpu.memref_slice %arg5[%dma_wait3A_324, %dma_wait3A_330] : memref<8x16xi32, #tpu.memory_space<vmem>> -> memref<1x16xi32, #tpu.memory_space<vmem>>
    %dma_wait3A_332 = tpu.memref_squeeze %dma_wait3A_331 : memref<1x16xi32, #tpu.memory_space<vmem>> -> memref<16xi32, #tpu.memory_space<vmem>>
    %dma_wait3A_333 = arith.constant 0 : i32
    %dma_wait3A_334 = arith.constant 0 : i32
    %dma_wait3A_335 = tpu.memref_slice %arg3[%dma_wait3A_333, %dma_wait3A_334] : memref<32768x2048xf32, #tpu.memory_space<hbm>> -> memref<32768x2048xf32, #tpu.memory_space<hbm>>
    tpu.wait_indirect_dma semaphore(%arg7 : memref<!tpu.dma_semaphore, #tpu.memory_space<semaphore_mem>>) src(%dma_wait3A_335 : memref<32768x2048xf32, #tpu.memory_space<hbm>>) dst(%dma_wait3A_329 : memref<16x2048xf32, #tpu.memory_space<vmem>>)
    %add3A_336 = arith.constant 96 : i32
    %add3A_337 = arith.addi %mul3A_2, %add3A_336 : i32
    %dma_start3A_338 = arith.constant 0 : i32
    %dma_start3A_339 = arith.constant 0 : i32
    %dma_start3A_340 = arith.constant 0 : i32
    %dma_start3A_341 = tpu.memref_slice %arg6[%dma_start3A_338, %dma_start3A_339, %dma_start3A_340] : memref<3x16x2048xf32, #tpu.memory_space<vmem>> -> memref<1x16x2048xf32, #tpu.memory_space<vmem>>
    %dma_start3A_342 = tpu.memref_squeeze %dma_start3A_341 : memref<1x16x2048xf32, #tpu.memory_space<vmem>> -> memref<16x2048xf32, #tpu.memory_space<vmem>>
    %dma_start3A_343 = arith.constant 0 : i32
    %dma_start3A_344 = tpu.memref_slice %arg4[%add3A_337, %dma_start3A_343] : memref<4096x2048xf32, #tpu.memory_space<hbm>> -> memref<16x2048xf32, #tpu.memory_space<hbm>>
    %dma_start3A_345 = arith.constant 0 : i32
    %dma_start3A_346 = tpu.memref_slice %arg4[%add3A_337, %dma_start3A_345] : memref<4096x2048xf32, #tpu.memory_space<hbm>> -> memref<16x2048xf32, #tpu.memory_space<hbm>>
    %dma_start3A_347 = arith.constant 0 : i32
    %dma_start3A_348 = arith.constant 0 : i32
    %dma_start3A_349 = tpu.memref_slice %arg6[%dma_start3A_338, %dma_start3A_347, %dma_start3A_348] : memref<3x16x2048xf32, #tpu.memory_space<vmem>> -> memref<1x16x2048xf32, #tpu.memory_space<vmem>>
    %dma_start3A_350 = tpu.memref_squeeze %dma_start3A_349 : memref<1x16x2048xf32, #tpu.memory_space<vmem>> -> memref<16x2048xf32, #tpu.memory_space<vmem>>
    tpu.enqueue_dma source(%dma_start3A_350 : memref<16x2048xf32, #tpu.memory_space<vmem>>) target(%dma_start3A_346 : memref<16x2048xf32, #tpu.memory_space<hbm>>) target_semaphore(%arg10 : memref<!tpu.dma_semaphore, #tpu.memory_space<semaphore_mem>>)
    %dma_wait3A_351 = arith.constant 7 : i32
    %dma_wait3A_352 = arith.constant 1 : i32
    %dma_wait3A_353 = arith.constant 0 : i32
    %dma_wait3A_354 = arith.constant 0 : i32
    %dma_wait3A_355 = tpu.memref_slice %arg6[%dma_wait3A_352, %dma_wait3A_353, %dma_wait3A_354] : memref<3x16x2048xf32, #tpu.memory_space<vmem>> -> memref<1x16x2048xf32, #tpu.memory_space<vmem>>
    %dma_wait3A_356 = tpu.memref_squeeze %dma_wait3A_355 : memref<1x16x2048xf32, #tpu.memory_space<vmem>> -> memref<16x2048xf32, #tpu.memory_space<vmem>>
    %dma_wait3A_357 = arith.constant 0 : i32
    %dma_wait3A_358 = tpu.memref_slice %arg5[%dma_wait3A_351, %dma_wait3A_357] : memref<8x16xi32, #tpu.memory_space<vmem>> -> memref<1x16xi32, #tpu.memory_space<vmem>>
    %dma_wait3A_359 = tpu.memref_squeeze %dma_wait3A_358 : memref<1x16xi32, #tpu.memory_space<vmem>> -> memref<16xi32, #tpu.memory_space<vmem>>
    %dma_wait3A_360 = arith.constant 0 : i32
    %dma_wait3A_361 = arith.constant 0 : i32
    %dma_wait3A_362 = tpu.memref_slice %arg3[%dma_wait3A_360, %dma_wait3A_361] : memref<32768x2048xf32, #tpu.memory_space<hbm>> -> memref<32768x2048xf32, #tpu.memory_space<hbm>>
    tpu.wait_indirect_dma semaphore(%arg8 : memref<!tpu.dma_semaphore, #tpu.memory_space<semaphore_mem>>) src(%dma_wait3A_362 : memref<32768x2048xf32, #tpu.memory_space<hbm>>) dst(%dma_wait3A_356 : memref<16x2048xf32, #tpu.memory_space<vmem>>)
    %add3A_363 = arith.constant 112 : i32
    %add3A_364 = arith.addi %mul3A_2, %add3A_363 : i32
    %dma_start3A_365 = arith.constant 1 : i32
    %dma_start3A_366 = arith.constant 0 : i32
    %dma_start3A_367 = arith.constant 0 : i32
    %dma_start3A_368 = tpu.memref_slice %arg6[%dma_start3A_365, %dma_start3A_366, %dma_start3A_367] : memref<3x16x2048xf32, #tpu.memory_space<vmem>> -> memref<1x16x2048xf32, #tpu.memory_space<vmem>>
    %dma_start3A_369 = tpu.memref_squeeze %dma_start3A_368 : memref<1x16x2048xf32, #tpu.memory_space<vmem>> -> memref<16x2048xf32, #tpu.memory_space<vmem>>
    %dma_start3A_370 = arith.constant 0 : i32
    %dma_start3A_371 = tpu.memref_slice %arg4[%add3A_364, %dma_start3A_370] : memref<4096x2048xf32, #tpu.memory_space<hbm>> -> memref<16x2048xf32, #tpu.memory_space<hbm>>
    %dma_start3A_372 = arith.constant 0 : i32
    %dma_start3A_373 = tpu.memref_slice %arg4[%add3A_364, %dma_start3A_372] : memref<4096x2048xf32, #tpu.memory_space<hbm>> -> memref<16x2048xf32, #tpu.memory_space<hbm>>
    %dma_start3A_374 = arith.constant 0 : i32
    %dma_start3A_375 = arith.constant 0 : i32
    %dma_start3A_376 = tpu.memref_slice %arg6[%dma_start3A_365, %dma_start3A_374, %dma_start3A_375] : memref<3x16x2048xf32, #tpu.memory_space<vmem>> -> memref<1x16x2048xf32, #tpu.memory_space<vmem>>
    %dma_start3A_377 = tpu.memref_squeeze %dma_start3A_376 : memref<1x16x2048xf32, #tpu.memory_space<vmem>> -> memref<16x2048xf32, #tpu.memory_space<vmem>>
    tpu.enqueue_dma source(%dma_start3A_377 : memref<16x2048xf32, #tpu.memory_space<vmem>>) target(%dma_start3A_373 : memref<16x2048xf32, #tpu.memory_space<hbm>>) target_semaphore(%arg11 : memref<!tpu.dma_semaphore, #tpu.memory_space<semaphore_mem>>)
    %dma_wait3A_378 = arith.constant 2 : i32
    %dma_wait3A_379 = arith.constant 0 : i32
    %dma_wait3A_380 = arith.constant 0 : i32
    %dma_wait3A_381 = tpu.memref_slice %arg6[%dma_wait3A_378, %dma_wait3A_379, %dma_wait3A_380] : memref<3x16x2048xf32, #tpu.memory_space<vmem>> -> memref<1x16x2048xf32, #tpu.memory_space<vmem>>
    %dma_wait3A_382 = tpu.memref_squeeze %dma_wait3A_381 : memref<1x16x2048xf32, #tpu.memory_space<vmem>> -> memref<16x2048xf32, #tpu.memory_space<vmem>>
    %dma_wait3A_383 = arith.constant 0 : i32
    %dma_wait3A_384 = tpu.memref_slice %arg4[%add3A_310, %dma_wait3A_383] : memref<4096x2048xf32, #tpu.memory_space<hbm>> -> memref<16x2048xf32, #tpu.memory_space<hbm>>
    %dma_wait3A_385 = arith.constant 0 : i32
    %dma_wait3A_386 = tpu.memref_slice %arg4[%add3A_310, %dma_wait3A_385] : memref<4096x2048xf32, #tpu.memory_space<hbm>> -> memref<16x2048xf32, #tpu.memory_space<hbm>>
    %dma_wait3A_387 = arith.constant 0 : i32
    %dma_wait3A_388 = arith.constant 0 : i32
    %dma_wait3A_389 = tpu.memref_slice %arg6[%dma_wait3A_378, %dma_wait3A_387, %dma_wait3A_388] : memref<3x16x2048xf32, #tpu.memory_space<vmem>> -> memref<1x16x2048xf32, #tpu.memory_space<vmem>>
    %dma_wait3A_390 = tpu.memref_squeeze %dma_wait3A_389 : memref<1x16x2048xf32, #tpu.memory_space<vmem>> -> memref<16x2048xf32, #tpu.memory_space<vmem>>
    tpu.wait_dma2 semaphore(%arg12 : memref<!tpu.dma_semaphore, #tpu.memory_space<semaphore_mem>>) src(%dma_wait3A_390 : memref<16x2048xf32, #tpu.memory_space<vmem>>) dst(%dma_wait3A_386 : memref<16x2048xf32, #tpu.memory_space<hbm>>)
    %dma_wait3A_391 = arith.constant 0 : i32
    %dma_wait3A_392 = arith.constant 0 : i32
    %dma_wait3A_393 = arith.constant 0 : i32
    %dma_wait3A_394 = tpu.memref_slice %arg6[%dma_wait3A_391, %dma_wait3A_392, %dma_wait3A_393] : memref<3x16x2048xf32, #tpu.memory_space<vmem>> -> memref<1x16x2048xf32, #tpu.memory_space<vmem>>
    %dma_wait3A_395 = tpu.memref_squeeze %dma_wait3A_394 : memref<1x16x2048xf32, #tpu.memory_space<vmem>> -> memref<16x2048xf32, #tpu.memory_space<vmem>>
    %dma_wait3A_396 = arith.constant 0 : i32
    %dma_wait3A_397 = tpu.memref_slice %arg4[%add3A_337, %dma_wait3A_396] : memref<4096x2048xf32, #tpu.memory_space<hbm>> -> memref<16x2048xf32, #tpu.memory_space<hbm>>
    %dma_wait3A_398 = arith.constant 0 : i32
    %dma_wait3A_399 = tpu.memref_slice %arg4[%add3A_337, %dma_wait3A_398] : memref<4096x2048xf32, #tpu.memory_space<hbm>> -> memref<16x2048xf32, #tpu.memory_space<hbm>>
    %dma_wait3A_400 = arith.constant 0 : i32
    %dma_wait3A_401 = arith.constant 0 : i32
    %dma_wait3A_402 = tpu.memref_slice %arg6[%dma_wait3A_391, %dma_wait3A_400, %dma_wait3A_401] : memref<3x16x2048xf32, #tpu.memory_space<vmem>> -> memref<1x16x2048xf32, #tpu.memory_space<vmem>>
    %dma_wait3A_403 = tpu.memref_squeeze %dma_wait3A_402 : memref<1x16x2048xf32, #tpu.memory_space<vmem>> -> memref<16x2048xf32, #tpu.memory_space<vmem>>
    tpu.wait_dma2 semaphore(%arg10 : memref<!tpu.dma_semaphore, #tpu.memory_space<semaphore_mem>>) src(%dma_wait3A_403 : memref<16x2048xf32, #tpu.memory_space<vmem>>) dst(%dma_wait3A_399 : memref<16x2048xf32, #tpu.memory_space<hbm>>)
    %dma_wait3A_404 = arith.constant 1 : i32
    %dma_wait3A_405 = arith.constant 0 : i32
    %dma_wait3A_406 = arith.constant 0 : i32
    %dma_wait3A_407 = tpu.memref_slice %arg6[%dma_wait3A_404, %dma_wait3A_405, %dma_wait3A_406] : memref<3x16x2048xf32, #tpu.memory_space<vmem>> -> memref<1x16x2048xf32, #tpu.memory_space<vmem>>
    %dma_wait3A_408 = tpu.memref_squeeze %dma_wait3A_407 : memref<1x16x2048xf32, #tpu.memory_space<vmem>> -> memref<16x2048xf32, #tpu.memory_space<vmem>>
    %dma_wait3A_409 = arith.constant 0 : i32
    %dma_wait3A_410 = tpu.memref_slice %arg4[%add3A_364, %dma_wait3A_409] : memref<4096x2048xf32, #tpu.memory_space<hbm>> -> memref<16x2048xf32, #tpu.memory_space<hbm>>
    %dma_wait3A_411 = arith.constant 0 : i32
    %dma_wait3A_412 = tpu.memref_slice %arg4[%add3A_364, %dma_wait3A_411] : memref<4096x2048xf32, #tpu.memory_space<hbm>> -> memref<16x2048xf32, #tpu.memory_space<hbm>>
    %dma_wait3A_413 = arith.constant 0 : i32
    %dma_wait3A_414 = arith.constant 0 : i32
    %dma_wait3A_415 = tpu.memref_slice %arg6[%dma_wait3A_404, %dma_wait3A_413, %dma_wait3A_414] : memref<3x16x2048xf32, #tpu.memory_space<vmem>> -> memref<1x16x2048xf32, #tpu.memory_space<vmem>>
    %dma_wait3A_416 = tpu.memref_squeeze %dma_wait3A_415 : memref<1x16x2048xf32, #tpu.memory_space<vmem>> -> memref<16x2048xf32, #tpu.memory_space<vmem>>
    tpu.wait_dma2 semaphore(%arg11 : memref<!tpu.dma_semaphore, #tpu.memory_space<semaphore_mem>>) src(%dma_wait3A_416 : memref<16x2048xf32, #tpu.memory_space<vmem>>) dst(%dma_wait3A_412 : memref<16x2048xf32, #tpu.memory_space<hbm>>)
    return
  }
}

#map = affine_map<(d0, d1) -> (0, 0, 0)>
#map1 = affine_map<(d0, d1) -> (0, 0)>
module attributes {stable_mosaic.version = 14 : i64} {
  func.func @gather_k(%arg0: i32, %arg1: i32, %arg2: memref<32x8x16xi32, #tpu.memory_space<hbm>>, %arg3: memref<32768x2048xf32, #tpu.memory_space<hbm>>, %arg4: memref<4096x2048xf32, #tpu.memory_space<hbm>>, %arg5: memref<8x16xi32, #tpu.memory_space<vmem>>, %arg6: memref<3x16x2048xf32, #tpu.memory_space<vmem>>, %arg7: memref<!tpu.dma_semaphore, #tpu.memory_space<semaphore_mem>>, %arg8: memref<!tpu.dma_semaphore, #tpu.memory_space<semaphore_mem>>, %arg9: memref<!tpu.dma_semaphore, #tpu.memory_space<semaphore_mem>>, %arg10: memref<!tpu.dma_semaphore, #tpu.memory_space<semaphore_mem>>, %arg11: memref<!tpu.dma_semaphore, #tpu.memory_space<semaphore_mem>>, %arg12: memref<!tpu.dma_semaphore, #tpu.memory_space<semaphore_mem>>) attributes {dimension_semantics = [#tpu.dimension_semantics<core_parallel>, #tpu.dimension_semantics<subcore_parallel>], iteration_bounds = array<i64: 2, 16>, scalar_prefetch = 0 : i64, scratch_operands = 8 : i64, tpu.core_type = #tpu.core_type<sc_vector_subcore>, window_params = [{transform_indices = #map}, {transform_indices = #map1}, {transform_indices = #map1}]} {
    %mul3A = arith.constant 2 : i32
    %mul3A_0 = arith.muli %arg1, %mul3A : i32
    %add3A = arith.addi %mul3A_0, %arg0 : i32
    "tpu.region"() ({
      %run_scoped3A = tpu.sem_alloc : memref<!tpu.dma_semaphore, #tpu.memory_space<semaphore_mem>>
      %dma_start3A_417 = arith.constant 0 : i32
      %dma_start3A_418 = arith.constant 0 : i32
      %dma_start3A_419 = tpu.memref_slice %arg2[%add3A, %dma_start3A_417, %dma_start3A_418] : memref<32x8x16xi32, #tpu.memory_space<hbm>> -> memref<1x8x16xi32, #tpu.memory_space<hbm>>
      %dma_start3A_420 = tpu.memref_squeeze %dma_start3A_419 : memref<1x8x16xi32, #tpu.memory_space<hbm>> -> memref<8x16xi32, #tpu.memory_space<hbm>>
      %dma_start3A_421 = arith.constant 0 : i32
      %dma_start3A_422 = arith.constant 0 : i32
      %dma_start3A_423 = tpu.memref_slice %arg2[%add3A, %dma_start3A_421, %dma_start3A_422] : memref<32x8x16xi32, #tpu.memory_space<hbm>> -> memref<1x8x16xi32, #tpu.memory_space<hbm>>
      %dma_start3A_424 = tpu.memref_squeeze %dma_start3A_423 : memref<1x8x16xi32, #tpu.memory_space<hbm>> -> memref<8x16xi32, #tpu.memory_space<hbm>>
      tpu.enqueue_dma source(%dma_start3A_424 : memref<8x16xi32, #tpu.memory_space<hbm>>) target(%arg5 : memref<8x16xi32, #tpu.memory_space<vmem>>) target_semaphore(%run_scoped3A : memref<!tpu.dma_semaphore, #tpu.memory_space<semaphore_mem>>)
      %dma_wait3A_425 = arith.constant 0 : i32
      %dma_wait3A_426 = arith.constant 0 : i32
      %dma_wait3A_427 = tpu.memref_slice %arg2[%add3A, %dma_wait3A_425, %dma_wait3A_426] : memref<32x8x16xi32, #tpu.memory_space<hbm>> -> memref<1x8x16xi32, #tpu.memory_space<hbm>>
      %dma_wait3A_428 = tpu.memref_squeeze %dma_wait3A_427 : memref<1x8x16xi32, #tpu.memory_space<hbm>> -> memref<8x16xi32, #tpu.memory_space<hbm>>
      %dma_wait3A_429 = arith.constant 0 : i32
      %dma_wait3A_430 = arith.constant 0 : i32
      %dma_wait3A_431 = tpu.memref_slice %arg2[%add3A, %dma_wait3A_429, %dma_wait3A_430] : memref<32x8x16xi32, #tpu.memory_space<hbm>> -> memref<1x8x16xi32, #tpu.memory_space<hbm>>
      %dma_wait3A_432 = tpu.memref_squeeze %dma_wait3A_431 : memref<1x8x16xi32, #tpu.memory_space<hbm>> -> memref<8x16xi32, #tpu.memory_space<hbm>>
      tpu.wait_dma2 semaphore(%run_scoped3A : memref<!tpu.dma_semaphore, #tpu.memory_space<semaphore_mem>>) src(%dma_wait3A_432 : memref<8x16xi32, #tpu.memory_space<hbm>>) dst(%arg5 : memref<8x16xi32, #tpu.memory_space<vmem>>)
      tpu.yield
    }) : () -> ()
    %mul3A_1 = arith.constant 128 : i32
    %mul3A_2 = arith.muli %add3A, %mul3A_1 : i32
    %dma_start3A = arith.constant 0 : i32
    %dma_start3A_3 = arith.constant 0 : i32
    %dma_start3A_4 = arith.constant 0 : i32
    %dma_start3A_5 = arith.constant 0 : i32
    %dma_start3A_6 = tpu.memref_slice %arg6[%dma_start3A_3, %dma_start3A_4, %dma_start3A_5] : memref<3x16x2048xf32, #tpu.memory_space<vmem>> -> memref<1x16x2048xf32, #tpu.memory_space<vmem>>
    %dma_start3A_7 = tpu.memref_squeeze %dma_start3A_6 : memref<1x16x2048xf32, #tpu.memory_space<vmem>> -> memref<16x2048xf32, #tpu.memory_space<vmem>>
    %dma_start3A_8 = arith.constant 0 : i32
    %dma_start3A_9 = tpu.memref_slice %arg5[%dma_start3A, %dma_start3A_8] : memref<8x16xi32, #tpu.memory_space<vmem>> -> memref<1x16xi32, #tpu.memory_space<vmem>>
    %dma_start3A_10 = tpu.memref_squeeze %dma_start3A_9 : memref<1x16xi32, #tpu.memory_space<vmem>> -> memref<16xi32, #tpu.memory_space<vmem>>
    %dma_start3A_11 = arith.constant 0 : i32
    %dma_start3A_12 = arith.constant 0 : i32
    %dma_start3A_13 = tpu.memref_slice %arg3[%dma_start3A_11, %dma_start3A_12] : memref<32768x2048xf32, #tpu.memory_space<hbm>> -> memref<32768x2048xf32, #tpu.memory_space<hbm>>
    tpu.enqueue_indirect_dma source(%dma_start3A_13 : memref<32768x2048xf32, #tpu.memory_space<hbm>>) target(%dma_start3A_7 : memref<16x2048xf32, #tpu.memory_space<vmem>>) offsets(%dma_start3A_10 : memref<16xi32, #tpu.memory_space<vmem>>) semaphore(%arg7 : memref<!tpu.dma_semaphore, #tpu.memory_space<semaphore_mem>>)
    %dma_start3A_14 = arith.constant 1 : i32
    %dma_start3A_15 = arith.constant 1 : i32
    %dma_start3A_16 = arith.constant 0 : i32
    %dma_start3A_17 = arith.constant 0 : i32
    %dma_start3A_18 = tpu.memref_slice %arg6[%dma_start3A_15, %dma_start3A_16, %dma_start3A_17] : memref<3x16x2048xf32, #tpu.memory_space<vmem>> -> memref<1x16x2048xf32, #tpu.memory_space<vmem>>
    %dma_start3A_19 = tpu.memref_squeeze %dma_start3A_18 : memref<1x16x2048xf32, #tpu.memory_space<vmem>> -> memref<16x2048xf32, #tpu.memory_space<vmem>>
    %dma_start3A_20 = arith.constant 0 : i32
    %dma_start3A_21 = tpu.memref_slice %arg5[%dma_start3A_14, %dma_start3A_20] : memref<8x16xi32, #tpu.memory_space<vmem>> -> memref<1x16xi32, #tpu.memory_space<vmem>>
    %dma_start3A_22 = tpu.memref_squeeze %dma_start3A_21 : memref<1x16xi32, #tpu.memory_space<vmem>> -> memref<16xi32, #tpu.memory_space<vmem>>
    %dma_start3A_23 = arith.constant 0 : i32
    %dma_start3A_24 = arith.constant 0 : i32
    %dma_start3A_25 = tpu.memref_slice %arg3[%dma_start3A_23, %dma_start3A_24] : memref<32768x2048xf32, #tpu.memory_space<hbm>> -> memref<32768x2048xf32, #tpu.memory_space<hbm>>
    tpu.enqueue_indirect_dma source(%dma_start3A_25 : memref<32768x2048xf32, #tpu.memory_space<hbm>>) target(%dma_start3A_19 : memref<16x2048xf32, #tpu.memory_space<vmem>>) offsets(%dma_start3A_22 : memref<16xi32, #tpu.memory_space<vmem>>) semaphore(%arg8 : memref<!tpu.dma_semaphore, #tpu.memory_space<semaphore_mem>>)
    %dma_start3A_26 = arith.constant 2 : i32
    %dma_start3A_27 = arith.constant 2 : i32
    %dma_start3A_28 = arith.constant 0 : i32
    %dma_start3A_29 = arith.constant 0 : i32
    %dma_start3A_30 = tpu.memref_slice %arg6[%dma_start3A_27, %dma_start3A_28, %dma_start3A_29] : memref<3x16x2048xf32, #tpu.memory_space<vmem>> -> memref<1x16x2048xf32, #tpu.memory_space<vmem>>
    %dma_start3A_31 = tpu.memref_squeeze %dma_start3A_30 : memref<1x16x2048xf32, #tpu.memory_space<vmem>> -> memref<16x2048xf32, #tpu.memory_space<vmem>>
    %dma_start3A_32 = arith.constant 0 : i32
    %dma_start3A_33 = tpu.memref_slice %arg5[%dma_start3A_26, %dma_start3A_32] : memref<8x16xi32, #tpu.memory_space<vmem>> -> memref<1x16xi32, #tpu.memory_space<vmem>>
    %dma_start3A_34 = tpu.memref_squeeze %dma_start3A_33 : memref<1x16xi32, #tpu.memory_space<vmem>> -> memref<16xi32, #tpu.memory_space<vmem>>
    %dma_start3A_35 = arith.constant 0 : i32
    %dma_start3A_36 = arith.constant 0 : i32
    %dma_start3A_37 = tpu.memref_slice %arg3[%dma_start3A_35, %dma_start3A_36] : memref<32768x2048xf32, #tpu.memory_space<hbm>> -> memref<32768x2048xf32, #tpu.memory_space<hbm>>
    tpu.enqueue_indirect_dma source(%dma_start3A_37 : memref<32768x2048xf32, #tpu.memory_space<hbm>>) target(%dma_start3A_31 : memref<16x2048xf32, #tpu.memory_space<vmem>>) offsets(%dma_start3A_34 : memref<16xi32, #tpu.memory_space<vmem>>) semaphore(%arg9 : memref<!tpu.dma_semaphore, #tpu.memory_space<semaphore_mem>>)
    %dma_wait3A = arith.constant 0 : i32
    %dma_wait3A_38 = arith.constant 0 : i32
    %dma_wait3A_39 = arith.constant 0 : i32
    %dma_wait3A_40 = arith.constant 0 : i32
    %dma_wait3A_41 = tpu.memref_slice %arg6[%dma_wait3A_38, %dma_wait3A_39, %dma_wait3A_40] : memref<3x16x2048xf32, #tpu.memory_space<vmem>> -> memref<1x16x2048xf32, #tpu.memory_space<vmem>>
    %dma_wait3A_42 = tpu.memref_squeeze %dma_wait3A_41 : memref<1x16x2048xf32, #tpu.memory_space<vmem>> -> memref<16x2048xf32, #tpu.memory_space<vmem>>
    %dma_wait3A_43 = arith.constant 0 : i32
    %dma_wait3A_44 = tpu.memref_slice %arg5[%dma_wait3A, %dma_wait3A_43] : memref<8x16xi32, #tpu.memory_space<vmem>> -> memref<1x16xi32, #tpu.memory_space<vmem>>
    %dma_wait3A_45 = tpu.memref_squeeze %dma_wait3A_44 : memref<1x16xi32, #tpu.memory_space<vmem>> -> memref<16xi32, #tpu.memory_space<vmem>>
    %dma_wait3A_46 = arith.constant 0 : i32
    %dma_wait3A_47 = arith.constant 0 : i32
    %dma_wait3A_48 = tpu.memref_slice %arg3[%dma_wait3A_46, %dma_wait3A_47] : memref<32768x2048xf32, #tpu.memory_space<hbm>> -> memref<32768x2048xf32, #tpu.memory_space<hbm>>
    tpu.wait_indirect_dma semaphore(%arg7 : memref<!tpu.dma_semaphore, #tpu.memory_space<semaphore_mem>>) src(%dma_wait3A_48 : memref<32768x2048xf32, #tpu.memory_space<hbm>>) dst(%dma_wait3A_42 : memref<16x2048xf32, #tpu.memory_space<vmem>>)
    %add3A_49 = arith.constant 0 : i32
    %add3A_50 = arith.addi %mul3A_2, %add3A_49 : i32
    %dma_start3A_51 = arith.constant 0 : i32
    %dma_start3A_52 = arith.constant 0 : i32
    %dma_start3A_53 = arith.constant 0 : i32
    %dma_start3A_54 = tpu.memref_slice %arg6[%dma_start3A_51, %dma_start3A_52, %dma_start3A_53] : memref<3x16x2048xf32, #tpu.memory_space<vmem>> -> memref<1x16x2048xf32, #tpu.memory_space<vmem>>
    %dma_start3A_55 = tpu.memref_squeeze %dma_start3A_54 : memref<1x16x2048xf32, #tpu.memory_space<vmem>> -> memref<16x2048xf32, #tpu.memory_space<vmem>>
    %dma_start3A_56 = arith.constant 0 : i32
    %dma_start3A_57 = tpu.memref_slice %arg4[%add3A_50, %dma_start3A_56] : memref<4096x2048xf32, #tpu.memory_space<hbm>> -> memref<16x2048xf32, #tpu.memory_space<hbm>>
    %dma_start3A_58 = arith.constant 0 : i32
    %dma_start3A_59 = tpu.memref_slice %arg4[%add3A_50, %dma_start3A_58] : memref<4096x2048xf32, #tpu.memory_space<hbm>> -> memref<16x2048xf32, #tpu.memory_space<hbm>>
    %dma_start3A_60 = arith.constant 0 : i32
    %dma_start3A_61 = arith.constant 0 : i32
    %dma_start3A_62 = tpu.memref_slice %arg6[%dma_start3A_51, %dma_start3A_60, %dma_start3A_61] : memref<3x16x2048xf32, #tpu.memory_space<vmem>> -> memref<1x16x2048xf32, #tpu.memory_space<vmem>>
    %dma_start3A_63 = tpu.memref_squeeze %dma_start3A_62 : memref<1x16x2048xf32, #tpu.memory_space<vmem>> -> memref<16x2048xf32, #tpu.memory_space<vmem>>
    tpu.enqueue_dma source(%dma_start3A_63 : memref<16x2048xf32, #tpu.memory_space<vmem>>) target(%dma_start3A_59 : memref<16x2048xf32, #tpu.memory_space<hbm>>) target_semaphore(%arg10 : memref<!tpu.dma_semaphore, #tpu.memory_space<semaphore_mem>>)
    %dma_wait3A_64 = arith.constant 0 : i32
    %dma_wait3A_65 = arith.constant 0 : i32
    %dma_wait3A_66 = arith.constant 0 : i32
    %dma_wait3A_67 = tpu.memref_slice %arg6[%dma_wait3A_64, %dma_wait3A_65, %dma_wait3A_66] : memref<3x16x2048xf32, #tpu.memory_space<vmem>> -> memref<1x16x2048xf32, #tpu.memory_space<vmem>>
    %dma_wait3A_68 = tpu.memref_squeeze %dma_wait3A_67 : memref<1x16x2048xf32, #tpu.memory_space<vmem>> -> memref<16x2048xf32, #tpu.memory_space<vmem>>
    %dma_wait3A_69 = arith.constant 0 : i32
    %dma_wait3A_70 = tpu.memref_slice %arg4[%add3A_50, %dma_wait3A_69] : memref<4096x2048xf32, #tpu.memory_space<hbm>> -> memref<16x2048xf32, #tpu.memory_space<hbm>>
    %dma_wait3A_71 = arith.constant 0 : i32
    %dma_wait3A_72 = tpu.memref_slice %arg4[%add3A_50, %dma_wait3A_71] : memref<4096x2048xf32, #tpu.memory_space<hbm>> -> memref<16x2048xf32, #tpu.memory_space<hbm>>
    %dma_wait3A_73 = arith.constant 0 : i32
    %dma_wait3A_74 = arith.constant 0 : i32
    %dma_wait3A_75 = tpu.memref_slice %arg6[%dma_wait3A_64, %dma_wait3A_73, %dma_wait3A_74] : memref<3x16x2048xf32, #tpu.memory_space<vmem>> -> memref<1x16x2048xf32, #tpu.memory_space<vmem>>
    %dma_wait3A_76 = tpu.memref_squeeze %dma_wait3A_75 : memref<1x16x2048xf32, #tpu.memory_space<vmem>> -> memref<16x2048xf32, #tpu.memory_space<vmem>>
    tpu.wait_dma2 semaphore(%arg10 : memref<!tpu.dma_semaphore, #tpu.memory_space<semaphore_mem>>) src(%dma_wait3A_76 : memref<16x2048xf32, #tpu.memory_space<vmem>>) dst(%dma_wait3A_72 : memref<16x2048xf32, #tpu.memory_space<hbm>>)
    %dma_start3A_77 = arith.constant 3 : i32
    %dma_start3A_78 = arith.constant 0 : i32
    %dma_start3A_79 = arith.constant 0 : i32
    %dma_start3A_80 = arith.constant 0 : i32
    %dma_start3A_81 = tpu.memref_slice %arg6[%dma_start3A_78, %dma_start3A_79, %dma_start3A_80] : memref<3x16x2048xf32, #tpu.memory_space<vmem>> -> memref<1x16x2048xf32, #tpu.memory_space<vmem>>
    %dma_start3A_82 = tpu.memref_squeeze %dma_start3A_81 : memref<1x16x2048xf32, #tpu.memory_space<vmem>> -> memref<16x2048xf32, #tpu.memory_space<vmem>>
    %dma_start3A_83 = arith.constant 0 : i32
    %dma_start3A_84 = tpu.memref_slice %arg5[%dma_start3A_77, %dma_start3A_83] : memref<8x16xi32, #tpu.memory_space<vmem>> -> memref<1x16xi32, #tpu.memory_space<vmem>>
    %dma_start3A_85 = tpu.memref_squeeze %dma_start3A_84 : memref<1x16xi32, #tpu.memory_space<vmem>> -> memref<16xi32, #tpu.memory_space<vmem>>
    %dma_start3A_86 = arith.constant 0 : i32
    %dma_start3A_87 = arith.constant 0 : i32
    %dma_start3A_88 = tpu.memref_slice %arg3[%dma_start3A_86, %dma_start3A_87] : memref<32768x2048xf32, #tpu.memory_space<hbm>> -> memref<32768x2048xf32, #tpu.memory_space<hbm>>
    tpu.enqueue_indirect_dma source(%dma_start3A_88 : memref<32768x2048xf32, #tpu.memory_space<hbm>>) target(%dma_start3A_82 : memref<16x2048xf32, #tpu.memory_space<vmem>>) offsets(%dma_start3A_85 : memref<16xi32, #tpu.memory_space<vmem>>) semaphore(%arg7 : memref<!tpu.dma_semaphore, #tpu.memory_space<semaphore_mem>>)
    %dma_wait3A_89 = arith.constant 1 : i32
    %dma_wait3A_90 = arith.constant 1 : i32
    %dma_wait3A_91 = arith.constant 0 : i32
    %dma_wait3A_92 = arith.constant 0 : i32
    %dma_wait3A_93 = tpu.memref_slice %arg6[%dma_wait3A_90, %dma_wait3A_91, %dma_wait3A_92] : memref<3x16x2048xf32, #tpu.memory_space<vmem>> -> memref<1x16x2048xf32, #tpu.memory_space<vmem>>
    %dma_wait3A_94 = tpu.memref_squeeze %dma_wait3A_93 : memref<1x16x2048xf32, #tpu.memory_space<vmem>> -> memref<16x2048xf32, #tpu.memory_space<vmem>>
    %dma_wait3A_95 = arith.constant 0 : i32
    %dma_wait3A_96 = tpu.memref_slice %arg5[%dma_wait3A_89, %dma_wait3A_95] : memref<8x16xi32, #tpu.memory_space<vmem>> -> memref<1x16xi32, #tpu.memory_space<vmem>>
    %dma_wait3A_97 = tpu.memref_squeeze %dma_wait3A_96 : memref<1x16xi32, #tpu.memory_space<vmem>> -> memref<16xi32, #tpu.memory_space<vmem>>
    %dma_wait3A_98 = arith.constant 0 : i32
    %dma_wait3A_99 = arith.constant 0 : i32
    %dma_wait3A_100 = tpu.memref_slice %arg3[%dma_wait3A_98, %dma_wait3A_99] : memref<32768x2048xf32, #tpu.memory_space<hbm>> -> memref<32768x2048xf32, #tpu.memory_space<hbm>>
    tpu.wait_indirect_dma semaphore(%arg8 : memref<!tpu.dma_semaphore, #tpu.memory_space<semaphore_mem>>) src(%dma_wait3A_100 : memref<32768x2048xf32, #tpu.memory_space<hbm>>) dst(%dma_wait3A_94 : memref<16x2048xf32, #tpu.memory_space<vmem>>)
    %add3A_101 = arith.constant 16 : i32
    %add3A_102 = arith.addi %mul3A_2, %add3A_101 : i32
    %dma_start3A_103 = arith.constant 1 : i32
    %dma_start3A_104 = arith.constant 0 : i32
    %dma_start3A_105 = arith.constant 0 : i32
    %dma_start3A_106 = tpu.memref_slice %arg6[%dma_start3A_103, %dma_start3A_104, %dma_start3A_105] : memref<3x16x2048xf32, #tpu.memory_space<vmem>> -> memref<1x16x2048xf32, #tpu.memory_space<vmem>>
    %dma_start3A_107 = tpu.memref_squeeze %dma_start3A_106 : memref<1x16x2048xf32, #tpu.memory_space<vmem>> -> memref<16x2048xf32, #tpu.memory_space<vmem>>
    %dma_start3A_108 = arith.constant 0 : i32
    %dma_start3A_109 = tpu.memref_slice %arg4[%add3A_102, %dma_start3A_108] : memref<4096x2048xf32, #tpu.memory_space<hbm>> -> memref<16x2048xf32, #tpu.memory_space<hbm>>
    %dma_start3A_110 = arith.constant 0 : i32
    %dma_start3A_111 = tpu.memref_slice %arg4[%add3A_102, %dma_start3A_110] : memref<4096x2048xf32, #tpu.memory_space<hbm>> -> memref<16x2048xf32, #tpu.memory_space<hbm>>
    %dma_start3A_112 = arith.constant 0 : i32
    %dma_start3A_113 = arith.constant 0 : i32
    %dma_start3A_114 = tpu.memref_slice %arg6[%dma_start3A_103, %dma_start3A_112, %dma_start3A_113] : memref<3x16x2048xf32, #tpu.memory_space<vmem>> -> memref<1x16x2048xf32, #tpu.memory_space<vmem>>
    %dma_start3A_115 = tpu.memref_squeeze %dma_start3A_114 : memref<1x16x2048xf32, #tpu.memory_space<vmem>> -> memref<16x2048xf32, #tpu.memory_space<vmem>>
    tpu.enqueue_dma source(%dma_start3A_115 : memref<16x2048xf32, #tpu.memory_space<vmem>>) target(%dma_start3A_111 : memref<16x2048xf32, #tpu.memory_space<hbm>>) target_semaphore(%arg11 : memref<!tpu.dma_semaphore, #tpu.memory_space<semaphore_mem>>)
    %dma_wait3A_116 = arith.constant 1 : i32
    %dma_wait3A_117 = arith.constant 0 : i32
    %dma_wait3A_118 = arith.constant 0 : i32
    %dma_wait3A_119 = tpu.memref_slice %arg6[%dma_wait3A_116, %dma_wait3A_117, %dma_wait3A_118] : memref<3x16x2048xf32, #tpu.memory_space<vmem>> -> memref<1x16x2048xf32, #tpu.memory_space<vmem>>
    %dma_wait3A_120 = tpu.memref_squeeze %dma_wait3A_119 : memref<1x16x2048xf32, #tpu.memory_space<vmem>> -> memref<16x2048xf32, #tpu.memory_space<vmem>>
    %dma_wait3A_121 = arith.constant 0 : i32
    %dma_wait3A_122 = tpu.memref_slice %arg4[%add3A_102, %dma_wait3A_121] : memref<4096x2048xf32, #tpu.memory_space<hbm>> -> memref<16x2048xf32, #tpu.memory_space<hbm>>
    %dma_wait3A_123 = arith.constant 0 : i32
    %dma_wait3A_124 = tpu.memref_slice %arg4[%add3A_102, %dma_wait3A_123] : memref<4096x2048xf32, #tpu.memory_space<hbm>> -> memref<16x2048xf32, #tpu.memory_space<hbm>>
    %dma_wait3A_125 = arith.constant 0 : i32
    %dma_wait3A_126 = arith.constant 0 : i32
    %dma_wait3A_127 = tpu.memref_slice %arg6[%dma_wait3A_116, %dma_wait3A_125, %dma_wait3A_126] : memref<3x16x2048xf32, #tpu.memory_space<vmem>> -> memref<1x16x2048xf32, #tpu.memory_space<vmem>>
    %dma_wait3A_128 = tpu.memref_squeeze %dma_wait3A_127 : memref<1x16x2048xf32, #tpu.memory_space<vmem>> -> memref<16x2048xf32, #tpu.memory_space<vmem>>
    tpu.wait_dma2 semaphore(%arg11 : memref<!tpu.dma_semaphore, #tpu.memory_space<semaphore_mem>>) src(%dma_wait3A_128 : memref<16x2048xf32, #tpu.memory_space<vmem>>) dst(%dma_wait3A_124 : memref<16x2048xf32, #tpu.memory_space<hbm>>)
    %dma_start3A_129 = arith.constant 4 : i32
    %dma_start3A_130 = arith.constant 1 : i32
    %dma_start3A_131 = arith.constant 0 : i32
    %dma_start3A_132 = arith.constant 0 : i32
    %dma_start3A_133 = tpu.memref_slice %arg6[%dma_start3A_130, %dma_start3A_131, %dma_start3A_132] : memref<3x16x2048xf32, #tpu.memory_space<vmem>> -> memref<1x16x2048xf32, #tpu.memory_space<vmem>>
    %dma_start3A_134 = tpu.memref_squeeze %dma_start3A_133 : memref<1x16x2048xf32, #tpu.memory_space<vmem>> -> memref<16x2048xf32, #tpu.memory_space<vmem>>
    %dma_start3A_135 = arith.constant 0 : i32
    %dma_start3A_136 = tpu.memref_slice %arg5[%dma_start3A_129, %dma_start3A_135] : memref<8x16xi32, #tpu.memory_space<vmem>> -> memref<1x16xi32, #tpu.memory_space<vmem>>
    %dma_start3A_137 = tpu.memref_squeeze %dma_start3A_136 : memref<1x16xi32, #tpu.memory_space<vmem>> -> memref<16xi32, #tpu.memory_space<vmem>>
    %dma_start3A_138 = arith.constant 0 : i32
    %dma_start3A_139 = arith.constant 0 : i32
    %dma_start3A_140 = tpu.memref_slice %arg3[%dma_start3A_138, %dma_start3A_139] : memref<32768x2048xf32, #tpu.memory_space<hbm>> -> memref<32768x2048xf32, #tpu.memory_space<hbm>>
    tpu.enqueue_indirect_dma source(%dma_start3A_140 : memref<32768x2048xf32, #tpu.memory_space<hbm>>) target(%dma_start3A_134 : memref<16x2048xf32, #tpu.memory_space<vmem>>) offsets(%dma_start3A_137 : memref<16xi32, #tpu.memory_space<vmem>>) semaphore(%arg8 : memref<!tpu.dma_semaphore, #tpu.memory_space<semaphore_mem>>)
    %dma_wait3A_141 = arith.constant 2 : i32
    %dma_wait3A_142 = arith.constant 2 : i32
    %dma_wait3A_143 = arith.constant 0 : i32
    %dma_wait3A_144 = arith.constant 0 : i32
    %dma_wait3A_145 = tpu.memref_slice %arg6[%dma_wait3A_142, %dma_wait3A_143, %dma_wait3A_144] : memref<3x16x2048xf32, #tpu.memory_space<vmem>> -> memref<1x16x2048xf32, #tpu.memory_space<vmem>>
    %dma_wait3A_146 = tpu.memref_squeeze %dma_wait3A_145 : memref<1x16x2048xf32, #tpu.memory_space<vmem>> -> memref<16x2048xf32, #tpu.memory_space<vmem>>
    %dma_wait3A_147 = arith.constant 0 : i32
    %dma_wait3A_148 = tpu.memref_slice %arg5[%dma_wait3A_141, %dma_wait3A_147] : memref<8x16xi32, #tpu.memory_space<vmem>> -> memref<1x16xi32, #tpu.memory_space<vmem>>
    %dma_wait3A_149 = tpu.memref_squeeze %dma_wait3A_148 : memref<1x16xi32, #tpu.memory_space<vmem>> -> memref<16xi32, #tpu.memory_space<vmem>>
    %dma_wait3A_150 = arith.constant 0 : i32
    %dma_wait3A_151 = arith.constant 0 : i32
    %dma_wait3A_152 = tpu.memref_slice %arg3[%dma_wait3A_150, %dma_wait3A_151] : memref<32768x2048xf32, #tpu.memory_space<hbm>> -> memref<32768x2048xf32, #tpu.memory_space<hbm>>
    tpu.wait_indirect_dma semaphore(%arg9 : memref<!tpu.dma_semaphore, #tpu.memory_space<semaphore_mem>>) src(%dma_wait3A_152 : memref<32768x2048xf32, #tpu.memory_space<hbm>>) dst(%dma_wait3A_146 : memref<16x2048xf32, #tpu.memory_space<vmem>>)
    %add3A_153 = arith.constant 32 : i32
    %add3A_154 = arith.addi %mul3A_2, %add3A_153 : i32
    %dma_start3A_155 = arith.constant 2 : i32
    %dma_start3A_156 = arith.constant 0 : i32
    %dma_start3A_157 = arith.constant 0 : i32
    %dma_start3A_158 = tpu.memref_slice %arg6[%dma_start3A_155, %dma_start3A_156, %dma_start3A_157] : memref<3x16x2048xf32, #tpu.memory_space<vmem>> -> memref<1x16x2048xf32, #tpu.memory_space<vmem>>
    %dma_start3A_159 = tpu.memref_squeeze %dma_start3A_158 : memref<1x16x2048xf32, #tpu.memory_space<vmem>> -> memref<16x2048xf32, #tpu.memory_space<vmem>>
    %dma_start3A_160 = arith.constant 0 : i32
    %dma_start3A_161 = tpu.memref_slice %arg4[%add3A_154, %dma_start3A_160] : memref<4096x2048xf32, #tpu.memory_space<hbm>> -> memref<16x2048xf32, #tpu.memory_space<hbm>>
    %dma_start3A_162 = arith.constant 0 : i32
    %dma_start3A_163 = tpu.memref_slice %arg4[%add3A_154, %dma_start3A_162] : memref<4096x2048xf32, #tpu.memory_space<hbm>> -> memref<16x2048xf32, #tpu.memory_space<hbm>>
    %dma_start3A_164 = arith.constant 0 : i32
    %dma_start3A_165 = arith.constant 0 : i32
    %dma_start3A_166 = tpu.memref_slice %arg6[%dma_start3A_155, %dma_start3A_164, %dma_start3A_165] : memref<3x16x2048xf32, #tpu.memory_space<vmem>> -> memref<1x16x2048xf32, #tpu.memory_space<vmem>>
    %dma_start3A_167 = tpu.memref_squeeze %dma_start3A_166 : memref<1x16x2048xf32, #tpu.memory_space<vmem>> -> memref<16x2048xf32, #tpu.memory_space<vmem>>
    tpu.enqueue_dma source(%dma_start3A_167 : memref<16x2048xf32, #tpu.memory_space<vmem>>) target(%dma_start3A_163 : memref<16x2048xf32, #tpu.memory_space<hbm>>) target_semaphore(%arg12 : memref<!tpu.dma_semaphore, #tpu.memory_space<semaphore_mem>>)
    %dma_wait3A_168 = arith.constant 2 : i32
    %dma_wait3A_169 = arith.constant 0 : i32
    %dma_wait3A_170 = arith.constant 0 : i32
    %dma_wait3A_171 = tpu.memref_slice %arg6[%dma_wait3A_168, %dma_wait3A_169, %dma_wait3A_170] : memref<3x16x2048xf32, #tpu.memory_space<vmem>> -> memref<1x16x2048xf32, #tpu.memory_space<vmem>>
    %dma_wait3A_172 = tpu.memref_squeeze %dma_wait3A_171 : memref<1x16x2048xf32, #tpu.memory_space<vmem>> -> memref<16x2048xf32, #tpu.memory_space<vmem>>
    %dma_wait3A_173 = arith.constant 0 : i32
    %dma_wait3A_174 = tpu.memref_slice %arg4[%add3A_154, %dma_wait3A_173] : memref<4096x2048xf32, #tpu.memory_space<hbm>> -> memref<16x2048xf32, #tpu.memory_space<hbm>>
    %dma_wait3A_175 = arith.constant 0 : i32
    %dma_wait3A_176 = tpu.memref_slice %arg4[%add3A_154, %dma_wait3A_175] : memref<4096x2048xf32, #tpu.memory_space<hbm>> -> memref<16x2048xf32, #tpu.memory_space<hbm>>
    %dma_wait3A_177 = arith.constant 0 : i32
    %dma_wait3A_178 = arith.constant 0 : i32
    %dma_wait3A_179 = tpu.memref_slice %arg6[%dma_wait3A_168, %dma_wait3A_177, %dma_wait3A_178] : memref<3x16x2048xf32, #tpu.memory_space<vmem>> -> memref<1x16x2048xf32, #tpu.memory_space<vmem>>
    %dma_wait3A_180 = tpu.memref_squeeze %dma_wait3A_179 : memref<1x16x2048xf32, #tpu.memory_space<vmem>> -> memref<16x2048xf32, #tpu.memory_space<vmem>>
    tpu.wait_dma2 semaphore(%arg12 : memref<!tpu.dma_semaphore, #tpu.memory_space<semaphore_mem>>) src(%dma_wait3A_180 : memref<16x2048xf32, #tpu.memory_space<vmem>>) dst(%dma_wait3A_176 : memref<16x2048xf32, #tpu.memory_space<hbm>>)
    %dma_start3A_181 = arith.constant 5 : i32
    %dma_start3A_182 = arith.constant 2 : i32
    %dma_start3A_183 = arith.constant 0 : i32
    %dma_start3A_184 = arith.constant 0 : i32
    %dma_start3A_185 = tpu.memref_slice %arg6[%dma_start3A_182, %dma_start3A_183, %dma_start3A_184] : memref<3x16x2048xf32, #tpu.memory_space<vmem>> -> memref<1x16x2048xf32, #tpu.memory_space<vmem>>
    %dma_start3A_186 = tpu.memref_squeeze %dma_start3A_185 : memref<1x16x2048xf32, #tpu.memory_space<vmem>> -> memref<16x2048xf32, #tpu.memory_space<vmem>>
    %dma_start3A_187 = arith.constant 0 : i32
    %dma_start3A_188 = tpu.memref_slice %arg5[%dma_start3A_181, %dma_start3A_187] : memref<8x16xi32, #tpu.memory_space<vmem>> -> memref<1x16xi32, #tpu.memory_space<vmem>>
    %dma_start3A_189 = tpu.memref_squeeze %dma_start3A_188 : memref<1x16xi32, #tpu.memory_space<vmem>> -> memref<16xi32, #tpu.memory_space<vmem>>
    %dma_start3A_190 = arith.constant 0 : i32
    %dma_start3A_191 = arith.constant 0 : i32
    %dma_start3A_192 = tpu.memref_slice %arg3[%dma_start3A_190, %dma_start3A_191] : memref<32768x2048xf32, #tpu.memory_space<hbm>> -> memref<32768x2048xf32, #tpu.memory_space<hbm>>
    tpu.enqueue_indirect_dma source(%dma_start3A_192 : memref<32768x2048xf32, #tpu.memory_space<hbm>>) target(%dma_start3A_186 : memref<16x2048xf32, #tpu.memory_space<vmem>>) offsets(%dma_start3A_189 : memref<16xi32, #tpu.memory_space<vmem>>) semaphore(%arg9 : memref<!tpu.dma_semaphore, #tpu.memory_space<semaphore_mem>>)
    %dma_wait3A_193 = arith.constant 3 : i32
    %dma_wait3A_194 = arith.constant 0 : i32
    %dma_wait3A_195 = arith.constant 0 : i32
    %dma_wait3A_196 = arith.constant 0 : i32
    %dma_wait3A_197 = tpu.memref_slice %arg6[%dma_wait3A_194, %dma_wait3A_195, %dma_wait3A_196] : memref<3x16x2048xf32, #tpu.memory_space<vmem>> -> memref<1x16x2048xf32, #tpu.memory_space<vmem>>
    %dma_wait3A_198 = tpu.memref_squeeze %dma_wait3A_197 : memref<1x16x2048xf32, #tpu.memory_space<vmem>> -> memref<16x2048xf32, #tpu.memory_space<vmem>>
    %dma_wait3A_199 = arith.constant 0 : i32
    %dma_wait3A_200 = tpu.memref_slice %arg5[%dma_wait3A_193, %dma_wait3A_199] : memref<8x16xi32, #tpu.memory_space<vmem>> -> memref<1x16xi32, #tpu.memory_space<vmem>>
    %dma_wait3A_201 = tpu.memref_squeeze %dma_wait3A_200 : memref<1x16xi32, #tpu.memory_space<vmem>> -> memref<16xi32, #tpu.memory_space<vmem>>
    %dma_wait3A_202 = arith.constant 0 : i32
    %dma_wait3A_203 = arith.constant 0 : i32
    %dma_wait3A_204 = tpu.memref_slice %arg3[%dma_wait3A_202, %dma_wait3A_203] : memref<32768x2048xf32, #tpu.memory_space<hbm>> -> memref<32768x2048xf32, #tpu.memory_space<hbm>>
    tpu.wait_indirect_dma semaphore(%arg7 : memref<!tpu.dma_semaphore, #tpu.memory_space<semaphore_mem>>) src(%dma_wait3A_204 : memref<32768x2048xf32, #tpu.memory_space<hbm>>) dst(%dma_wait3A_198 : memref<16x2048xf32, #tpu.memory_space<vmem>>)
    %add3A_205 = arith.constant 48 : i32
    %add3A_206 = arith.addi %mul3A_2, %add3A_205 : i32
    %dma_start3A_207 = arith.constant 0 : i32
    %dma_start3A_208 = arith.constant 0 : i32
    %dma_start3A_209 = arith.constant 0 : i32
    %dma_start3A_210 = tpu.memref_slice %arg6[%dma_start3A_207, %dma_start3A_208, %dma_start3A_209] : memref<3x16x2048xf32, #tpu.memory_space<vmem>> -> memref<1x16x2048xf32, #tpu.memory_space<vmem>>
    %dma_start3A_211 = tpu.memref_squeeze %dma_start3A_210 : memref<1x16x2048xf32, #tpu.memory_space<vmem>> -> memref<16x2048xf32, #tpu.memory_space<vmem>>
    %dma_start3A_212 = arith.constant 0 : i32
    %dma_start3A_213 = tpu.memref_slice %arg4[%add3A_206, %dma_start3A_212] : memref<4096x2048xf32, #tpu.memory_space<hbm>> -> memref<16x2048xf32, #tpu.memory_space<hbm>>
    %dma_start3A_214 = arith.constant 0 : i32
    %dma_start3A_215 = tpu.memref_slice %arg4[%add3A_206, %dma_start3A_214] : memref<4096x2048xf32, #tpu.memory_space<hbm>> -> memref<16x2048xf32, #tpu.memory_space<hbm>>
    %dma_start3A_216 = arith.constant 0 : i32
    %dma_start3A_217 = arith.constant 0 : i32
    %dma_start3A_218 = tpu.memref_slice %arg6[%dma_start3A_207, %dma_start3A_216, %dma_start3A_217] : memref<3x16x2048xf32, #tpu.memory_space<vmem>> -> memref<1x16x2048xf32, #tpu.memory_space<vmem>>
    %dma_start3A_219 = tpu.memref_squeeze %dma_start3A_218 : memref<1x16x2048xf32, #tpu.memory_space<vmem>> -> memref<16x2048xf32, #tpu.memory_space<vmem>>
    tpu.enqueue_dma source(%dma_start3A_219 : memref<16x2048xf32, #tpu.memory_space<vmem>>) target(%dma_start3A_215 : memref<16x2048xf32, #tpu.memory_space<hbm>>) target_semaphore(%arg10 : memref<!tpu.dma_semaphore, #tpu.memory_space<semaphore_mem>>)
    %dma_wait3A_220 = arith.constant 0 : i32
    %dma_wait3A_221 = arith.constant 0 : i32
    %dma_wait3A_222 = arith.constant 0 : i32
    %dma_wait3A_223 = tpu.memref_slice %arg6[%dma_wait3A_220, %dma_wait3A_221, %dma_wait3A_222] : memref<3x16x2048xf32, #tpu.memory_space<vmem>> -> memref<1x16x2048xf32, #tpu.memory_space<vmem>>
    %dma_wait3A_224 = tpu.memref_squeeze %dma_wait3A_223 : memref<1x16x2048xf32, #tpu.memory_space<vmem>> -> memref<16x2048xf32, #tpu.memory_space<vmem>>
    %dma_wait3A_225 = arith.constant 0 : i32
    %dma_wait3A_226 = tpu.memref_slice %arg4[%add3A_206, %dma_wait3A_225] : memref<4096x2048xf32, #tpu.memory_space<hbm>> -> memref<16x2048xf32, #tpu.memory_space<hbm>>
    %dma_wait3A_227 = arith.constant 0 : i32
    %dma_wait3A_228 = tpu.memref_slice %arg4[%add3A_206, %dma_wait3A_227] : memref<4096x2048xf32, #tpu.memory_space<hbm>> -> memref<16x2048xf32, #tpu.memory_space<hbm>>
    %dma_wait3A_229 = arith.constant 0 : i32
    %dma_wait3A_230 = arith.constant 0 : i32
    %dma_wait3A_231 = tpu.memref_slice %arg6[%dma_wait3A_220, %dma_wait3A_229, %dma_wait3A_230] : memref<3x16x2048xf32, #tpu.memory_space<vmem>> -> memref<1x16x2048xf32, #tpu.memory_space<vmem>>
    %dma_wait3A_232 = tpu.memref_squeeze %dma_wait3A_231 : memref<1x16x2048xf32, #tpu.memory_space<vmem>> -> memref<16x2048xf32, #tpu.memory_space<vmem>>
    tpu.wait_dma2 semaphore(%arg10 : memref<!tpu.dma_semaphore, #tpu.memory_space<semaphore_mem>>) src(%dma_wait3A_232 : memref<16x2048xf32, #tpu.memory_space<vmem>>) dst(%dma_wait3A_228 : memref<16x2048xf32, #tpu.memory_space<hbm>>)
    %dma_start3A_233 = arith.constant 6 : i32
    %dma_start3A_234 = arith.constant 0 : i32
    %dma_start3A_235 = arith.constant 0 : i32
    %dma_start3A_236 = arith.constant 0 : i32
    %dma_start3A_237 = tpu.memref_slice %arg6[%dma_start3A_234, %dma_start3A_235, %dma_start3A_236] : memref<3x16x2048xf32, #tpu.memory_space<vmem>> -> memref<1x16x2048xf32, #tpu.memory_space<vmem>>
    %dma_start3A_238 = tpu.memref_squeeze %dma_start3A_237 : memref<1x16x2048xf32, #tpu.memory_space<vmem>> -> memref<16x2048xf32, #tpu.memory_space<vmem>>
    %dma_start3A_239 = arith.constant 0 : i32
    %dma_start3A_240 = tpu.memref_slice %arg5[%dma_start3A_233, %dma_start3A_239] : memref<8x16xi32, #tpu.memory_space<vmem>> -> memref<1x16xi32, #tpu.memory_space<vmem>>
    %dma_start3A_241 = tpu.memref_squeeze %dma_start3A_240 : memref<1x16xi32, #tpu.memory_space<vmem>> -> memref<16xi32, #tpu.memory_space<vmem>>
    %dma_start3A_242 = arith.constant 0 : i32
    %dma_start3A_243 = arith.constant 0 : i32
    %dma_start3A_244 = tpu.memref_slice %arg3[%dma_start3A_242, %dma_start3A_243] : memref<32768x2048xf32, #tpu.memory_space<hbm>> -> memref<32768x2048xf32, #tpu.memory_space<hbm>>
    tpu.enqueue_indirect_dma source(%dma_start3A_244 : memref<32768x2048xf32, #tpu.memory_space<hbm>>) target(%dma_start3A_238 : memref<16x2048xf32, #tpu.memory_space<vmem>>) offsets(%dma_start3A_241 : memref<16xi32, #tpu.memory_space<vmem>>) semaphore(%arg7 : memref<!tpu.dma_semaphore, #tpu.memory_space<semaphore_mem>>)
    %dma_wait3A_245 = arith.constant 4 : i32
    %dma_wait3A_246 = arith.constant 1 : i32
    %dma_wait3A_247 = arith.constant 0 : i32
    %dma_wait3A_248 = arith.constant 0 : i32
    %dma_wait3A_249 = tpu.memref_slice %arg6[%dma_wait3A_246, %dma_wait3A_247, %dma_wait3A_248] : memref<3x16x2048xf32, #tpu.memory_space<vmem>> -> memref<1x16x2048xf32, #tpu.memory_space<vmem>>
    %dma_wait3A_250 = tpu.memref_squeeze %dma_wait3A_249 : memref<1x16x2048xf32, #tpu.memory_space<vmem>> -> memref<16x2048xf32, #tpu.memory_space<vmem>>
    %dma_wait3A_251 = arith.constant 0 : i32
    %dma_wait3A_252 = tpu.memref_slice %arg5[%dma_wait3A_245, %dma_wait3A_251] : memref<8x16xi32, #tpu.memory_space<vmem>> -> memref<1x16xi32, #tpu.memory_space<vmem>>
    %dma_wait3A_253 = tpu.memref_squeeze %dma_wait3A_252 : memref<1x16xi32, #tpu.memory_space<vmem>> -> memref<16xi32, #tpu.memory_space<vmem>>
    %dma_wait3A_254 = arith.constant 0 : i32
    %dma_wait3A_255 = arith.constant 0 : i32
    %dma_wait3A_256 = tpu.memref_slice %arg3[%dma_wait3A_254, %dma_wait3A_255] : memref<32768x2048xf32, #tpu.memory_space<hbm>> -> memref<32768x2048xf32, #tpu.memory_space<hbm>>
    tpu.wait_indirect_dma semaphore(%arg8 : memref<!tpu.dma_semaphore, #tpu.memory_space<semaphore_mem>>) src(%dma_wait3A_256 : memref<32768x2048xf32, #tpu.memory_space<hbm>>) dst(%dma_wait3A_250 : memref<16x2048xf32, #tpu.memory_space<vmem>>)
    %add3A_257 = arith.constant 64 : i32
    %add3A_258 = arith.addi %mul3A_2, %add3A_257 : i32
    %dma_start3A_259 = arith.constant 1 : i32
    %dma_start3A_260 = arith.constant 0 : i32
    %dma_start3A_261 = arith.constant 0 : i32
    %dma_start3A_262 = tpu.memref_slice %arg6[%dma_start3A_259, %dma_start3A_260, %dma_start3A_261] : memref<3x16x2048xf32, #tpu.memory_space<vmem>> -> memref<1x16x2048xf32, #tpu.memory_space<vmem>>
    %dma_start3A_263 = tpu.memref_squeeze %dma_start3A_262 : memref<1x16x2048xf32, #tpu.memory_space<vmem>> -> memref<16x2048xf32, #tpu.memory_space<vmem>>
    %dma_start3A_264 = arith.constant 0 : i32
    %dma_start3A_265 = tpu.memref_slice %arg4[%add3A_258, %dma_start3A_264] : memref<4096x2048xf32, #tpu.memory_space<hbm>> -> memref<16x2048xf32, #tpu.memory_space<hbm>>
    %dma_start3A_266 = arith.constant 0 : i32
    %dma_start3A_267 = tpu.memref_slice %arg4[%add3A_258, %dma_start3A_266] : memref<4096x2048xf32, #tpu.memory_space<hbm>> -> memref<16x2048xf32, #tpu.memory_space<hbm>>
    %dma_start3A_268 = arith.constant 0 : i32
    %dma_start3A_269 = arith.constant 0 : i32
    %dma_start3A_270 = tpu.memref_slice %arg6[%dma_start3A_259, %dma_start3A_268, %dma_start3A_269] : memref<3x16x2048xf32, #tpu.memory_space<vmem>> -> memref<1x16x2048xf32, #tpu.memory_space<vmem>>
    %dma_start3A_271 = tpu.memref_squeeze %dma_start3A_270 : memref<1x16x2048xf32, #tpu.memory_space<vmem>> -> memref<16x2048xf32, #tpu.memory_space<vmem>>
    tpu.enqueue_dma source(%dma_start3A_271 : memref<16x2048xf32, #tpu.memory_space<vmem>>) target(%dma_start3A_267 : memref<16x2048xf32, #tpu.memory_space<hbm>>) target_semaphore(%arg11 : memref<!tpu.dma_semaphore, #tpu.memory_space<semaphore_mem>>)
    %dma_wait3A_272 = arith.constant 1 : i32
    %dma_wait3A_273 = arith.constant 0 : i32
    %dma_wait3A_274 = arith.constant 0 : i32
    %dma_wait3A_275 = tpu.memref_slice %arg6[%dma_wait3A_272, %dma_wait3A_273, %dma_wait3A_274] : memref<3x16x2048xf32, #tpu.memory_space<vmem>> -> memref<1x16x2048xf32, #tpu.memory_space<vmem>>
    %dma_wait3A_276 = tpu.memref_squeeze %dma_wait3A_275 : memref<1x16x2048xf32, #tpu.memory_space<vmem>> -> memref<16x2048xf32, #tpu.memory_space<vmem>>
    %dma_wait3A_277 = arith.constant 0 : i32
    %dma_wait3A_278 = tpu.memref_slice %arg4[%add3A_258, %dma_wait3A_277] : memref<4096x2048xf32, #tpu.memory_space<hbm>> -> memref<16x2048xf32, #tpu.memory_space<hbm>>
    %dma_wait3A_279 = arith.constant 0 : i32
    %dma_wait3A_280 = tpu.memref_slice %arg4[%add3A_258, %dma_wait3A_279] : memref<4096x2048xf32, #tpu.memory_space<hbm>> -> memref<16x2048xf32, #tpu.memory_space<hbm>>
    %dma_wait3A_281 = arith.constant 0 : i32
    %dma_wait3A_282 = arith.constant 0 : i32
    %dma_wait3A_283 = tpu.memref_slice %arg6[%dma_wait3A_272, %dma_wait3A_281, %dma_wait3A_282] : memref<3x16x2048xf32, #tpu.memory_space<vmem>> -> memref<1x16x2048xf32, #tpu.memory_space<vmem>>
    %dma_wait3A_284 = tpu.memref_squeeze %dma_wait3A_283 : memref<1x16x2048xf32, #tpu.memory_space<vmem>> -> memref<16x2048xf32, #tpu.memory_space<vmem>>
    tpu.wait_dma2 semaphore(%arg11 : memref<!tpu.dma_semaphore, #tpu.memory_space<semaphore_mem>>) src(%dma_wait3A_284 : memref<16x2048xf32, #tpu.memory_space<vmem>>) dst(%dma_wait3A_280 : memref<16x2048xf32, #tpu.memory_space<hbm>>)
    %dma_start3A_285 = arith.constant 7 : i32
    %dma_start3A_286 = arith.constant 1 : i32
    %dma_start3A_287 = arith.constant 0 : i32
    %dma_start3A_288 = arith.constant 0 : i32
    %dma_start3A_289 = tpu.memref_slice %arg6[%dma_start3A_286, %dma_start3A_287, %dma_start3A_288] : memref<3x16x2048xf32, #tpu.memory_space<vmem>> -> memref<1x16x2048xf32, #tpu.memory_space<vmem>>
    %dma_start3A_290 = tpu.memref_squeeze %dma_start3A_289 : memref<1x16x2048xf32, #tpu.memory_space<vmem>> -> memref<16x2048xf32, #tpu.memory_space<vmem>>
    %dma_start3A_291 = arith.constant 0 : i32
    %dma_start3A_292 = tpu.memref_slice %arg5[%dma_start3A_285, %dma_start3A_291] : memref<8x16xi32, #tpu.memory_space<vmem>> -> memref<1x16xi32, #tpu.memory_space<vmem>>
    %dma_start3A_293 = tpu.memref_squeeze %dma_start3A_292 : memref<1x16xi32, #tpu.memory_space<vmem>> -> memref<16xi32, #tpu.memory_space<vmem>>
    %dma_start3A_294 = arith.constant 0 : i32
    %dma_start3A_295 = arith.constant 0 : i32
    %dma_start3A_296 = tpu.memref_slice %arg3[%dma_start3A_294, %dma_start3A_295] : memref<32768x2048xf32, #tpu.memory_space<hbm>> -> memref<32768x2048xf32, #tpu.memory_space<hbm>>
    tpu.enqueue_indirect_dma source(%dma_start3A_296 : memref<32768x2048xf32, #tpu.memory_space<hbm>>) target(%dma_start3A_290 : memref<16x2048xf32, #tpu.memory_space<vmem>>) offsets(%dma_start3A_293 : memref<16xi32, #tpu.memory_space<vmem>>) semaphore(%arg8 : memref<!tpu.dma_semaphore, #tpu.memory_space<semaphore_mem>>)
    %dma_wait3A_297 = arith.constant 5 : i32
    %dma_wait3A_298 = arith.constant 2 : i32
    %dma_wait3A_299 = arith.constant 0 : i32
    %dma_wait3A_300 = arith.constant 0 : i32
    %dma_wait3A_301 = tpu.memref_slice %arg6[%dma_wait3A_298, %dma_wait3A_299, %dma_wait3A_300] : memref<3x16x2048xf32, #tpu.memory_space<vmem>> -> memref<1x16x2048xf32, #tpu.memory_space<vmem>>
    %dma_wait3A_302 = tpu.memref_squeeze %dma_wait3A_301 : memref<1x16x2048xf32, #tpu.memory_space<vmem>> -> memref<16x2048xf32, #tpu.memory_space<vmem>>
    %dma_wait3A_303 = arith.constant 0 : i32
    %dma_wait3A_304 = tpu.memref_slice %arg5[%dma_wait3A_297, %dma_wait3A_303] : memref<8x16xi32, #tpu.memory_space<vmem>> -> memref<1x16xi32, #tpu.memory_space<vmem>>
    %dma_wait3A_305 = tpu.memref_squeeze %dma_wait3A_304 : memref<1x16xi32, #tpu.memory_space<vmem>> -> memref<16xi32, #tpu.memory_space<vmem>>
    %dma_wait3A_306 = arith.constant 0 : i32
    %dma_wait3A_307 = arith.constant 0 : i32
    %dma_wait3A_308 = tpu.memref_slice %arg3[%dma_wait3A_306, %dma_wait3A_307] : memref<32768x2048xf32, #tpu.memory_space<hbm>> -> memref<32768x2048xf32, #tpu.memory_space<hbm>>
    tpu.wait_indirect_dma semaphore(%arg9 : memref<!tpu.dma_semaphore, #tpu.memory_space<semaphore_mem>>) src(%dma_wait3A_308 : memref<32768x2048xf32, #tpu.memory_space<hbm>>) dst(%dma_wait3A_302 : memref<16x2048xf32, #tpu.memory_space<vmem>>)
    %add3A_309 = arith.constant 80 : i32
    %add3A_310 = arith.addi %mul3A_2, %add3A_309 : i32
    %dma_start3A_311 = arith.constant 2 : i32
    %dma_start3A_312 = arith.constant 0 : i32
    %dma_start3A_313 = arith.constant 0 : i32
    %dma_start3A_314 = tpu.memref_slice %arg6[%dma_start3A_311, %dma_start3A_312, %dma_start3A_313] : memref<3x16x2048xf32, #tpu.memory_space<vmem>> -> memref<1x16x2048xf32, #tpu.memory_space<vmem>>
    %dma_start3A_315 = tpu.memref_squeeze %dma_start3A_314 : memref<1x16x2048xf32, #tpu.memory_space<vmem>> -> memref<16x2048xf32, #tpu.memory_space<vmem>>
    %dma_start3A_316 = arith.constant 0 : i32
    %dma_start3A_317 = tpu.memref_slice %arg4[%add3A_310, %dma_start3A_316] : memref<4096x2048xf32, #tpu.memory_space<hbm>> -> memref<16x2048xf32, #tpu.memory_space<hbm>>
    %dma_start3A_318 = arith.constant 0 : i32
    %dma_start3A_319 = tpu.memref_slice %arg4[%add3A_310, %dma_start3A_318] : memref<4096x2048xf32, #tpu.memory_space<hbm>> -> memref<16x2048xf32, #tpu.memory_space<hbm>>
    %dma_start3A_320 = arith.constant 0 : i32
    %dma_start3A_321 = arith.constant 0 : i32
    %dma_start3A_322 = tpu.memref_slice %arg6[%dma_start3A_311, %dma_start3A_320, %dma_start3A_321] : memref<3x16x2048xf32, #tpu.memory_space<vmem>> -> memref<1x16x2048xf32, #tpu.memory_space<vmem>>
    %dma_start3A_323 = tpu.memref_squeeze %dma_start3A_322 : memref<1x16x2048xf32, #tpu.memory_space<vmem>> -> memref<16x2048xf32, #tpu.memory_space<vmem>>
    tpu.enqueue_dma source(%dma_start3A_323 : memref<16x2048xf32, #tpu.memory_space<vmem>>) target(%dma_start3A_319 : memref<16x2048xf32, #tpu.memory_space<hbm>>) target_semaphore(%arg12 : memref<!tpu.dma_semaphore, #tpu.memory_space<semaphore_mem>>)
    %dma_wait3A_324 = arith.constant 6 : i32
    %dma_wait3A_325 = arith.constant 0 : i32
    %dma_wait3A_326 = arith.constant 0 : i32
    %dma_wait3A_327 = arith.constant 0 : i32
    %dma_wait3A_328 = tpu.memref_slice %arg6[%dma_wait3A_325, %dma_wait3A_326, %dma_wait3A_327] : memref<3x16x2048xf32, #tpu.memory_space<vmem>> -> memref<1x16x2048xf32, #tpu.memory_space<vmem>>
    %dma_wait3A_329 = tpu.memref_squeeze %dma_wait3A_328 : memref<1x16x2048xf32, #tpu.memory_space<vmem>> -> memref<16x2048xf32, #tpu.memory_space<vmem>>
    %dma_wait3A_330 = arith.constant 0 : i32
    %dma_wait3A_331 = tpu.memref_slice %arg5[%dma_wait3A_324, %dma_wait3A_330] : memref<8x16xi32, #tpu.memory_space<vmem>> -> memref<1x16xi32, #tpu.memory_space<vmem>>
    %dma_wait3A_332 = tpu.memref_squeeze %dma_wait3A_331 : memref<1x16xi32, #tpu.memory_space<vmem>> -> memref<16xi32, #tpu.memory_space<vmem>>
    %dma_wait3A_333 = arith.constant 0 : i32
    %dma_wait3A_334 = arith.constant 0 : i32
    %dma_wait3A_335 = tpu.memref_slice %arg3[%dma_wait3A_333, %dma_wait3A_334] : memref<32768x2048xf32, #tpu.memory_space<hbm>> -> memref<32768x2048xf32, #tpu.memory_space<hbm>>
    tpu.wait_indirect_dma semaphore(%arg7 : memref<!tpu.dma_semaphore, #tpu.memory_space<semaphore_mem>>) src(%dma_wait3A_335 : memref<32768x2048xf32, #tpu.memory_space<hbm>>) dst(%dma_wait3A_329 : memref<16x2048xf32, #tpu.memory_space<vmem>>)
    %add3A_336 = arith.constant 96 : i32
    %add3A_337 = arith.addi %mul3A_2, %add3A_336 : i32
    %dma_start3A_338 = arith.constant 0 : i32
    %dma_start3A_339 = arith.constant 0 : i32
    %dma_start3A_340 = arith.constant 0 : i32
    %dma_start3A_341 = tpu.memref_slice %arg6[%dma_start3A_338, %dma_start3A_339, %dma_start3A_340] : memref<3x16x2048xf32, #tpu.memory_space<vmem>> -> memref<1x16x2048xf32, #tpu.memory_space<vmem>>
    %dma_start3A_342 = tpu.memref_squeeze %dma_start3A_341 : memref<1x16x2048xf32, #tpu.memory_space<vmem>> -> memref<16x2048xf32, #tpu.memory_space<vmem>>
    %dma_start3A_343 = arith.constant 0 : i32
    %dma_start3A_344 = tpu.memref_slice %arg4[%add3A_337, %dma_start3A_343] : memref<4096x2048xf32, #tpu.memory_space<hbm>> -> memref<16x2048xf32, #tpu.memory_space<hbm>>
    %dma_start3A_345 = arith.constant 0 : i32
    %dma_start3A_346 = tpu.memref_slice %arg4[%add3A_337, %dma_start3A_345] : memref<4096x2048xf32, #tpu.memory_space<hbm>> -> memref<16x2048xf32, #tpu.memory_space<hbm>>
    %dma_start3A_347 = arith.constant 0 : i32
    %dma_start3A_348 = arith.constant 0 : i32
    %dma_start3A_349 = tpu.memref_slice %arg6[%dma_start3A_338, %dma_start3A_347, %dma_start3A_348] : memref<3x16x2048xf32, #tpu.memory_space<vmem>> -> memref<1x16x2048xf32, #tpu.memory_space<vmem>>
    %dma_start3A_350 = tpu.memref_squeeze %dma_start3A_349 : memref<1x16x2048xf32, #tpu.memory_space<vmem>> -> memref<16x2048xf32, #tpu.memory_space<vmem>>
    tpu.enqueue_dma source(%dma_start3A_350 : memref<16x2048xf32, #tpu.memory_space<vmem>>) target(%dma_start3A_346 : memref<16x2048xf32, #tpu.memory_space<hbm>>) target_semaphore(%arg10 : memref<!tpu.dma_semaphore, #tpu.memory_space<semaphore_mem>>)
    %dma_wait3A_351 = arith.constant 7 : i32
    %dma_wait3A_352 = arith.constant 1 : i32
    %dma_wait3A_353 = arith.constant 0 : i32
    %dma_wait3A_354 = arith.constant 0 : i32
    %dma_wait3A_355 = tpu.memref_slice %arg6[%dma_wait3A_352, %dma_wait3A_353, %dma_wait3A_354] : memref<3x16x2048xf32, #tpu.memory_space<vmem>> -> memref<1x16x2048xf32, #tpu.memory_space<vmem>>
    %dma_wait3A_356 = tpu.memref_squeeze %dma_wait3A_355 : memref<1x16x2048xf32, #tpu.memory_space<vmem>> -> memref<16x2048xf32, #tpu.memory_space<vmem>>
    %dma_wait3A_357 = arith.constant 0 : i32
    %dma_wait3A_358 = tpu.memref_slice %arg5[%dma_wait3A_351, %dma_wait3A_357] : memref<8x16xi32, #tpu.memory_space<vmem>> -> memref<1x16xi32, #tpu.memory_space<vmem>>
    %dma_wait3A_359 = tpu.memref_squeeze %dma_wait3A_358 : memref<1x16xi32, #tpu.memory_space<vmem>> -> memref<16xi32, #tpu.memory_space<vmem>>
    %dma_wait3A_360 = arith.constant 0 : i32
    %dma_wait3A_361 = arith.constant 0 : i32
    %dma_wait3A_362 = tpu.memref_slice %arg3[%dma_wait3A_360, %dma_wait3A_361] : memref<32768x2048xf32, #tpu.memory_space<hbm>> -> memref<32768x2048xf32, #tpu.memory_space<hbm>>
    tpu.wait_indirect_dma semaphore(%arg8 : memref<!tpu.dma_semaphore, #tpu.memory_space<semaphore_mem>>) src(%dma_wait3A_362 : memref<32768x2048xf32, #tpu.memory_space<hbm>>) dst(%dma_wait3A_356 : memref<16x2048xf32, #tpu.memory_space<vmem>>)
    %add3A_363 = arith.constant 112 : i32
    %add3A_364 = arith.addi %mul3A_2, %add3A_363 : i32
    %dma_start3A_365 = arith.constant 1 : i32
    %dma_start3A_366 = arith.constant 0 : i32
    %dma_start3A_367 = arith.constant 0 : i32
    %dma_start3A_368 = tpu.memref_slice %arg6[%dma_start3A_365, %dma_start3A_366, %dma_start3A_367] : memref<3x16x2048xf32, #tpu.memory_space<vmem>> -> memref<1x16x2048xf32, #tpu.memory_space<vmem>>
    %dma_start3A_369 = tpu.memref_squeeze %dma_start3A_368 : memref<1x16x2048xf32, #tpu.memory_space<vmem>> -> memref<16x2048xf32, #tpu.memory_space<vmem>>
    %dma_start3A_370 = arith.constant 0 : i32
    %dma_start3A_371 = tpu.memref_slice %arg4[%add3A_364, %dma_start3A_370] : memref<4096x2048xf32, #tpu.memory_space<hbm>> -> memref<16x2048xf32, #tpu.memory_space<hbm>>
    %dma_start3A_372 = arith.constant 0 : i32
    %dma_start3A_373 = tpu.memref_slice %arg4[%add3A_364, %dma_start3A_372] : memref<4096x2048xf32, #tpu.memory_space<hbm>> -> memref<16x2048xf32, #tpu.memory_space<hbm>>
    %dma_start3A_374 = arith.constant 0 : i32
    %dma_start3A_375 = arith.constant 0 : i32
    %dma_start3A_376 = tpu.memref_slice %arg6[%dma_start3A_365, %dma_start3A_374, %dma_start3A_375] : memref<3x16x2048xf32, #tpu.memory_space<vmem>> -> memref<1x16x2048xf32, #tpu.memory_space<vmem>>
    %dma_start3A_377 = tpu.memref_squeeze %dma_start3A_376 : memref<1x16x2048xf32, #tpu.memory_space<vmem>> -> memref<16x2048xf32, #tpu.memory_space<vmem>>
    tpu.enqueue_dma source(%dma_start3A_377 : memref<16x2048xf32, #tpu.memory_space<vmem>>) target(%dma_start3A_373 : memref<16x2048xf32, #tpu.memory_space<hbm>>) target_semaphore(%arg11 : memref<!tpu.dma_semaphore, #tpu.memory_space<semaphore_mem>>)
    %dma_wait3A_378 = arith.constant 2 : i32
    %dma_wait3A_379 = arith.constant 0 : i32
    %dma_wait3A_380 = arith.constant 0 : i32
    %dma_wait3A_381 = tpu.memref_slice %arg6[%dma_wait3A_378, %dma_wait3A_379, %dma_wait3A_380] : memref<3x16x2048xf32, #tpu.memory_space<vmem>> -> memref<1x16x2048xf32, #tpu.memory_space<vmem>>
    %dma_wait3A_382 = tpu.memref_squeeze %dma_wait3A_381 : memref<1x16x2048xf32, #tpu.memory_space<vmem>> -> memref<16x2048xf32, #tpu.memory_space<vmem>>
    %dma_wait3A_383 = arith.constant 0 : i32
    %dma_wait3A_384 = tpu.memref_slice %arg4[%add3A_310, %dma_wait3A_383] : memref<4096x2048xf32, #tpu.memory_space<hbm>> -> memref<16x2048xf32, #tpu.memory_space<hbm>>
    %dma_wait3A_385 = arith.constant 0 : i32
    %dma_wait3A_386 = tpu.memref_slice %arg4[%add3A_310, %dma_wait3A_385] : memref<4096x2048xf32, #tpu.memory_space<hbm>> -> memref<16x2048xf32, #tpu.memory_space<hbm>>
    %dma_wait3A_387 = arith.constant 0 : i32
    %dma_wait3A_388 = arith.constant 0 : i32
    %dma_wait3A_389 = tpu.memref_slice %arg6[%dma_wait3A_378, %dma_wait3A_387, %dma_wait3A_388] : memref<3x16x2048xf32, #tpu.memory_space<vmem>> -> memref<1x16x2048xf32, #tpu.memory_space<vmem>>
    %dma_wait3A_390 = tpu.memref_squeeze %dma_wait3A_389 : memref<1x16x2048xf32, #tpu.memory_space<vmem>> -> memref<16x2048xf32, #tpu.memory_space<vmem>>
    tpu.wait_dma2 semaphore(%arg12 : memref<!tpu.dma_semaphore, #tpu.memory_space<semaphore_mem>>) src(%dma_wait3A_390 : memref<16x2048xf32, #tpu.memory_space<vmem>>) dst(%dma_wait3A_386 : memref<16x2048xf32, #tpu.memory_space<hbm>>)
    %dma_wait3A_391 = arith.constant 0 : i32
    %dma_wait3A_392 = arith.constant 0 : i32
    %dma_wait3A_393 = arith.constant 0 : i32
    %dma_wait3A_394 = tpu.memref_slice %arg6[%dma_wait3A_391, %dma_wait3A_392, %dma_wait3A_393] : memref<3x16x2048xf32, #tpu.memory_space<vmem>> -> memref<1x16x2048xf32, #tpu.memory_space<vmem>>
    %dma_wait3A_395 = tpu.memref_squeeze %dma_wait3A_394 : memref<1x16x2048xf32, #tpu.memory_space<vmem>> -> memref<16x2048xf32, #tpu.memory_space<vmem>>
    %dma_wait3A_396 = arith.constant 0 : i32
    %dma_wait3A_397 = tpu.memref_slice %arg4[%add3A_337, %dma_wait3A_396] : memref<4096x2048xf32, #tpu.memory_space<hbm>> -> memref<16x2048xf32, #tpu.memory_space<hbm>>
    %dma_wait3A_398 = arith.constant 0 : i32
    %dma_wait3A_399 = tpu.memref_slice %arg4[%add3A_337, %dma_wait3A_398] : memref<4096x2048xf32, #tpu.memory_space<hbm>> -> memref<16x2048xf32, #tpu.memory_space<hbm>>
    %dma_wait3A_400 = arith.constant 0 : i32
    %dma_wait3A_401 = arith.constant 0 : i32
    %dma_wait3A_402 = tpu.memref_slice %arg6[%dma_wait3A_391, %dma_wait3A_400, %dma_wait3A_401] : memref<3x16x2048xf32, #tpu.memory_space<vmem>> -> memref<1x16x2048xf32, #tpu.memory_space<vmem>>
    %dma_wait3A_403 = tpu.memref_squeeze %dma_wait3A_402 : memref<1x16x2048xf32, #tpu.memory_space<vmem>> -> memref<16x2048xf32, #tpu.memory_space<vmem>>
    tpu.wait_dma2 semaphore(%arg10 : memref<!tpu.dma_semaphore, #tpu.memory_space<semaphore_mem>>) src(%dma_wait3A_403 : memref<16x2048xf32, #tpu.memory_space<vmem>>) dst(%dma_wait3A_399 : memref<16x2048xf32, #tpu.memory_space<hbm>>)
    %dma_wait3A_404 = arith.constant 1 : i32
    %dma_wait3A_405 = arith.constant 0 : i32
    %dma_wait3A_406 = arith.constant 0 : i32
    %dma_wait3A_407 = tpu.memref_slice %arg6[%dma_wait3A_404, %dma_wait3A_405, %dma_wait3A_406] : memref<3x16x2048xf32, #tpu.memory_space<vmem>> -> memref<1x16x2048xf32, #tpu.memory_space<vmem>>
    %dma_wait3A_408 = tpu.memref_squeeze %dma_wait3A_407 : memref<1x16x2048xf32, #tpu.memory_space<vmem>> -> memref<16x2048xf32, #tpu.memory_space<vmem>>
    %dma_wait3A_409 = arith.constant 0 : i32
    %dma_wait3A_410 = tpu.memref_slice %arg4[%add3A_364, %dma_wait3A_409] : memref<4096x2048xf32, #tpu.memory_space<hbm>> -> memref<16x2048xf32, #tpu.memory_space<hbm>>
    %dma_wait3A_411 = arith.constant 0 : i32
    %dma_wait3A_412 = tpu.memref_slice %arg4[%add3A_364, %dma_wait3A_411] : memref<4096x2048xf32, #tpu.memory_space<hbm>> -> memref<16x2048xf32, #tpu.memory_space<hbm>>
    %dma_wait3A_413 = arith.constant 0 : i32
    %dma_wait3A_414 = arith.constant 0 : i32
    %dma_wait3A_415 = tpu.memref_slice %arg6[%dma_wait3A_404, %dma_wait3A_413, %dma_wait3A_414] : memref<3x16x2048xf32, #tpu.memory_space<vmem>> -> memref<1x16x2048xf32, #tpu.memory_space<vmem>>
    %dma_wait3A_416 = tpu.memref_squeeze %dma_wait3A_415 : memref<1x16x2048xf32, #tpu.memory_space<vmem>> -> memref<16x2048xf32, #tpu.memory_space<vmem>>
    tpu.wait_dma2 semaphore(%arg11 : memref<!tpu.dma_semaphore, #tpu.memory_space<semaphore_mem>>) src(%dma_wait3A_416 : memref<16x2048xf32, #tpu.memory_space<vmem>>) dst(%dma_wait3A_412 : memref<16x2048xf32, #tpu.memory_space<hbm>>)
    return
  }
}

#map = affine_map<(d0, d1) -> (0)>
#map1 = affine_map<(d0, d1) -> (0, 0)>
module attributes {stable_mosaic.version = 14 : i64} {
  func.func @scatter_k(%arg0: i32, %arg1: i32, %arg2: memref<4096xf32, #tpu.memory_space<hbm>>, %arg3: memref<4096xf32, #tpu.memory_space<hbm>>, %arg4: memref<8192xi32, #tpu.memory_space<hbm>>, %arg5: memref<16x4096xf32, #tpu.memory_space<hbm>>, %arg6: memref<8192xf32, #tpu.memory_space<vmem>>, %arg7: memref<8192xi32, #tpu.memory_space<vmem>>, %arg8: memref<4096xf32, #tpu.memory_space<vmem>>, %arg9: memref<!tpu.dma_semaphore, #tpu.memory_space<semaphore_mem>>) attributes {dimension_semantics = [#tpu.dimension_semantics<core_parallel>, #tpu.dimension_semantics<subcore_parallel>], iteration_bounds = array<i64: 1, 16>, scalar_prefetch = 0 : i64, scratch_operands = 4 : i64, tpu.core_type = #tpu.core_type<sc_vector_subcore>, window_params = [{transform_indices = #map}, {transform_indices = #map}, {transform_indices = #map}, {transform_indices = #map1}]} {
    %dma_start3A = arith.constant 0 : i32
    %dma_start3A_0 = tpu.memref_slice %arg6[%dma_start3A] : memref<8192xf32, #tpu.memory_space<vmem>> -> memref<4096xf32, #tpu.memory_space<vmem>>
    %dma_start3A_1 = arith.constant 0 : i32
    %dma_start3A_2 = tpu.memref_slice %arg6[%dma_start3A_1] : memref<8192xf32, #tpu.memory_space<vmem>> -> memref<4096xf32, #tpu.memory_space<vmem>>
    tpu.enqueue_dma source(%arg2 : memref<4096xf32, #tpu.memory_space<hbm>>) target(%dma_start3A_2 : memref<4096xf32, #tpu.memory_space<vmem>>) target_semaphore(%arg9 : memref<!tpu.dma_semaphore, #tpu.memory_space<semaphore_mem>>)
    %dma_start3A_3 = arith.constant 4096 : i32
    %dma_start3A_4 = tpu.memref_slice %arg6[%dma_start3A_3] : memref<8192xf32, #tpu.memory_space<vmem>> -> memref<4096xf32, #tpu.memory_space<vmem>>
    %dma_start3A_5 = arith.constant 4096 : i32
    %dma_start3A_6 = tpu.memref_slice %arg6[%dma_start3A_5] : memref<8192xf32, #tpu.memory_space<vmem>> -> memref<4096xf32, #tpu.memory_space<vmem>>
    tpu.enqueue_dma source(%arg3 : memref<4096xf32, #tpu.memory_space<hbm>>) target(%dma_start3A_6 : memref<4096xf32, #tpu.memory_space<vmem>>) target_semaphore(%arg9 : memref<!tpu.dma_semaphore, #tpu.memory_space<semaphore_mem>>)
    tpu.enqueue_dma source(%arg4 : memref<8192xi32, #tpu.memory_space<hbm>>) target(%arg7 : memref<8192xi32, #tpu.memory_space<vmem>>) target_semaphore(%arg9 : memref<!tpu.dma_semaphore, #tpu.memory_space<semaphore_mem>>)
    %scan3A = arith.constant 0 : i32
    %scan3A_7 = arith.constant 0 : i32
    %scan3A_8 = arith.constant 256 : i32
    %scan3A_9 = arith.addi %scan3A_7, %scan3A_8 : i32
    %scan3A_10 = arith.constant 1 : i32
    %scan3A_11 = scf.for %scan3A_28 = %scan3A_7 to %scan3A_9 step %scan3A_10 iter_args(%scan3A_29 = %scan3A) -> (i32)  : i32 {
      %broadcast_in_dim3A = arith.constant 0.000000e+00 : f32
      %broadcast_in_dim3A_30 = vector.broadcast %broadcast_in_dim3A : f32 to vector<16xf32>
      %mul3A_31 = arith.constant 16 : i32
      %mul3A_32 = arith.muli %scan3A_28, %mul3A_31 : i32
      %swap3A = arith.index_cast %mul3A_32 : i32 to index
      %swap3A_33 = tpu.vector_load %arg8[%swap3A] {strides = array<i32>} : memref<4096xf32, #tpu.memory_space<vmem>>, vector<16xf32>,
      tpu.vector_store %arg8[%swap3A], %broadcast_in_dim3A_30 {strides = array<i32>} : memref<4096xf32, #tpu.memory_space<vmem>>, vector<16xf32>,
      %scan3A_34 = arith.constant 0 : i32
      scf.yield %scan3A_34 : i32
    }
    %scan3A_12 = arith.constant 256 : i32
    %dma_wait3A = arith.constant 0 : i32
    %dma_wait3A_13 = tpu.memref_slice %arg6[%dma_wait3A] : memref<8192xf32, #tpu.memory_space<vmem>> -> memref<4096xf32, #tpu.memory_space<vmem>>
    %dma_wait3A_14 = arith.constant 0 : i32
    %dma_wait3A_15 = tpu.memref_slice %arg6[%dma_wait3A_14] : memref<8192xf32, #tpu.memory_space<vmem>> -> memref<4096xf32, #tpu.memory_space<vmem>>
    tpu.wait_dma2 semaphore(%arg9 : memref<!tpu.dma_semaphore, #tpu.memory_space<semaphore_mem>>) src(%arg2 : memref<4096xf32, #tpu.memory_space<hbm>>) dst(%dma_wait3A_15 : memref<4096xf32, #tpu.memory_space<vmem>>)
    %dma_wait3A_16 = arith.constant 4096 : i32
    %dma_wait3A_17 = tpu.memref_slice %arg6[%dma_wait3A_16] : memref<8192xf32, #tpu.memory_space<vmem>> -> memref<4096xf32, #tpu.memory_space<vmem>>
    %dma_wait3A_18 = arith.constant 4096 : i32
    %dma_wait3A_19 = tpu.memref_slice %arg6[%dma_wait3A_18] : memref<8192xf32, #tpu.memory_space<vmem>> -> memref<4096xf32, #tpu.memory_space<vmem>>
    tpu.wait_dma2 semaphore(%arg9 : memref<!tpu.dma_semaphore, #tpu.memory_space<semaphore_mem>>) src(%arg3 : memref<4096xf32, #tpu.memory_space<hbm>>) dst(%dma_wait3A_19 : memref<4096xf32, #tpu.memory_space<vmem>>)
    tpu.wait_dma2 semaphore(%arg9 : memref<!tpu.dma_semaphore, #tpu.memory_space<semaphore_mem>>) src(%arg4 : memref<8192xi32, #tpu.memory_space<hbm>>) dst(%arg7 : memref<8192xi32, #tpu.memory_space<vmem>>)
    %mul3A = arith.constant 4096 : i32
    %mul3A_20 = arith.muli %arg1, %mul3A : i32
    %scan3A_21 = arith.constant 0 : i32
    %scan3A_22 = arith.constant 0 : i32
    %scan3A_23 = arith.constant 64 : i32
    %scan3A_24 = arith.addi %scan3A_22, %scan3A_23 : i32
    %scan3A_25 = arith.constant 1 : i32
    %scan3A_26 = scf.for %scan3A_28 = %scan3A_22 to %scan3A_24 step %scan3A_25 iter_args(%scan3A_29 = %scan3A_21) -> (i32)  : i32 {
      %mul3A_30 = arith.constant 128 : i32
      %mul3A_31 = arith.muli %scan3A_28, %mul3A_30 : i32
      %add3A = arith.constant 0 : i32
      %add3A_32 = arith.addi %mul3A_31, %add3A : i32
      %get3A = arith.index_cast %add3A_32 : i32 to index
      %get3A_33 = tpu.vector_load %arg7[%get3A] {strides = array<i32>} : memref<8192xi32, #tpu.memory_space<vmem>>, vector<16xi32>,
      %add3A_34 = arith.constant 0 : i32
      %add3A_35 = arith.addi %mul3A_31, %add3A_34 : i32
      %get3A_36 = arith.index_cast %add3A_35 : i32 to index
      %get3A_37 = tpu.vector_load %arg6[%get3A_36] {strides = array<i32>} : memref<8192xf32, #tpu.memory_space<vmem>>, vector<16xf32>,
      %sub3A = vector.broadcast %mul3A_20 : i32 to vector<16xi32>
      %sub3A_38 = arith.subi %get3A_33, %sub3A : vector<16xi32>
      %ge3A = arith.constant 0 : i32
      %ge3A_39 = vector.broadcast %ge3A : i32 to vector<16xi32>
      %ge3A_40 = arith.cmpi sge, %sub3A_38, %ge3A_39 : vector<16xi32>
      %lt3A = arith.constant 4096 : i32
      %lt3A_41 = vector.broadcast %lt3A : i32 to vector<16xi32>
      %lt3A_42 = arith.cmpi slt, %sub3A_38, %lt3A_41 : vector<16xi32>
      %and3A = arith.andi %ge3A_40, %lt3A_42 : vector<16xi1>
      tpu.vector_store_idx %arg8[%sub3A_38], %get3A_37 masked %and3A : memref<4096xf32, #tpu.memory_space<vmem>>[vector<16xi32>], vector<16xf32>, vector<16xi1>
      %add3A_43 = arith.constant 16 : i32
      %add3A_44 = arith.addi %mul3A_31, %add3A_43 : i32
      %get3A_45 = arith.index_cast %add3A_44 : i32 to index
      %get3A_46 = tpu.vector_load %arg7[%get3A_45] {strides = array<i32>} : memref<8192xi32, #tpu.memory_space<vmem>>, vector<16xi32>,
      %add3A_47 = arith.constant 16 : i32
      %add3A_48 = arith.addi %mul3A_31, %add3A_47 : i32
      %get3A_49 = arith.index_cast %add3A_48 : i32 to index
      %get3A_50 = tpu.vector_load %arg6[%get3A_49] {strides = array<i32>} : memref<8192xf32, #tpu.memory_space<vmem>>, vector<16xf32>,
      %sub3A_51 = vector.broadcast %mul3A_20 : i32 to vector<16xi32>
      %sub3A_52 = arith.subi %get3A_46, %sub3A_51 : vector<16xi32>
      %ge3A_53 = arith.constant 0 : i32
      %ge3A_54 = vector.broadcast %ge3A_53 : i32 to vector<16xi32>
      %ge3A_55 = arith.cmpi sge, %sub3A_52, %ge3A_54 : vector<16xi32>
      %lt3A_56 = arith.constant 4096 : i32
      %lt3A_57 = vector.broadcast %lt3A_56 : i32 to vector<16xi32>
      %lt3A_58 = arith.cmpi slt, %sub3A_52, %lt3A_57 : vector<16xi32>
      %and3A_59 = arith.andi %ge3A_55, %lt3A_58 : vector<16xi1>
      tpu.vector_store_idx %arg8[%sub3A_52], %get3A_50 masked %and3A_59 : memref<4096xf32, #tpu.memory_space<vmem>>[vector<16xi32>], vector<16xf32>, vector<16xi1>
      %add3A_60 = arith.constant 32 : i32
      %add3A_61 = arith.addi %mul3A_31, %add3A_60 : i32
      %get3A_62 = arith.index_cast %add3A_61 : i32 to index
      %get3A_63 = tpu.vector_load %arg7[%get3A_62] {strides = array<i32>} : memref<8192xi32, #tpu.memory_space<vmem>>, vector<16xi32>,
      %add3A_64 = arith.constant 32 : i32
      %add3A_65 = arith.addi %mul3A_31, %add3A_64 : i32
      %get3A_66 = arith.index_cast %add3A_65 : i32 to index
      %get3A_67 = tpu.vector_load %arg6[%get3A_66] {strides = array<i32>} : memref<8192xf32, #tpu.memory_space<vmem>>, vector<16xf32>,
      %sub3A_68 = vector.broadcast %mul3A_20 : i32 to vector<16xi32>
      %sub3A_69 = arith.subi %get3A_63, %sub3A_68 : vector<16xi32>
      %ge3A_70 = arith.constant 0 : i32
      %ge3A_71 = vector.broadcast %ge3A_70 : i32 to vector<16xi32>
      %ge3A_72 = arith.cmpi sge, %sub3A_69, %ge3A_71 : vector<16xi32>
      %lt3A_73 = arith.constant 4096 : i32
      %lt3A_74 = vector.broadcast %lt3A_73 : i32 to vector<16xi32>
      %lt3A_75 = arith.cmpi slt, %sub3A_69, %lt3A_74 : vector<16xi32>
      %and3A_76 = arith.andi %ge3A_72, %lt3A_75 : vector<16xi1>
      tpu.vector_store_idx %arg8[%sub3A_69], %get3A_67 masked %and3A_76 : memref<4096xf32, #tpu.memory_space<vmem>>[vector<16xi32>], vector<16xf32>, vector<16xi1>
      %add3A_77 = arith.constant 48 : i32
      %add3A_78 = arith.addi %mul3A_31, %add3A_77 : i32
      %get3A_79 = arith.index_cast %add3A_78 : i32 to index
      %get3A_80 = tpu.vector_load %arg7[%get3A_79] {strides = array<i32>} : memref<8192xi32, #tpu.memory_space<vmem>>, vector<16xi32>,
      %add3A_81 = arith.constant 48 : i32
      %add3A_82 = arith.addi %mul3A_31, %add3A_81 : i32
      %get3A_83 = arith.index_cast %add3A_82 : i32 to index
      %get3A_84 = tpu.vector_load %arg6[%get3A_83] {strides = array<i32>} : memref<8192xf32, #tpu.memory_space<vmem>>, vector<16xf32>,
      %sub3A_85 = vector.broadcast %mul3A_20 : i32 to vector<16xi32>
      %sub3A_86 = arith.subi %get3A_80, %sub3A_85 : vector<16xi32>
      %ge3A_87 = arith.constant 0 : i32
      %ge3A_88 = vector.broadcast %ge3A_87 : i32 to vector<16xi32>
      %ge3A_89 = arith.cmpi sge, %sub3A_86, %ge3A_88 : vector<16xi32>
      %lt3A_90 = arith.constant 4096 : i32
      %lt3A_91 = vector.broadcast %lt3A_90 : i32 to vector<16xi32>
      %lt3A_92 = arith.cmpi slt, %sub3A_86, %lt3A_91 : vector<16xi32>
      %and3A_93 = arith.andi %ge3A_89, %lt3A_92 : vector<16xi1>
      tpu.vector_store_idx %arg8[%sub3A_86], %get3A_84 masked %and3A_93 : memref<4096xf32, #tpu.memory_space<vmem>>[vector<16xi32>], vector<16xf32>, vector<16xi1>
      %add3A_94 = arith.constant 64 : i32
      %add3A_95 = arith.addi %mul3A_31, %add3A_94 : i32
      %get3A_96 = arith.index_cast %add3A_95 : i32 to index
      %get3A_97 = tpu.vector_load %arg7[%get3A_96] {strides = array<i32>} : memref<8192xi32, #tpu.memory_space<vmem>>, vector<16xi32>,
      %add3A_98 = arith.constant 64 : i32
      %add3A_99 = arith.addi %mul3A_31, %add3A_98 : i32
      %get3A_100 = arith.index_cast %add3A_99 : i32 to index
      %get3A_101 = tpu.vector_load %arg6[%get3A_100] {strides = array<i32>} : memref<8192xf32, #tpu.memory_space<vmem>>, vector<16xf32>,
      %sub3A_102 = vector.broadcast %mul3A_20 : i32 to vector<16xi32>
      %sub3A_103 = arith.subi %get3A_97, %sub3A_102 : vector<16xi32>
      %ge3A_104 = arith.constant 0 : i32
      %ge3A_105 = vector.broadcast %ge3A_104 : i32 to vector<16xi32>
      %ge3A_106 = arith.cmpi sge, %sub3A_103, %ge3A_105 : vector<16xi32>
      %lt3A_107 = arith.constant 4096 : i32
      %lt3A_108 = vector.broadcast %lt3A_107 : i32 to vector<16xi32>
      %lt3A_109 = arith.cmpi slt, %sub3A_103, %lt3A_108 : vector<16xi32>
      %and3A_110 = arith.andi %ge3A_106, %lt3A_109 : vector<16xi1>
      tpu.vector_store_idx %arg8[%sub3A_103], %get3A_101 masked %and3A_110 : memref<4096xf32, #tpu.memory_space<vmem>>[vector<16xi32>], vector<16xf32>, vector<16xi1>
      %add3A_111 = arith.constant 80 : i32
      %add3A_112 = arith.addi %mul3A_31, %add3A_111 : i32
      %get3A_113 = arith.index_cast %add3A_112 : i32 to index
      %get3A_114 = tpu.vector_load %arg7[%get3A_113] {strides = array<i32>} : memref<8192xi32, #tpu.memory_space<vmem>>, vector<16xi32>,
      %add3A_115 = arith.constant 80 : i32
      %add3A_116 = arith.addi %mul3A_31, %add3A_115 : i32
      %get3A_117 = arith.index_cast %add3A_116 : i32 to index
      %get3A_118 = tpu.vector_load %arg6[%get3A_117] {strides = array<i32>} : memref<8192xf32, #tpu.memory_space<vmem>>, vector<16xf32>,
      %sub3A_119 = vector.broadcast %mul3A_20 : i32 to vector<16xi32>
      %sub3A_120 = arith.subi %get3A_114, %sub3A_119 : vector<16xi32>
      %ge3A_121 = arith.constant 0 : i32
      %ge3A_122 = vector.broadcast %ge3A_121 : i32 to vector<16xi32>
      %ge3A_123 = arith.cmpi sge, %sub3A_120, %ge3A_122 : vector<16xi32>
      %lt3A_124 = arith.constant 4096 : i32
      %lt3A_125 = vector.broadcast %lt3A_124 : i32 to vector<16xi32>
      %lt3A_126 = arith.cmpi slt, %sub3A_120, %lt3A_125 : vector<16xi32>
      %and3A_127 = arith.andi %ge3A_123, %lt3A_126 : vector<16xi1>
      tpu.vector_store_idx %arg8[%sub3A_120], %get3A_118 masked %and3A_127 : memref<4096xf32, #tpu.memory_space<vmem>>[vector<16xi32>], vector<16xf32>, vector<16xi1>
      %add3A_128 = arith.constant 96 : i32
      %add3A_129 = arith.addi %mul3A_31, %add3A_128 : i32
      %get3A_130 = arith.index_cast %add3A_129 : i32 to index
      %get3A_131 = tpu.vector_load %arg7[%get3A_130] {strides = array<i32>} : memref<8192xi32, #tpu.memory_space<vmem>>, vector<16xi32>,
      %add3A_132 = arith.constant 96 : i32
      %add3A_133 = arith.addi %mul3A_31, %add3A_132 : i32
      %get3A_134 = arith.index_cast %add3A_133 : i32 to index
      %get3A_135 = tpu.vector_load %arg6[%get3A_134] {strides = array<i32>} : memref<8192xf32, #tpu.memory_space<vmem>>, vector<16xf32>,
      %sub3A_136 = vector.broadcast %mul3A_20 : i32 to vector<16xi32>
      %sub3A_137 = arith.subi %get3A_131, %sub3A_136 : vector<16xi32>
      %ge3A_138 = arith.constant 0 : i32
      %ge3A_139 = vector.broadcast %ge3A_138 : i32 to vector<16xi32>
      %ge3A_140 = arith.cmpi sge, %sub3A_137, %ge3A_139 : vector<16xi32>
      %lt3A_141 = arith.constant 4096 : i32
      %lt3A_142 = vector.broadcast %lt3A_141 : i32 to vector<16xi32>
      %lt3A_143 = arith.cmpi slt, %sub3A_137, %lt3A_142 : vector<16xi32>
      %and3A_144 = arith.andi %ge3A_140, %lt3A_143 : vector<16xi1>
      tpu.vector_store_idx %arg8[%sub3A_137], %get3A_135 masked %and3A_144 : memref<4096xf32, #tpu.memory_space<vmem>>[vector<16xi32>], vector<16xf32>, vector<16xi1>
      %add3A_145 = arith.constant 112 : i32
      %add3A_146 = arith.addi %mul3A_31, %add3A_145 : i32
      %get3A_147 = arith.index_cast %add3A_146 : i32 to index
      %get3A_148 = tpu.vector_load %arg7[%get3A_147] {strides = array<i32>} : memref<8192xi32, #tpu.memory_space<vmem>>, vector<16xi32>,
      %add3A_149 = arith.constant 112 : i32
      %add3A_150 = arith.addi %mul3A_31, %add3A_149 : i32
      %get3A_151 = arith.index_cast %add3A_150 : i32 to index
      %get3A_152 = tpu.vector_load %arg6[%get3A_151] {strides = array<i32>} : memref<8192xf32, #tpu.memory_space<vmem>>, vector<16xf32>,
      %sub3A_153 = vector.broadcast %mul3A_20 : i32 to vector<16xi32>
      %sub3A_154 = arith.subi %get3A_148, %sub3A_153 : vector<16xi32>
      %ge3A_155 = arith.constant 0 : i32
      %ge3A_156 = vector.broadcast %ge3A_155 : i32 to vector<16xi32>
      %ge3A_157 = arith.cmpi sge, %sub3A_154, %ge3A_156 : vector<16xi32>
      %lt3A_158 = arith.constant 4096 : i32
      %lt3A_159 = vector.broadcast %lt3A_158 : i32 to vector<16xi32>
      %lt3A_160 = arith.cmpi slt, %sub3A_154, %lt3A_159 : vector<16xi32>
      %and3A_161 = arith.andi %ge3A_157, %lt3A_160 : vector<16xi1>
      tpu.vector_store_idx %arg8[%sub3A_154], %get3A_152 masked %and3A_161 : memref<4096xf32, #tpu.memory_space<vmem>>[vector<16xi32>], vector<16xf32>, vector<16xi1>
      %scan3A_162 = arith.constant 0 : i32
      scf.yield %scan3A_162 : i32
    }
    %scan3A_27 = arith.constant 64 : i32
    "tpu.region"() ({
      %run_scoped3A = tpu.sem_alloc : memref<!tpu.dma_semaphore, #tpu.memory_space<semaphore_mem>>
      %dma_start3A_28 = arith.constant 0 : i32
      %dma_start3A_29 = tpu.memref_slice %arg5[%arg1, %dma_start3A_28] : memref<16x4096xf32, #tpu.memory_space<hbm>> -> memref<1x4096xf32, #tpu.memory_space<hbm>>
      %dma_start3A_30 = tpu.memref_squeeze %dma_start3A_29 : memref<1x4096xf32, #tpu.memory_space<hbm>> -> memref<4096xf32, #tpu.memory_space<hbm>>
      %dma_start3A_31 = arith.constant 0 : i32
      %dma_start3A_32 = tpu.memref_slice %arg5[%arg1, %dma_start3A_31] : memref<16x4096xf32, #tpu.memory_space<hbm>> -> memref<1x4096xf32, #tpu.memory_space<hbm>>
      %dma_start3A_33 = tpu.memref_squeeze %dma_start3A_32 : memref<1x4096xf32, #tpu.memory_space<hbm>> -> memref<4096xf32, #tpu.memory_space<hbm>>
      tpu.enqueue_dma source(%arg8 : memref<4096xf32, #tpu.memory_space<vmem>>) target(%dma_start3A_33 : memref<4096xf32, #tpu.memory_space<hbm>>) target_semaphore(%run_scoped3A : memref<!tpu.dma_semaphore, #tpu.memory_space<semaphore_mem>>)
      %dma_wait3A_34 = arith.constant 0 : i32
      %dma_wait3A_35 = tpu.memref_slice %arg5[%arg1, %dma_wait3A_34] : memref<16x4096xf32, #tpu.memory_space<hbm>> -> memref<1x4096xf32, #tpu.memory_space<hbm>>
      %dma_wait3A_36 = tpu.memref_squeeze %dma_wait3A_35 : memref<1x4096xf32, #tpu.memory_space<hbm>> -> memref<4096xf32, #tpu.memory_space<hbm>>
      %dma_wait3A_37 = arith.constant 0 : i32
      %dma_wait3A_38 = tpu.memref_slice %arg5[%arg1, %dma_wait3A_37] : memref<16x4096xf32, #tpu.memory_space<hbm>> -> memref<1x4096xf32, #tpu.memory_space<hbm>>
      %dma_wait3A_39 = tpu.memref_squeeze %dma_wait3A_38 : memref<1x4096xf32, #tpu.memory_space<hbm>> -> memref<4096xf32, #tpu.memory_space<hbm>>
      tpu.wait_dma2 semaphore(%run_scoped3A : memref<!tpu.dma_semaphore, #tpu.memory_space<semaphore_mem>>) src(%arg8 : memref<4096xf32, #tpu.memory_space<vmem>>) dst(%dma_wait3A_39 : memref<4096xf32, #tpu.memory_space<hbm>>)
      tpu.yield
    }) : () -> ()
    return
  }
}

module attributes {stable_mosaic.version = 14 : i64} {
  func.func @body(%arg0: memref<64x128xi32, #tpu.memory_space<vmem>>, %arg1: memref<8x128xi32, #tpu.memory_space<vmem>>, %arg2: memref<64x128xi32, #tpu.memory_space<vmem>>) attributes {dimension_semantics = [], scalar_prefetch = 0 : i64, scratch_operands = 0 : i64, tpu.core_type = #tpu.core_type<tc>} {
    %get3A = arith.constant 0 : index
    %get3A_0 = arith.constant 0 : index
    %get3A_1 = vector.load %arg0[%get3A, %get3A_0] : memref<64x128xi32, #tpu.memory_space<vmem>>, vector<64x128xi32>
    %broadcast_in_dim3A = arith.constant 0 : i32
    %broadcast_in_dim3A_2 = vector.broadcast %broadcast_in_dim3A : i32 to vector<64x128xi32>
    %broadcast_in_dim3A_3 = arith.constant 0 : i32
    %broadcast_in_dim3A_4 = vector.broadcast %broadcast_in_dim3A_3 : i32 to vector<64x128xi32>
    %get3A_5 = arith.constant 0 : index
    %get3A_6 = arith.constant 1 : index
    %get3A_7 = vector.load %arg1[%get3A_5, %get3A_6] : memref<8x128xi32, #tpu.memory_space<vmem>>, vector<1x1xi32>
    %get3A_8 = vector.extract %get3A_7[0, 0] : i32 from vector<1x1xi32>
    %ge3A = vector.broadcast %get3A_8 : i32 to vector<64x128xi32>
    %ge3A_9 = arith.cmpi sge, %get3A_1, %ge3A : vector<64x128xi32>
    %jit3A = arith.constant 1 : i32
    %jit3A_10 = arith.constant 0 : i32
    %broadcast_in_dim3A_11 = vector.broadcast %jit3A : i32 to vector<64x128xi32>
    %broadcast_in_dim3A_12 = vector.broadcast %jit3A_10 : i32 to vector<64x128xi32>
    %select_n3A = arith.select %ge3A_9, %broadcast_in_dim3A_11, %broadcast_in_dim3A_12 : vector<64x128xi1>, vector<64x128xi32>
    %add3A = arith.addi %broadcast_in_dim3A_2, %select_n3A : vector<64x128xi32>
    %get3A_13 = arith.constant 0 : index
    %get3A_14 = arith.constant 2 : index
    %get3A_15 = vector.load %arg1[%get3A_13, %get3A_14] : memref<8x128xi32, #tpu.memory_space<vmem>>, vector<1x1xi32>
    %get3A_16 = vector.extract %get3A_15[0, 0] : i32 from vector<1x1xi32>
    %ge3A_17 = vector.broadcast %get3A_16 : i32 to vector<64x128xi32>
    %ge3A_18 = arith.cmpi sge, %get3A_1, %ge3A_17 : vector<64x128xi32>
    %jit3A_19 = arith.constant 1 : i32
    %jit3A_20 = arith.constant 0 : i32
    %broadcast_in_dim3A_21 = vector.broadcast %jit3A_19 : i32 to vector<64x128xi32>
    %broadcast_in_dim3A_22 = vector.broadcast %jit3A_20 : i32 to vector<64x128xi32>
    %select_n3A_23 = arith.select %ge3A_18, %broadcast_in_dim3A_21, %broadcast_in_dim3A_22 : vector<64x128xi1>, vector<64x128xi32>
    %add3A_24 = arith.addi %add3A, %select_n3A_23 : vector<64x128xi32>
    %get3A_25 = arith.constant 0 : index
    %get3A_26 = arith.constant 3 : index
    %get3A_27 = vector.load %arg1[%get3A_25, %get3A_26] : memref<8x128xi32, #tpu.memory_space<vmem>>, vector<1x1xi32>
    %get3A_28 = vector.extract %get3A_27[0, 0] : i32 from vector<1x1xi32>
    %ge3A_29 = vector.broadcast %get3A_28 : i32 to vector<64x128xi32>
    %ge3A_30 = arith.cmpi sge, %get3A_1, %ge3A_29 : vector<64x128xi32>
    %jit3A_31 = arith.constant 1 : i32
    %jit3A_32 = arith.constant 0 : i32
    %broadcast_in_dim3A_33 = vector.broadcast %jit3A_31 : i32 to vector<64x128xi32>
    %broadcast_in_dim3A_34 = vector.broadcast %jit3A_32 : i32 to vector<64x128xi32>
    %select_n3A_35 = arith.select %ge3A_30, %broadcast_in_dim3A_33, %broadcast_in_dim3A_34 : vector<64x128xi1>, vector<64x128xi32>
    %add3A_36 = arith.addi %add3A_24, %select_n3A_35 : vector<64x128xi32>
    %get3A_37 = arith.constant 0 : index
    %get3A_38 = arith.constant 4 : index
    %get3A_39 = vector.load %arg1[%get3A_37, %get3A_38] : memref<8x128xi32, #tpu.memory_space<vmem>>, vector<1x1xi32>
    %get3A_40 = vector.extract %get3A_39[0, 0] : i32 from vector<1x1xi32>
    %ge3A_41 = vector.broadcast %get3A_40 : i32 to vector<64x128xi32>
    %ge3A_42 = arith.cmpi sge, %get3A_1, %ge3A_41 : vector<64x128xi32>
    %jit3A_43 = arith.constant 1 : i32
    %jit3A_44 = arith.constant 0 : i32
    %broadcast_in_dim3A_45 = vector.broadcast %jit3A_43 : i32 to vector<64x128xi32>
    %broadcast_in_dim3A_46 = vector.broadcast %jit3A_44 : i32 to vector<64x128xi32>
    %select_n3A_47 = arith.select %ge3A_42, %broadcast_in_dim3A_45, %broadcast_in_dim3A_46 : vector<64x128xi1>, vector<64x128xi32>
    %add3A_48 = arith.addi %add3A_36, %select_n3A_47 : vector<64x128xi32>
    %get3A_49 = arith.constant 0 : index
    %get3A_50 = arith.constant 5 : index
    %get3A_51 = vector.load %arg1[%get3A_49, %get3A_50] : memref<8x128xi32, #tpu.memory_space<vmem>>, vector<1x1xi32>
    %get3A_52 = vector.extract %get3A_51[0, 0] : i32 from vector<1x1xi32>
    %ge3A_53 = vector.broadcast %get3A_52 : i32 to vector<64x128xi32>
    %ge3A_54 = arith.cmpi sge, %get3A_1, %ge3A_53 : vector<64x128xi32>
    %jit3A_55 = arith.constant 1 : i32
    %jit3A_56 = arith.constant 0 : i32
    %broadcast_in_dim3A_57 = vector.broadcast %jit3A_55 : i32 to vector<64x128xi32>
    %broadcast_in_dim3A_58 = vector.broadcast %jit3A_56 : i32 to vector<64x128xi32>
    %select_n3A_59 = arith.select %ge3A_54, %broadcast_in_dim3A_57, %broadcast_in_dim3A_58 : vector<64x128xi1>, vector<64x128xi32>
    %add3A_60 = arith.addi %add3A_48, %select_n3A_59 : vector<64x128xi32>
    %get3A_61 = arith.constant 0 : index
    %get3A_62 = arith.constant 6 : index
    %get3A_63 = vector.load %arg1[%get3A_61, %get3A_62] : memref<8x128xi32, #tpu.memory_space<vmem>>, vector<1x1xi32>
    %get3A_64 = vector.extract %get3A_63[0, 0] : i32 from vector<1x1xi32>
    %ge3A_65 = vector.broadcast %get3A_64 : i32 to vector<64x128xi32>
    %ge3A_66 = arith.cmpi sge, %get3A_1, %ge3A_65 : vector<64x128xi32>
    %jit3A_67 = arith.constant 1 : i32
    %jit3A_68 = arith.constant 0 : i32
    %broadcast_in_dim3A_69 = vector.broadcast %jit3A_67 : i32 to vector<64x128xi32>
    %broadcast_in_dim3A_70 = vector.broadcast %jit3A_68 : i32 to vector<64x128xi32>
    %select_n3A_71 = arith.select %ge3A_66, %broadcast_in_dim3A_69, %broadcast_in_dim3A_70 : vector<64x128xi1>, vector<64x128xi32>
    %add3A_72 = arith.addi %add3A_60, %select_n3A_71 : vector<64x128xi32>
    %get3A_73 = arith.constant 0 : index
    %get3A_74 = arith.constant 7 : index
    %get3A_75 = vector.load %arg1[%get3A_73, %get3A_74] : memref<8x128xi32, #tpu.memory_space<vmem>>, vector<1x1xi32>
    %get3A_76 = vector.extract %get3A_75[0, 0] : i32 from vector<1x1xi32>
    %ge3A_77 = vector.broadcast %get3A_76 : i32 to vector<64x128xi32>
    %ge3A_78 = arith.cmpi sge, %get3A_1, %ge3A_77 : vector<64x128xi32>
    %jit3A_79 = arith.constant 1 : i32
    %jit3A_80 = arith.constant 0 : i32
    %broadcast_in_dim3A_81 = vector.broadcast %jit3A_79 : i32 to vector<64x128xi32>
    %broadcast_in_dim3A_82 = vector.broadcast %jit3A_80 : i32 to vector<64x128xi32>
    %select_n3A_83 = arith.select %ge3A_78, %broadcast_in_dim3A_81, %broadcast_in_dim3A_82 : vector<64x128xi1>, vector<64x128xi32>
    %add3A_84 = arith.addi %add3A_72, %select_n3A_83 : vector<64x128xi32>
    %get3A_85 = arith.constant 0 : index
    %get3A_86 = arith.constant 8 : index
    %get3A_87 = vector.load %arg1[%get3A_85, %get3A_86] : memref<8x128xi32, #tpu.memory_space<vmem>>, vector<1x1xi32>
    %get3A_88 = vector.extract %get3A_87[0, 0] : i32 from vector<1x1xi32>
    %ge3A_89 = vector.broadcast %get3A_88 : i32 to vector<64x128xi32>
    %ge3A_90 = arith.cmpi sge, %get3A_1, %ge3A_89 : vector<64x128xi32>
    %jit3A_91 = arith.constant 1 : i32
    %jit3A_92 = arith.constant 0 : i32
    %broadcast_in_dim3A_93 = vector.broadcast %jit3A_91 : i32 to vector<64x128xi32>
    %broadcast_in_dim3A_94 = vector.broadcast %jit3A_92 : i32 to vector<64x128xi32>
    %select_n3A_95 = arith.select %ge3A_90, %broadcast_in_dim3A_93, %broadcast_in_dim3A_94 : vector<64x128xi1>, vector<64x128xi32>
    %add3A_96 = arith.addi %add3A_84, %select_n3A_95 : vector<64x128xi32>
    %get3A_97 = arith.constant 0 : index
    %get3A_98 = arith.constant 9 : index
    %get3A_99 = vector.load %arg1[%get3A_97, %get3A_98] : memref<8x128xi32, #tpu.memory_space<vmem>>, vector<1x1xi32>
    %get3A_100 = vector.extract %get3A_99[0, 0] : i32 from vector<1x1xi32>
    %ge3A_101 = vector.broadcast %get3A_100 : i32 to vector<64x128xi32>
    %ge3A_102 = arith.cmpi sge, %get3A_1, %ge3A_101 : vector<64x128xi32>
    %jit3A_103 = arith.constant 1 : i32
    %jit3A_104 = arith.constant 0 : i32
    %broadcast_in_dim3A_105 = vector.broadcast %jit3A_103 : i32 to vector<64x128xi32>
    %broadcast_in_dim3A_106 = vector.broadcast %jit3A_104 : i32 to vector<64x128xi32>
    %select_n3A_107 = arith.select %ge3A_102, %broadcast_in_dim3A_105, %broadcast_in_dim3A_106 : vector<64x128xi1>, vector<64x128xi32>
    %add3A_108 = arith.addi %add3A_96, %select_n3A_107 : vector<64x128xi32>
    %get3A_109 = arith.constant 0 : index
    %get3A_110 = arith.constant 10 : index
    %get3A_111 = vector.load %arg1[%get3A_109, %get3A_110] : memref<8x128xi32, #tpu.memory_space<vmem>>, vector<1x1xi32>
    %get3A_112 = vector.extract %get3A_111[0, 0] : i32 from vector<1x1xi32>
    %ge3A_113 = vector.broadcast %get3A_112 : i32 to vector<64x128xi32>
    %ge3A_114 = arith.cmpi sge, %get3A_1, %ge3A_113 : vector<64x128xi32>
    %jit3A_115 = arith.constant 1 : i32
    %jit3A_116 = arith.constant 0 : i32
    %broadcast_in_dim3A_117 = vector.broadcast %jit3A_115 : i32 to vector<64x128xi32>
    %broadcast_in_dim3A_118 = vector.broadcast %jit3A_116 : i32 to vector<64x128xi32>
    %select_n3A_119 = arith.select %ge3A_114, %broadcast_in_dim3A_117, %broadcast_in_dim3A_118 : vector<64x128xi1>, vector<64x128xi32>
    %add3A_120 = arith.addi %add3A_108, %select_n3A_119 : vector<64x128xi32>
    %get3A_121 = arith.constant 0 : index
    %get3A_122 = arith.constant 11 : index
    %get3A_123 = vector.load %arg1[%get3A_121, %get3A_122] : memref<8x128xi32, #tpu.memory_space<vmem>>, vector<1x1xi32>
    %get3A_124 = vector.extract %get3A_123[0, 0] : i32 from vector<1x1xi32>
    %ge3A_125 = vector.broadcast %get3A_124 : i32 to vector<64x128xi32>
    %ge3A_126 = arith.cmpi sge, %get3A_1, %ge3A_125 : vector<64x128xi32>
    %jit3A_127 = arith.constant 1 : i32
    %jit3A_128 = arith.constant 0 : i32
    %broadcast_in_dim3A_129 = vector.broadcast %jit3A_127 : i32 to vector<64x128xi32>
    %broadcast_in_dim3A_130 = vector.broadcast %jit3A_128 : i32 to vector<64x128xi32>
    %select_n3A_131 = arith.select %ge3A_126, %broadcast_in_dim3A_129, %broadcast_in_dim3A_130 : vector<64x128xi1>, vector<64x128xi32>
    %add3A_132 = arith.addi %add3A_120, %select_n3A_131 : vector<64x128xi32>
    %get3A_133 = arith.constant 0 : index
    %get3A_134 = arith.constant 12 : index
    %get3A_135 = vector.load %arg1[%get3A_133, %get3A_134] : memref<8x128xi32, #tpu.memory_space<vmem>>, vector<1x1xi32>
    %get3A_136 = vector.extract %get3A_135[0, 0] : i32 from vector<1x1xi32>
    %ge3A_137 = vector.broadcast %get3A_136 : i32 to vector<64x128xi32>
    %ge3A_138 = arith.cmpi sge, %get3A_1, %ge3A_137 : vector<64x128xi32>
    %jit3A_139 = arith.constant 1 : i32
    %jit3A_140 = arith.constant 0 : i32
    %broadcast_in_dim3A_141 = vector.broadcast %jit3A_139 : i32 to vector<64x128xi32>
    %broadcast_in_dim3A_142 = vector.broadcast %jit3A_140 : i32 to vector<64x128xi32>
    %select_n3A_143 = arith.select %ge3A_138, %broadcast_in_dim3A_141, %broadcast_in_dim3A_142 : vector<64x128xi1>, vector<64x128xi32>
    %add3A_144 = arith.addi %add3A_132, %select_n3A_143 : vector<64x128xi32>
    %get3A_145 = arith.constant 0 : index
    %get3A_146 = arith.constant 13 : index
    %get3A_147 = vector.load %arg1[%get3A_145, %get3A_146] : memref<8x128xi32, #tpu.memory_space<vmem>>, vector<1x1xi32>
    %get3A_148 = vector.extract %get3A_147[0, 0] : i32 from vector<1x1xi32>
    %ge3A_149 = vector.broadcast %get3A_148 : i32 to vector<64x128xi32>
    %ge3A_150 = arith.cmpi sge, %get3A_1, %ge3A_149 : vector<64x128xi32>
    %jit3A_151 = arith.constant 1 : i32
    %jit3A_152 = arith.constant 0 : i32
    %broadcast_in_dim3A_153 = vector.broadcast %jit3A_151 : i32 to vector<64x128xi32>
    %broadcast_in_dim3A_154 = vector.broadcast %jit3A_152 : i32 to vector<64x128xi32>
    %select_n3A_155 = arith.select %ge3A_150, %broadcast_in_dim3A_153, %broadcast_in_dim3A_154 : vector<64x128xi1>, vector<64x128xi32>
    %add3A_156 = arith.addi %add3A_144, %select_n3A_155 : vector<64x128xi32>
    %get3A_157 = arith.constant 0 : index
    %get3A_158 = arith.constant 14 : index
    %get3A_159 = vector.load %arg1[%get3A_157, %get3A_158] : memref<8x128xi32, #tpu.memory_space<vmem>>, vector<1x1xi32>
    %get3A_160 = vector.extract %get3A_159[0, 0] : i32 from vector<1x1xi32>
    %ge3A_161 = vector.broadcast %get3A_160 : i32 to vector<64x128xi32>
    %ge3A_162 = arith.cmpi sge, %get3A_1, %ge3A_161 : vector<64x128xi32>
    %jit3A_163 = arith.constant 1 : i32
    %jit3A_164 = arith.constant 0 : i32
    %broadcast_in_dim3A_165 = vector.broadcast %jit3A_163 : i32 to vector<64x128xi32>
    %broadcast_in_dim3A_166 = vector.broadcast %jit3A_164 : i32 to vector<64x128xi32>
    %select_n3A_167 = arith.select %ge3A_162, %broadcast_in_dim3A_165, %broadcast_in_dim3A_166 : vector<64x128xi1>, vector<64x128xi32>
    %add3A_168 = arith.addi %add3A_156, %select_n3A_167 : vector<64x128xi32>
    %get3A_169 = arith.constant 0 : index
    %get3A_170 = arith.constant 15 : index
    %get3A_171 = vector.load %arg1[%get3A_169, %get3A_170] : memref<8x128xi32, #tpu.memory_space<vmem>>, vector<1x1xi32>
    %get3A_172 = vector.extract %get3A_171[0, 0] : i32 from vector<1x1xi32>
    %ge3A_173 = vector.broadcast %get3A_172 : i32 to vector<64x128xi32>
    %ge3A_174 = arith.cmpi sge, %get3A_1, %ge3A_173 : vector<64x128xi32>
    %jit3A_175 = arith.constant 1 : i32
    %jit3A_176 = arith.constant 0 : i32
    %broadcast_in_dim3A_177 = vector.broadcast %jit3A_175 : i32 to vector<64x128xi32>
    %broadcast_in_dim3A_178 = vector.broadcast %jit3A_176 : i32 to vector<64x128xi32>
    %select_n3A_179 = arith.select %ge3A_174, %broadcast_in_dim3A_177, %broadcast_in_dim3A_178 : vector<64x128xi1>, vector<64x128xi32>
    %add3A_180 = arith.addi %add3A_168, %select_n3A_179 : vector<64x128xi32>
    %eq3A = arith.constant 1 : i32
    %eq3A_181 = vector.broadcast %eq3A : i32 to vector<64x128xi32>
    %eq3A_182 = arith.cmpi eq, %add3A_180, %eq3A_181 : vector<64x128xi32>
    %get3A_183 = arith.constant 0 : index
    %get3A_184 = arith.constant 1 : index
    %get3A_185 = vector.load %arg1[%get3A_183, %get3A_184] : memref<8x128xi32, #tpu.memory_space<vmem>>, vector<1x1xi32>
    %get3A_186 = vector.extract %get3A_185[0, 0] : i32 from vector<1x1xi32>
    %jit3A_187 = arith.constant 0 : i32
    %broadcast_in_dim3A_188 = vector.broadcast %get3A_186 : i32 to vector<64x128xi32>
    %broadcast_in_dim3A_189 = vector.broadcast %jit3A_187 : i32 to vector<64x128xi32>
    %select_n3A_190 = arith.select %eq3A_182, %broadcast_in_dim3A_188, %broadcast_in_dim3A_189 : vector<64x128xi1>, vector<64x128xi32>
    %add3A_191 = arith.addi %broadcast_in_dim3A_4, %select_n3A_190 : vector<64x128xi32>
    %eq3A_192 = arith.constant 2 : i32
    %eq3A_193 = vector.broadcast %eq3A_192 : i32 to vector<64x128xi32>
    %eq3A_194 = arith.cmpi eq, %add3A_180, %eq3A_193 : vector<64x128xi32>
    %get3A_195 = arith.constant 0 : index
    %get3A_196 = arith.constant 2 : index
    %get3A_197 = vector.load %arg1[%get3A_195, %get3A_196] : memref<8x128xi32, #tpu.memory_space<vmem>>, vector<1x1xi32>
    %get3A_198 = vector.extract %get3A_197[0, 0] : i32 from vector<1x1xi32>
    %jit3A_199 = arith.constant 0 : i32
    %broadcast_in_dim3A_200 = vector.broadcast %get3A_198 : i32 to vector<64x128xi32>
    %broadcast_in_dim3A_201 = vector.broadcast %jit3A_199 : i32 to vector<64x128xi32>
    %select_n3A_202 = arith.select %eq3A_194, %broadcast_in_dim3A_200, %broadcast_in_dim3A_201 : vector<64x128xi1>, vector<64x128xi32>
    %add3A_203 = arith.addi %add3A_191, %select_n3A_202 : vector<64x128xi32>
    %eq3A_204 = arith.constant 3 : i32
    %eq3A_205 = vector.broadcast %eq3A_204 : i32 to vector<64x128xi32>
    %eq3A_206 = arith.cmpi eq, %add3A_180, %eq3A_205 : vector<64x128xi32>
    %get3A_207 = arith.constant 0 : index
    %get3A_208 = arith.constant 3 : index
    %get3A_209 = vector.load %arg1[%get3A_207, %get3A_208] : memref<8x128xi32, #tpu.memory_space<vmem>>, vector<1x1xi32>
    %get3A_210 = vector.extract %get3A_209[0, 0] : i32 from vector<1x1xi32>
    %jit3A_211 = arith.constant 0 : i32
    %broadcast_in_dim3A_212 = vector.broadcast %get3A_210 : i32 to vector<64x128xi32>
    %broadcast_in_dim3A_213 = vector.broadcast %jit3A_211 : i32 to vector<64x128xi32>
    %select_n3A_214 = arith.select %eq3A_206, %broadcast_in_dim3A_212, %broadcast_in_dim3A_213 : vector<64x128xi1>, vector<64x128xi32>
    %add3A_215 = arith.addi %add3A_203, %select_n3A_214 : vector<64x128xi32>
    %eq3A_216 = arith.constant 4 : i32
    %eq3A_217 = vector.broadcast %eq3A_216 : i32 to vector<64x128xi32>
    %eq3A_218 = arith.cmpi eq, %add3A_180, %eq3A_217 : vector<64x128xi32>
    %get3A_219 = arith.constant 0 : index
    %get3A_220 = arith.constant 4 : index
    %get3A_221 = vector.load %arg1[%get3A_219, %get3A_220] : memref<8x128xi32, #tpu.memory_space<vmem>>, vector<1x1xi32>
    %get3A_222 = vector.extract %get3A_221[0, 0] : i32 from vector<1x1xi32>
    %jit3A_223 = arith.constant 0 : i32
    %broadcast_in_dim3A_224 = vector.broadcast %get3A_222 : i32 to vector<64x128xi32>
    %broadcast_in_dim3A_225 = vector.broadcast %jit3A_223 : i32 to vector<64x128xi32>
    %select_n3A_226 = arith.select %eq3A_218, %broadcast_in_dim3A_224, %broadcast_in_dim3A_225 : vector<64x128xi1>, vector<64x128xi32>
    %add3A_227 = arith.addi %add3A_215, %select_n3A_226 : vector<64x128xi32>
    %eq3A_228 = arith.constant 5 : i32
    %eq3A_229 = vector.broadcast %eq3A_228 : i32 to vector<64x128xi32>
    %eq3A_230 = arith.cmpi eq, %add3A_180, %eq3A_229 : vector<64x128xi32>
    %get3A_231 = arith.constant 0 : index
    %get3A_232 = arith.constant 5 : index
    %get3A_233 = vector.load %arg1[%get3A_231, %get3A_232] : memref<8x128xi32, #tpu.memory_space<vmem>>, vector<1x1xi32>
    %get3A_234 = vector.extract %get3A_233[0, 0] : i32 from vector<1x1xi32>
    %jit3A_235 = arith.constant 0 : i32
    %broadcast_in_dim3A_236 = vector.broadcast %get3A_234 : i32 to vector<64x128xi32>
    %broadcast_in_dim3A_237 = vector.broadcast %jit3A_235 : i32 to vector<64x128xi32>
    %select_n3A_238 = arith.select %eq3A_230, %broadcast_in_dim3A_236, %broadcast_in_dim3A_237 : vector<64x128xi1>, vector<64x128xi32>
    %add3A_239 = arith.addi %add3A_227, %select_n3A_238 : vector<64x128xi32>
    %eq3A_240 = arith.constant 6 : i32
    %eq3A_241 = vector.broadcast %eq3A_240 : i32 to vector<64x128xi32>
    %eq3A_242 = arith.cmpi eq, %add3A_180, %eq3A_241 : vector<64x128xi32>
    %get3A_243 = arith.constant 0 : index
    %get3A_244 = arith.constant 6 : index
    %get3A_245 = vector.load %arg1[%get3A_243, %get3A_244] : memref<8x128xi32, #tpu.memory_space<vmem>>, vector<1x1xi32>
    %get3A_246 = vector.extract %get3A_245[0, 0] : i32 from vector<1x1xi32>
    %jit3A_247 = arith.constant 0 : i32
    %broadcast_in_dim3A_248 = vector.broadcast %get3A_246 : i32 to vector<64x128xi32>
    %broadcast_in_dim3A_249 = vector.broadcast %jit3A_247 : i32 to vector<64x128xi32>
    %select_n3A_250 = arith.select %eq3A_242, %broadcast_in_dim3A_248, %broadcast_in_dim3A_249 : vector<64x128xi1>, vector<64x128xi32>
    %add3A_251 = arith.addi %add3A_239, %select_n3A_250 : vector<64x128xi32>
    %eq3A_252 = arith.constant 7 : i32
    %eq3A_253 = vector.broadcast %eq3A_252 : i32 to vector<64x128xi32>
    %eq3A_254 = arith.cmpi eq, %add3A_180, %eq3A_253 : vector<64x128xi32>
    %get3A_255 = arith.constant 0 : index
    %get3A_256 = arith.constant 7 : index
    %get3A_257 = vector.load %arg1[%get3A_255, %get3A_256] : memref<8x128xi32, #tpu.memory_space<vmem>>, vector<1x1xi32>
    %get3A_258 = vector.extract %get3A_257[0, 0] : i32 from vector<1x1xi32>
    %jit3A_259 = arith.constant 0 : i32
    %broadcast_in_dim3A_260 = vector.broadcast %get3A_258 : i32 to vector<64x128xi32>
    %broadcast_in_dim3A_261 = vector.broadcast %jit3A_259 : i32 to vector<64x128xi32>
    %select_n3A_262 = arith.select %eq3A_254, %broadcast_in_dim3A_260, %broadcast_in_dim3A_261 : vector<64x128xi1>, vector<64x128xi32>
    %add3A_263 = arith.addi %add3A_251, %select_n3A_262 : vector<64x128xi32>
    %eq3A_264 = arith.constant 8 : i32
    %eq3A_265 = vector.broadcast %eq3A_264 : i32 to vector<64x128xi32>
    %eq3A_266 = arith.cmpi eq, %add3A_180, %eq3A_265 : vector<64x128xi32>
    %get3A_267 = arith.constant 0 : index
    %get3A_268 = arith.constant 8 : index
    %get3A_269 = vector.load %arg1[%get3A_267, %get3A_268] : memref<8x128xi32, #tpu.memory_space<vmem>>, vector<1x1xi32>
    %get3A_270 = vector.extract %get3A_269[0, 0] : i32 from vector<1x1xi32>
    %jit3A_271 = arith.constant 0 : i32
    %broadcast_in_dim3A_272 = vector.broadcast %get3A_270 : i32 to vector<64x128xi32>
    %broadcast_in_dim3A_273 = vector.broadcast %jit3A_271 : i32 to vector<64x128xi32>
    %select_n3A_274 = arith.select %eq3A_266, %broadcast_in_dim3A_272, %broadcast_in_dim3A_273 : vector<64x128xi1>, vector<64x128xi32>
    %add3A_275 = arith.addi %add3A_263, %select_n3A_274 : vector<64x128xi32>
    %eq3A_276 = arith.constant 9 : i32
    %eq3A_277 = vector.broadcast %eq3A_276 : i32 to vector<64x128xi32>
    %eq3A_278 = arith.cmpi eq, %add3A_180, %eq3A_277 : vector<64x128xi32>
    %get3A_279 = arith.constant 0 : index
    %get3A_280 = arith.constant 9 : index
    %get3A_281 = vector.load %arg1[%get3A_279, %get3A_280] : memref<8x128xi32, #tpu.memory_space<vmem>>, vector<1x1xi32>
    %get3A_282 = vector.extract %get3A_281[0, 0] : i32 from vector<1x1xi32>
    %jit3A_283 = arith.constant 0 : i32
    %broadcast_in_dim3A_284 = vector.broadcast %get3A_282 : i32 to vector<64x128xi32>
    %broadcast_in_dim3A_285 = vector.broadcast %jit3A_283 : i32 to vector<64x128xi32>
    %select_n3A_286 = arith.select %eq3A_278, %broadcast_in_dim3A_284, %broadcast_in_dim3A_285 : vector<64x128xi1>, vector<64x128xi32>
    %add3A_287 = arith.addi %add3A_275, %select_n3A_286 : vector<64x128xi32>
    %eq3A_288 = arith.constant 10 : i32
    %eq3A_289 = vector.broadcast %eq3A_288 : i32 to vector<64x128xi32>
    %eq3A_290 = arith.cmpi eq, %add3A_180, %eq3A_289 : vector<64x128xi32>
    %get3A_291 = arith.constant 0 : index
    %get3A_292 = arith.constant 10 : index
    %get3A_293 = vector.load %arg1[%get3A_291, %get3A_292] : memref<8x128xi32, #tpu.memory_space<vmem>>, vector<1x1xi32>
    %get3A_294 = vector.extract %get3A_293[0, 0] : i32 from vector<1x1xi32>
    %jit3A_295 = arith.constant 0 : i32
    %broadcast_in_dim3A_296 = vector.broadcast %get3A_294 : i32 to vector<64x128xi32>
    %broadcast_in_dim3A_297 = vector.broadcast %jit3A_295 : i32 to vector<64x128xi32>
    %select_n3A_298 = arith.select %eq3A_290, %broadcast_in_dim3A_296, %broadcast_in_dim3A_297 : vector<64x128xi1>, vector<64x128xi32>
    %add3A_299 = arith.addi %add3A_287, %select_n3A_298 : vector<64x128xi32>
    %eq3A_300 = arith.constant 11 : i32
    %eq3A_301 = vector.broadcast %eq3A_300 : i32 to vector<64x128xi32>
    %eq3A_302 = arith.cmpi eq, %add3A_180, %eq3A_301 : vector<64x128xi32>
    %get3A_303 = arith.constant 0 : index
    %get3A_304 = arith.constant 11 : index
    %get3A_305 = vector.load %arg1[%get3A_303, %get3A_304] : memref<8x128xi32, #tpu.memory_space<vmem>>, vector<1x1xi32>
    %get3A_306 = vector.extract %get3A_305[0, 0] : i32 from vector<1x1xi32>
    %jit3A_307 = arith.constant 0 : i32
    %broadcast_in_dim3A_308 = vector.broadcast %get3A_306 : i32 to vector<64x128xi32>
    %broadcast_in_dim3A_309 = vector.broadcast %jit3A_307 : i32 to vector<64x128xi32>
    %select_n3A_310 = arith.select %eq3A_302, %broadcast_in_dim3A_308, %broadcast_in_dim3A_309 : vector<64x128xi1>, vector<64x128xi32>
    %add3A_311 = arith.addi %add3A_299, %select_n3A_310 : vector<64x128xi32>
    %eq3A_312 = arith.constant 12 : i32
    %eq3A_313 = vector.broadcast %eq3A_312 : i32 to vector<64x128xi32>
    %eq3A_314 = arith.cmpi eq, %add3A_180, %eq3A_313 : vector<64x128xi32>
    %get3A_315 = arith.constant 0 : index
    %get3A_316 = arith.constant 12 : index
    %get3A_317 = vector.load %arg1[%get3A_315, %get3A_316] : memref<8x128xi32, #tpu.memory_space<vmem>>, vector<1x1xi32>
    %get3A_318 = vector.extract %get3A_317[0, 0] : i32 from vector<1x1xi32>
    %jit3A_319 = arith.constant 0 : i32
    %broadcast_in_dim3A_320 = vector.broadcast %get3A_318 : i32 to vector<64x128xi32>
    %broadcast_in_dim3A_321 = vector.broadcast %jit3A_319 : i32 to vector<64x128xi32>
    %select_n3A_322 = arith.select %eq3A_314, %broadcast_in_dim3A_320, %broadcast_in_dim3A_321 : vector<64x128xi1>, vector<64x128xi32>
    %add3A_323 = arith.addi %add3A_311, %select_n3A_322 : vector<64x128xi32>
    %eq3A_324 = arith.constant 13 : i32
    %eq3A_325 = vector.broadcast %eq3A_324 : i32 to vector<64x128xi32>
    %eq3A_326 = arith.cmpi eq, %add3A_180, %eq3A_325 : vector<64x128xi32>
    %get3A_327 = arith.constant 0 : index
    %get3A_328 = arith.constant 13 : index
    %get3A_329 = vector.load %arg1[%get3A_327, %get3A_328] : memref<8x128xi32, #tpu.memory_space<vmem>>, vector<1x1xi32>
    %get3A_330 = vector.extract %get3A_329[0, 0] : i32 from vector<1x1xi32>
    %jit3A_331 = arith.constant 0 : i32
    %broadcast_in_dim3A_332 = vector.broadcast %get3A_330 : i32 to vector<64x128xi32>
    %broadcast_in_dim3A_333 = vector.broadcast %jit3A_331 : i32 to vector<64x128xi32>
    %select_n3A_334 = arith.select %eq3A_326, %broadcast_in_dim3A_332, %broadcast_in_dim3A_333 : vector<64x128xi1>, vector<64x128xi32>
    %add3A_335 = arith.addi %add3A_323, %select_n3A_334 : vector<64x128xi32>
    %eq3A_336 = arith.constant 14 : i32
    %eq3A_337 = vector.broadcast %eq3A_336 : i32 to vector<64x128xi32>
    %eq3A_338 = arith.cmpi eq, %add3A_180, %eq3A_337 : vector<64x128xi32>
    %get3A_339 = arith.constant 0 : index
    %get3A_340 = arith.constant 14 : index
    %get3A_341 = vector.load %arg1[%get3A_339, %get3A_340] : memref<8x128xi32, #tpu.memory_space<vmem>>, vector<1x1xi32>
    %get3A_342 = vector.extract %get3A_341[0, 0] : i32 from vector<1x1xi32>
    %jit3A_343 = arith.constant 0 : i32
    %broadcast_in_dim3A_344 = vector.broadcast %get3A_342 : i32 to vector<64x128xi32>
    %broadcast_in_dim3A_345 = vector.broadcast %jit3A_343 : i32 to vector<64x128xi32>
    %select_n3A_346 = arith.select %eq3A_338, %broadcast_in_dim3A_344, %broadcast_in_dim3A_345 : vector<64x128xi1>, vector<64x128xi32>
    %add3A_347 = arith.addi %add3A_335, %select_n3A_346 : vector<64x128xi32>
    %eq3A_348 = arith.constant 15 : i32
    %eq3A_349 = vector.broadcast %eq3A_348 : i32 to vector<64x128xi32>
    %eq3A_350 = arith.cmpi eq, %add3A_180, %eq3A_349 : vector<64x128xi32>
    %get3A_351 = arith.constant 0 : index
    %get3A_352 = arith.constant 15 : index
    %get3A_353 = vector.load %arg1[%get3A_351, %get3A_352] : memref<8x128xi32, #tpu.memory_space<vmem>>, vector<1x1xi32>
    %get3A_354 = vector.extract %get3A_353[0, 0] : i32 from vector<1x1xi32>
    %jit3A_355 = arith.constant 0 : i32
    %broadcast_in_dim3A_356 = vector.broadcast %get3A_354 : i32 to vector<64x128xi32>
    %broadcast_in_dim3A_357 = vector.broadcast %jit3A_355 : i32 to vector<64x128xi32>
    %select_n3A_358 = arith.select %eq3A_350, %broadcast_in_dim3A_356, %broadcast_in_dim3A_357 : vector<64x128xi1>, vector<64x128xi32>
    %add3A_359 = arith.addi %add3A_347, %select_n3A_358 : vector<64x128xi32>
    %mul3A = arith.constant 4096 : i32
    %mul3A_360 = vector.broadcast %mul3A : i32 to vector<64x128xi32>
    %mul3A_361 = arith.muli %add3A_180, %mul3A_360 : vector<64x128xi32>
    %add3A_362 = arith.addi %mul3A_361, %get3A_1 : vector<64x128xi32>
    %sub3A = arith.subi %add3A_362, %add3A_359 : vector<64x128xi32>
    %swap3A = arith.constant 0 : index
    %swap3A_363 = arith.constant 0 : index
    %swap3A_364 = vector.load %arg2[%swap3A, %swap3A_363] : memref<64x128xi32, #tpu.memory_space<vmem>>, vector<64x128xi32>
    tpu.vector_store %arg2[%swap3A, %swap3A_363], %sub3A {strides = array<i32>} : memref<64x128xi32, #tpu.memory_space<vmem>>, vector<64x128xi32>,
    return
  }
}

module attributes {stable_mosaic.version = 14 : i64} {
  func.func @body(%arg0: i32, %arg1: memref<1024x2048xf32, #tpu.memory_space<vmem>>, %arg2: memref<2048x2048xbf16, #tpu.memory_space<vmem>>, %arg3: memref<2048x1xbf16, #tpu.memory_space<vmem>>, %arg4: memref<1024x1xf32, #tpu.memory_space<vmem>>) attributes {dimension_semantics = [#tpu.dimension_semantics<arbitrary>], iteration_bounds = array<i64: 4>, scalar_prefetch = 0 : i64, scratch_operands = 0 : i64, tpu.core_type = #tpu.core_type<tc>, window_params = [{transform_indices = @transform_0, window_bounds = array<i64: 1024, 2048>}, {pipeline_mode = #tpu.pipeline_mode<synchronous>, transform_indices = @transform_1, window_bounds = array<i64: 2048, 2048>}, {pipeline_mode = #tpu.pipeline_mode<synchronous>, transform_indices = @transform_2, window_bounds = array<i64: 2048, 1>}, {transform_indices = @transform_3, window_bounds = array<i64: 1024, 1>}]} {
    %get3A = arith.constant 0 : index
    %get3A_0 = arith.constant 0 : index
    %get3A_1 = vector.load %arg1[%get3A, %get3A_0] : memref<1024x2048xf32, #tpu.memory_space<vmem>>, vector<1024x2048xf32>
    %convert_element_type3A = arith.truncf %get3A_1 : vector<1024x2048xf32> to vector<1024x2048xbf16>
    %get3A_2 = arith.constant 0 : index
    %get3A_3 = arith.constant 0 : index
    %get3A_4 = vector.load %arg2[%get3A_2, %get3A_3] : memref<2048x2048xbf16, #tpu.memory_space<vmem>>, vector<2048x2048xbf16>
    %dot_general3A = arith.constant dense<0.000000e+00> : vector<1024x2048xf32>
    %dot_general3A_5 = tpu.matmul %convert_element_type3A, %get3A_4, %dot_general3A {dimension_numbers = #tpu.dot_dimension_numbers<[1], [0], [0], [1], [0, 0, 1, 1], [], []>, transpose_lhs_hint = false} : vector<1024x2048xbf16>, vector<2048x2048xbf16>, vector<1024x2048xf32> -> vector<1024x2048xf32>
    %integer_pow3A = arith.mulf %dot_general3A_5, %dot_general3A_5 : vector<1024x2048xf32>
    %integer_pow3A_6 = arith.mulf %dot_general3A_5, %integer_pow3A : vector<1024x2048xf32>
    %mul3A = arith.constant 4.471500e-02 : f32
    %mul3A_7 = vector.broadcast %mul3A : f32 to vector<1024x2048xf32>
    %mul3A_8 = arith.mulf %mul3A_7, %integer_pow3A_6 : vector<1024x2048xf32>
    %add3A = arith.addf %dot_general3A_5, %mul3A_8 : vector<1024x2048xf32>
    %mul3A_9 = arith.constant 0.797884583 : f32
    %mul3A_10 = vector.broadcast %mul3A_9 : f32 to vector<1024x2048xf32>
    %mul3A_11 = arith.mulf %mul3A_10, %add3A : vector<1024x2048xf32>
    %tanh3A = math.tanh %mul3A_11 : vector<1024x2048xf32>
    %add3A_12 = arith.constant 1.000000e+00 : f32
    %add3A_13 = vector.broadcast %add3A_12 : f32 to vector<1024x2048xf32>
    %add3A_14 = arith.addf %add3A_13, %tanh3A : vector<1024x2048xf32>
    %mul3A_15 = arith.constant 5.000000e-01 : f32
    %mul3A_16 = vector.broadcast %mul3A_15 : f32 to vector<1024x2048xf32>
    %mul3A_17 = arith.mulf %mul3A_16, %add3A_14 : vector<1024x2048xf32>
    %mul3A_18 = arith.mulf %dot_general3A_5, %mul3A_17 : vector<1024x2048xf32>
    %convert_element_type3A_19 = arith.truncf %mul3A_18 : vector<1024x2048xf32> to vector<1024x2048xbf16>
    %get3A_20 = arith.constant 0 : index
    %get3A_21 = arith.constant 0 : index
    %get3A_22 = vector.load %arg3[%get3A_20, %get3A_21] : memref<2048x1xbf16, #tpu.memory_space<vmem>>, vector<2048x1xbf16>
    %dot_general3A_23 = arith.constant dense<0.000000e+00> : vector<1024x1xf32>
    %dot_general3A_24 = tpu.matmul %convert_element_type3A_19, %get3A_22, %dot_general3A_23 {dimension_numbers = #tpu.dot_dimension_numbers<[1], [0], [0], [1], [0, 0, 1, 1], [], []>, transpose_lhs_hint = false} : vector<1024x2048xbf16>, vector<2048x1xbf16>, vector<1024x1xf32> -> vector<1024x1xf32>
    %swap3A = arith.constant 0 : index
    %swap3A_25 = arith.constant 0 : index
    %swap3A_26 = vector.load %arg4[%swap3A, %swap3A_25] : memref<1024x1xf32, #tpu.memory_space<vmem>>, vector<1024x1xf32>
    tpu.vector_store %arg4[%swap3A, %swap3A_25], %dot_general3A_24 {strides = array<i32>} : memref<1024x1xf32, #tpu.memory_space<vmem>>, vector<1024x1xf32>,
    return
  }
  func.func @transform_0(%arg0: i32) -> (i32, i32) {
    %c0_i32 = arith.constant 0 : i32
    %c0_i32_0 = arith.constant 0 : i32
    return %arg0, %c0_i32 : i32, i32
  }
  func.func @transform_1(%arg0: i32) -> (i32, i32) {
    %c0_i32 = arith.constant 0 : i32
    %c0_i32_0 = arith.constant 0 : i32
    %c0_i32_1 = arith.constant 0 : i32
    return %c0_i32, %c0_i32_0 : i32, i32
  }
  func.func @transform_2(%arg0: i32) -> (i32, i32) {
    %c0_i32 = arith.constant 0 : i32
    %c0_i32_0 = arith.constant 0 : i32
    %c0_i32_1 = arith.constant 0 : i32
    return %c0_i32, %c0_i32_0 : i32, i32
  }
  func.func @transform_3(%arg0: i32) -> (i32, i32) {
    %c0_i32 = arith.constant 0 : i32
    %c0_i32_0 = arith.constant 0 : i32
    return %arg0, %c0_i32 : i32, i32
  }
}

</mosaic_0001>

<sc_bundles>
// kernel: kernel.11.cloned.1.call-start
scs
__scs_entry_jumppad:
0x0: {  	(pc) =	sbr.rel $0x88, $3  }
0x1: {  	(tag) =	ssettag $0x0;
	lr =	simm.s32 $0x1  }
0x2: {  	[smem:$0x3F9C] =	sst lr;
	_ =	strace $0xD0000000  }
0x3: {  	_ = 	snop  }
0x4: {  	_ = 	snop  }
0x5: {  	_ = 	snop  }
0x6: {  	_ = 	snop  }
0x7: {  	_ = 	snop  }
__scs_overlays_trampoline_lowered:
0x8: {  	[smem:$0x3FAB] =	sst s0  }
0x9: {  	[smem:$0x3FAC] =	sst s1  }
0xa: {  	[smem:$0x3FAD] =	sst s2  }
0xb: {  	[smem:$0x3FAE] =	sst s3  }
0xc: {  	[smem:$0x3FAF] =	sst s4  }
0xd: {  	[smem:$0x3FB0] =	sst s5  }
0xe: {  	[smem:$0x3FB1] =	sst s6  }
0xf: {  	[smem:$0x3FB2] =	sst s7  }
0x10: {  	[smem:$0x3FB3] =	sst s8  }
0x11: {  	[smem:$0x3FB4] =	sst s9;
	s0 =	simm.s32 @!p0 $0x0  }
0x12: {  	s1 =	sld [smem:$0x3F9A];
	s0 =	simm.s32 @p0 $0x1  }
0x13: {  	[smem:$0x3FB5] =	sst s0;
	s0 =	simm.s32 @!p1 $0x0  }
0x14: {  	s2 =	sld [smem:$0x3F99];
	s0 =	simm.s32 @p1 $0x1  }
0x15: {  	[smem:$0x3FB6] =	sst s0;
	s0 =	simm.s32 @!p2 $0x0  }
0x16: {  	s3 =	sld [smem:$0x3FDB];
	s0 =	simm.s32 @p2 $0x1  }
0x17: {  	s4 =	simm.s32 $0x1BF5;
	[smem:$0x3FB8] =	sst s0  }
0x18: {  	s0 =	sld [smem:$0x3F9B];
	_ =	swait.ge [sflag:s4], $0x0  }
0x19: {  	s7 =	sld [smem:$0x3F9C]  }
0x1a: {  	s8 =	sadd.s32 $0xFFFFE003, lr  }
0x1b: {  	s9 =	sadd.s32 $0xFFFFFEF7, lr;
	s5 =	simm.s32 $0xFFFFFFFF;
	p2 =	slt.u32 s8, $0xFFFFF086  }
0x1c: {  	p1 =	slt.u32 s9, $0xF7A;
	s5 =	simm.s32 @!p2 $0x0  }
0x1d: {  	s5 =	simm.s32 @p1 $0x1;
	p0 =	seq.s32 s7, s2  }
0x1e: {  	s7 =	smul.u32 @!p0 $0xF7A, s2;
	p2 =	seq.s32 @!p0 s5, $0x0  }
0x1f: {  	s9 =	smul.u32 $0xF7A, s1;
	s8 =	simm.s32 @!p0 $0x1BF5;
	p2 =	por !p2, p0  }
0x20: {  	[sflag:s8] =	ssyncset.s32 @!p0 $0xFFFFF086;
	s6 =	sadd.s32 @!p0 s3, s7;
	s7 =	simm.s32 @!p0 $0x108  }
0x21: {  	s3 =	sadd.s32 s3, s9;
	s6 =	sadd.s32 @!p0 $0x88, s6;
	s7 =	simm.s32 @p2 $0x1082  }
0x22: {  	[simem:s7], [sflag:s8] =	dma.local @!p0 [hbm:s6], $0xF7A  }
0x23: {  	s9 =	sor.u32 $0xD0000000, s2;
	s6 =	simm.s32 $0x108;
	_ =	swait.ge @!p0 [sflag:s8], $0x0  }
0x24: {  	s3 =	sadd.s32 $0x88, s3;
	s6 =	simm.s32 @!p1 $0x1082;
	[sflag:s4] =	ssyncset.s32 $0xFFFFF086  }
0x25: {  	[simem:s6], [sflag:s4] =	dma.local [hbm:s3], $0xF7A  }
0x26: {  	[smem:$0x3F9C] =	sst s1;
	(tag) =	ssettag s2;
	_ =	strace s9  }
0x27: {  	s1 =	sld [smem:$0x3FAC]  }
0x28: {  	s2 =	sld [smem:$0x3FAD]  }
0x29: {  	s4 =	sld [smem:$0x3FAF]  }
0x2a: {  	p0 =	seq.s32 s5, $0x0;
	s5 =	sld [smem:$0x3FB0]  }
0x2b: {  	s6 =	sld [smem:$0x3FB1]  }
0x2c: {  	s7 =	sld [smem:$0x3FB2]  }
0x2d: {  	s3 =	simm.s32 $0x108;
	s8 =	sld [smem:$0x3FB3]  }
0x2e: {  	s3 =	simm.s32 @!p0 $0x1082;
	s9 =	sld [smem:$0x3FB4]  }
0x2f: {  	lr =	sadd.s32 s0, s3;
	s0 =	sld [smem:$0x3FAB]  }
0x30: {  	s3 =	sld [smem:$0x3FAE]  }
0x31: {  	[smem:$0x3FB7] =	sst s10  }
0x32: {  	s10 =	sld [smem:$0x3FB5];
	_ =	sdelay $0x3  }
0x33: {  	p0 =	seq.s32 s10, $0x1;
	s10 =	sld [smem:$0x3FB7];
	_ =	sdelay $0x3  }
0x34: {  	[smem:$0x3FB7] =	sst s10  }
0x35: {  	s10 =	sld [smem:$0x3FB6];
	_ =	sdelay $0x3  }
0x36: {  	p1 =	seq.s32 s10, $0x1;
	s10 =	sld [smem:$0x3FB7];
	_ =	sdelay $0x3  }
0x37: {  	[smem:$0x3FB7] =	sst s10  }
0x38: {  	s10 =	sld [smem:$0x3FB8]  }
0x39: {  	_ = 	snop;
	(pc) =	sbr.ind lr, $3  }
0x3a: {  	_ = 	snop  }
0x3b: {  	_ = 	snop  }
0x3c: {  	p2 =	seq.s32 s10, $0x1;
	s10 =	sld [smem:$0x3FB7]  }
0x3d: {  	_ =	shalt  }
0x3e: {  	_ =	shalt  }
0x3f: {  	_ =	shalt  }
0x40: {  	_ =	shalt  }
0x41: {  	_ =	shalt  }
0x42: {  	_ =	shalt  }
0x43: {  	_ =	shalt  }
0x44: {  	_ =	shalt  }
0x45: {  	_ =	shalt  }
0x46: {  	_ =	shalt  }
0x47: {  	_ =	shalt  }
0x48: {  	_ =	shalt  }
0x49: {  	_ =	shalt  }
0x4a: {  	_ =	shalt  }
0x4b: {  	_ =	shalt  }
0x4c: {  	_ =	shalt  }
0x4d: {  	_ =	shalt  }
0x4e: {  	_ =	shalt  }
0x4f: {  	_ =	shalt  }
0x50: {  	_ =	shalt  }
0x51: {  	_ =	shalt  }
0x52: {  	_ =	shalt  }
0x53: {  	_ =	shalt  }
0x54: {  	_ =	shalt  }
0x55: {  	_ =	shalt  }
0x56: {  	_ =	shalt  }
0x57: {  	_ =	shalt  }
0x58: {  	_ =	shalt  }
0x59: {  	_ =	shalt  }
0x5a: {  	_ =	shalt  }
0x5b: {  	_ =	shalt  }
0x5c: {  	_ =	shalt  }
0x5d: {  	_ =	shalt  }
0x5e: {  	_ =	shalt  }
0x5f: {  	_ =	shalt  }
0x60: {  	_ =	shalt  }
0x61: {  	_ =	shalt  }
0x62: {  	_ =	shalt  }
0x63: {  	_ =	shalt  }
0x64: {  	_ =	shalt  }
0x65: {  	_ =	shalt  }
0x66: {  	_ =	shalt  }
0x67: {  	_ =	shalt  }
0x68: {  	_ =	shalt  }
0x69: {  	_ =	shalt  }
0x6a: {  	_ =	shalt  }
0x6b: {  	_ =	shalt  }
0x6c: {  	_ =	shalt  }
0x6d: {  	_ =	shalt  }
0x6e: {  	_ =	shalt  }
0x6f: {  	_ =	shalt  }
0x70: {  	_ =	shalt  }
0x71: {  	_ =	shalt  }
0x72: {  	_ =	shalt  }
0x73: {  	_ =	shalt  }
0x74: {  	_ =	shalt  }
0x75: {  	_ =	shalt  }
0x76: {  	_ =	shalt  }
0x77: {  	_ =	shalt  }
0x78: {  	_ =	shalt  }
0x79: {  	_ =	shalt  }
0x7a: {  	_ =	shalt  }
0x7b: {  	_ =	shalt  }
0x7c: {  	_ =	shalt  }
0x7d: {  	_ =	shalt  }
0x7e: {  	_ =	shalt  }
0x7f: {  	_ =	shalt  }
0x80: {  	_ =	shalt  }
0x81: {  	_ =	shalt  }
0x82: {  	_ =	shalt  }
0x83: {  	_ =	shalt  }
0x84: {  	_ =	shalt  }
0x85: {  	_ =	shalt  }
0x86: {  	_ =	shalt  }
0x87: {  	_ =	shalt  }
.Lfunc_end0:
.L_simem_size_0:
called_computation.1_lowered:
.L_overlay_start_0:
0x88: {  	s2 =	sld [smem:$0x3FD9]  }
0x89: {  	s3 =	sld [smem:$0x3FFE];
	_ =	sdelay $0x1  }
0x8a: {  	s1 =	srdreg.scid  }
0x8b: {  	s0 =	sand.u32 $0x1, s1  }
0x8c: {  	s17 =	sshll.u32 s0, $0xA;
	s2 =	sadd.s32 s3, s2  }
0x8d: {  	s2 =	sadd.s32 s2, s17  }
0x8e: {  	[smem:$0x3FC3] =	sst s2  }
0x8f: {  	_ = 	snop  }
0x90: {  	s18 =	sld [smem:$0x3FC9];
	(tm) =	ssettm $0x1  }
0x91: {  	s19 =	sld [smem:$0x3FFB];
	_ =	sdelay $0x3  }
0x92: {  	_ =	strace s19  }
0x93: {  	s2 =	sld [smem:$0x3FFC];
	_ =	sdelay $0x3  }
0x94: {  	_ =	strace s2  }
0x95: {  	s2 =	sld [smem:$0x3FFD];
	_ =	sdelay $0x3  }
0x96: {  	_ =	strace s2  }
0x97: {  	_ =	strace $0x8FFFFFFF  }
0x98: {  	s20 =	sld [smem:$0x3FDB];
	_ =	sdelay $0x1  }
0x99: {  	s4 =	simm.s32 $_scs_section_size  }
0x9a: {  	s5 =	simm.s32 $_size__tile_overlayer_lowered;
	s6 =	simm.s32 $_tile_overlayer_lowered  }
0x9b: {  	s7 =	simm.s32 $0x1BFF;
	s21 =	sshll.u32 s6, $0x1;
	s4 =	sadd.s32 s4, s20  }
0x9c: {  	s22 =	simm.s32 $0x0;
	s5 =	sshll.u32 s5, $0x1;
	s6 =	sadd.s32 s21, s4  }
0x9d: {  	[timem:s22], [sflag:s7] =	dma.local [hbm:s6], s5  }
0x9e: {  	_ =	swait.ge [sflag:s7], s5  }
0x9f: {  	s5 =	ssub.s32 $0x0, s5;
	[sflag:s7] =	ssyncset.done $0x0  }
0xa0: {  	[sflag:s7] =	ssyncadd.s32 s5;
	_ =	sdelay $0x1  }
0xa1: {  	s23 =	simm.s32 $0x1B8B  }
0xa2: {  	_ =	swait.ge [sflag:s23], $0x1  }
0xa3: {  	[sflag:s23] =	ssyncset.done $0x0  }
0xa4: {  	[sflag:s23] =	ssyncadd.s32 $0xFFFFFFFF  }
0xa5: {  	s5 =	sld [smem:$0x0]  }
0xa6: {  	s6 =	sand.u32 $0xFFFFFFFE, s1  }
0xa7: {  	p0 =	sne.s32 s1, s6  }
0xa8: {  	s6 =	sshll.u32 @p0 s6, $0xE  }
0xa9: {  	s6 =	sadd.s32 @p0 $0x11B8D, s6;
	s7 =	sshll.u32 @p0 s5, $0x11  }
0xaa: {  	s6 =	sor.u32 @p0 s7, s6  }
0xab: {  	[sflag:s6] =	ssyncadd.remote.s32 @p0 $0x1;
	_ =	sdelay $0x1  }
0xac: {  	s6 =	simm.s32 @p0 $0x1B8D  }
0xad: {  	_ =	swait.eq @p0 [sflag:s6], $0x1  }
0xae: {  	[sflag:s6] =	ssyncadd.s32 @p0 $0xFFFFFFFF  }
0xaf: {  	s7 =	sshll.u32 @!p0 s1, $0xE  }
0xb0: {  	s7 =	sor.u32 @!p0 $0x4000, s7;
	s6 =	simm.s32 @!p0 $0x1B8D  }
0xb1: {  	s5 =	sshll.u32 @!p0 s5, $0x11;
	s7 =	sadd.s32 @!p0 $0x11B8D, s7;
	_ =	swait.eq @!p0 [sflag:s6], $0x1  }
0xb2: {  	s5 =	sor.u32 @!p0 s5, s7;
	[sflag:s6] =	ssyncadd.s32 @!p0 $0xFFFFFFFF  }
0xb3: {  	s25 =	simm.s32 $0x1B8E;
	s24 =	sld [smem:$0x3FFE];
	[sflag:s5] =	ssyncadd.remote.s32 @!p0 $0x1  }
0xb4: {  	s26 =	simm.s32 $execute0_lowered;
	[smem:$0x3FD2] =	sst s25  }
0xb5: {  	s6 =	sshll.u32 s26, $0x1;
	_ =	strace $0x80000049;
	[dreg:$0x1] =	wrdreg $0xFFFFFFFF  }
0xb6: {  	s28 =	simm.s32 $_size_execute0_lowered;
	s4 =	sadd.s32 s4, s6;
	[dreg:$0x0] =	wrdreg $0x0  }
0xb7: {  	s6 =	sshll.u32 s28, $0x1;
	[dreg:$0x2] =	wrdreg s4  }
0xb8: {  	[dreg:$0x3] =	wrdreg s6  }
0xb9: {  	[dreg:$0x4] =	wrdreg $0xC0  }
0xba: {  	_ =	task [dreg:s22], $0x5FFFF  }
0xbb: {  	[dreg:$0x1] =	wrdreg $0xFFFFFFFF  }
0xbc: {  	[dreg:$0x0] =	wrdreg $0x60  }
0xbd: {  	[dreg:$0x2] =	wrdreg s24  }
0xbe: {  	[dreg:$0x3] =	wrdreg s18  }
0xbf: {  	[dreg:$0x4] =	wrdreg $0xA  }
0xc0: {  	_ =	task.clear_ibuf [dreg:s22], $0x5FFFF;
	_ =	strace $0x90000049  }
0xc1: {  	s29 =	simm.s32 $0xA;
	_ =	strace $0x8000004B  }
0xc2: {  	_ =	swait.ge [sflag:s29], $0x1  }
0xc3: {  	[sflag:s29] =	ssyncadd.s32 $0xFFFFFFFF  }
0xc4: {  	_ =	strace $0x9000004B  }
0xc5: {  	_ =	sfence  }
0xc6: {  	s30 =	sld [smem:$0x0];
	_ =	sdelay $0x2  }
0xc7: {  	s31 =	sshll.u32 s1, $0xD;
	s1 =	sshrl.u32 s1, $0x2  }
0xc8: {  	s4 =	sand.u32 $0x4000, s31;
	s1 =	sadd.s32 s1, s30  }
0xc9: {  	s0 =	sor.u32 s4, s0;
	s1 =	sshll.u32 s1, $0x11  }
0xca: {  	s0 =	sor.u32 s1, s0  }
0xcb: {  	s0 =	sadd.s32 $0x8F2B, s0  }
0xcc: {  	[sflag:s0] =	ssyncadd.remote.s32 $0x1  }
0xcd: {  	_ =	sfence.sel $0xFFFF  }
0xce: {  	[dreg:$0x0] =	wrdreg $0xFFFFFFFF;
	(pc) =	sbr.abs _section_cstart, $3  }
0xcf: {  	[dreg:$0x1] =	wrdreg $0xFFFFFFFF  }
0xd0: {  	_ =	task.clear_ibuf [dreg:s22], $0x2FFFF;
	_ =	strace $0x9FFFFFFF  }
0xd1: {  	(tm) =	ssettm $0x7FFFFFFF  }
tec
execute0_lowered:
.L_overlay_start_1:
0x0: {  	(tag) =	ssettag $0x1  }
0x1: {  	s0 =	rddreg [dreg:$0x0]  }
0x2: {  	s2 =	rddreg [dreg:$0x1];
	s1 =	srdreg.scid  }
0x3: {  	s4 =	stileid.u32;
	s3 =	simm.s32 $0x0;
	s14 =	simm.s32 $0x1  }
0x4: {  	s28 =	simm.s32 $0x4;
	s29 =	simm.s32 $0x2;
	s31 =	simm.s32 $0x5  }
0x5: {  	s30 =	simm.s32 $0x400;
	s13 =	simm.s32 $0x8400;
	s15 =	simm.s32 $0x11400  }
0x6: {  	s16 =	simm.s32 $0x11C00;
	s17 =	simm.s32 $0x12400;
	s18 =	simm.s32 $0x12C00  }
0x7: {  	s19 =	simm.s32 $0x13400;
	s20 =	simm.s32 $0x13C00;
	s21 =	simm.s32 $0x14400  }
0x8: {  	s22 =	simm.s32 $0x14C00;
	s1 =	sand.u32 $0x1, s1;
	s4 =	sshll.u32 s4, $0x1  }
0x9: {  	s23 =	simm.s32 $0x15400;
	[smem:$0x7FF] =	sst s3;
	s4 =	sor.u32 s1, s4  }
0xa: {  	s24 =	simm.s32 $0x15C00;
	_ =	strace $0x8000004A;
	s5 =	sshll.u32 s4, $0x7  }
0xb: {  	s1 =	ssub.s32 $0x2, s1;
	s4 =	sshll.u32 s4, $0xF;
	s5 =	sadd.s32 s5, s0  }
0xc: {  	s25 =	sshrl.u32 s1, $0x1;
	s0 =	sadd.s32 s4, s0;
	s5 =	sadd.s32 $0x101200, s5  }
0xd: {  	s1 =	ssub.s32 s1, s25;
	s26 =	sadd.s32 $0x102200, s0;
	[dreg:$0x3] =	wrdreg s5  }
0xe: {  	s4 =	sadd.s32 $0x100, s2;
	s6 =	sadd.s32 $0x103200, s0;
	[dreg:$0x4] =	wrdreg s26  }
0xf: {  	s25 =	simm.s32 $0x16400;
	s7 =	sadd.s32 $0x104200, s0;
	[dreg:$0x5] =	wrdreg s6  }
0x10: {  	s8 =	sadd.s32 $0x105200, s0;
	s9 =	sadd.s32 $0x106200, s0;
	[dreg:$0x6] =	wrdreg s7  }
0x11: {  	s10 =	sadd.s32 $0x107200, s0;
	s11 =	sadd.s32 $0x108200, s0;
	[dreg:$0x7] =	wrdreg s8  }
0x12: {  	s0 =	sadd.s32 $0x109200, s0;
	s5 =	sadd.s32 $0x200, s2;
	[dreg:$0x8] =	wrdreg s9  }
0x13: {  	v2 =	vlaneseq.u32;
	s6 =	sadd.s32 $0x300, s2;
	s7 =	sadd.s32 $0x400, s2;
	[dreg:$0x9] =	wrdreg s10  }
0x14: {  	vm0 =	vmmov $0xffff;
	v1 =	vshrl.u32 v2, $0x3;
	s8 =	sadd.s32 $0x500, s2;
	s9 =	sadd.s32 $0x600, s2;
	[dreg:$0xa] =	wrdreg s11  }
0x15: {  	v0 =	vand.u32 $0x7, v2;
	v2 =	vor.u32 $0x8, v2;
	v1 =	vmul.u32 $0x8, v1;
	s10 =	sadd.s32 $0x700, s2;
	[dreg:$0xb] =	wrdreg s0;
	s11 =	smax.u32 s1, $0x1  }
.LBB2_1:
0x16: {  	s12 =	rddreg [dreg:$0x3];
	s1 =	simm.s32 $0x7  }
0x17: {  	[tilespmem:s3], [sflag:$0x7] =	stream.linear.gather [hbm4b:s12+s3], $0x400, $0x38;
	[tilespmem:$0x18400] =	vst v63  }
0x18: {  	_ =	swait.ge [sflag:s1], $0x400  }
0x19: {  	[sflag:s1] =	ssyncset.done $0x0  }
0x1a: {  	[sflag:s1] =	ssyncadd.s32 $0xFFFFFC00  }
0x1b: {  	v3 =	vld [tilespmem:$0x0];
	_ =	sdelay $0x4  }
0x1c: {  	v4 =	vshll.u32 v3, $0x4  }
0x1d: {  	v3 =	vand.u32 $0x7, v3;
	v4 =	vand.u32 $0xFFFFFF80, v4  }
0x1e: {  	v3 =	vor.u32 v3, v4  }
0x1f: {  	v4 =	vperm.xlane v3, v0;
	_ =	sdelay $0x1  }
0x20: {  	v4 =	vadd.s32 v1, v4;
	_ =	sdelay $0x4  }
0x21: {  	[tilespmem:s30], [sflag:$0x1] =	stream.indirect_vreg.gather [hbm4b:s2+s3], $0x80, v4, vm0, $0xb8;
	[tilespmem:$0x18400] =	vst v63  }
0x22: {  	s0 =	simm.s32 $0xC00  }
0x23: {  	[tilespmem:s0], [sflag:$0x1] =	stream.indirect_vreg.gather [hbm4b:s4+s3], $0x80, v4, vm0, $0xb8;
	[tilespmem:$0x18400] =	vst v63  }
0x24: {  	s26 =	simm.s32 $0x1400  }
0x25: {  	[tilespmem:s26], [sflag:$0x1] =	stream.indirect_vreg.gather [hbm4b:s5+s3], $0x80, v4, vm0, $0xb8;
	[tilespmem:$0x18400] =	vst v63  }
0x26: {  	s1 =	simm.s32 $0x1C00  }
0x27: {  	[tilespmem:s1], [sflag:$0x1] =	stream.indirect_vreg.gather [hbm4b:s6+s3], $0x80, v4, vm0, $0xb8;
	[tilespmem:$0x18400] =	vst v63  }
0x28: {  	s12 =	simm.s32 $0x2400  }
0x29: {  	[tilespmem:s12], [sflag:$0x1] =	stream.indirect_vreg.gather [hbm4b:s7+s3], $0x80, v4, vm0, $0xb8;
	[tilespmem:$0x18400] =	vst v63  }
0x2a: {  	v3 =	vperm.xlane v3, v2;
	s26 =	simm.s32 $0x2C00  }
0x2b: {  	[tilespmem:s26], [sflag:$0x1] =	stream.indirect_vreg.gather [hbm4b:s8+s3], $0x80, v4, vm0, $0xb8;
	[tilespmem:$0x18400] =	vst v63  }
0x2c: {  	v3 =	vadd.s32 v1, v3;
	s12 =	simm.s32 $0x3400  }
0x2d: {  	[tilespmem:s12], [sflag:$0x1] =	stream.indirect_vreg.gather [hbm4b:s9+s3], $0x80, v4, vm0, $0xb8;
	[tilespmem:$0x18400] =	vst v63  }
0x2e: {  	s12 =	simm.s32 $0x3C00  }
0x2f: {  	[tilespmem:s12], [sflag:$0x1] =	stream.indirect_vreg.gather [hbm4b:s10+s3], $0x80, v4, vm0, $0xb8;
	[tilespmem:$0x18400] =	vst v63  }
0x30: {  	s12 =	simm.s32 $0x4400  }
0x31: {  	[tilespmem:s12], [sflag:$0x1] =	stream.indirect_vreg.gather [hbm4b:s2+s3], $0x80, v3, vm0, $0xb8;
	[tilespmem:$0x18400] =	vst v63  }
0x32: {  	s12 =	simm.s32 $0x4C00  }
0x33: {  	[tilespmem:s12], [sflag:$0x1] =	stream.indirect_vreg.gather [hbm4b:s4+s3], $0x80, v3, vm0, $0xb8;
	[tilespmem:$0x18400] =	vst v63  }
0x34: {  	s12 =	simm.s32 $0x5400  }
0x35: {  	[tilespmem:s12], [sflag:$0x1] =	stream.indirect_vreg.gather [hbm4b:s5+s3], $0x80, v3, vm0, $0xb8;
	[tilespmem:$0x18400] =	vst v63  }
0x36: {  	s12 =	simm.s32 $0x5C00  }
0x37: {  	[tilespmem:s12], [sflag:$0x1] =	stream.indirect_vreg.gather [hbm4b:s6+s3], $0x80, v3, vm0, $0xb8;
	[tilespmem:$0x18400] =	vst v63  }
0x38: {  	s12 =	simm.s32 $0x6400  }
0x39: {  	[tilespmem:s12], [sflag:$0x1] =	stream.indirect_vreg.gather [hbm4b:s7+s3], $0x80, v3, vm0, $0xb8;
	[tilespmem:$0x18400] =	vst v63  }
0x3a: {  	s12 =	simm.s32 $0x6C00  }
0x3b: {  	[tilespmem:s12], [sflag:$0x1] =	stream.indirect_vreg.gather [hbm4b:s8+s3], $0x80, v3, vm0, $0xb8;
	[tilespmem:$0x18400] =	vst v63  }
0x3c: {  	s12 =	simm.s32 $0x7400  }
0x3d: {  	[tilespmem:s12], [sflag:$0x1] =	stream.indirect_vreg.gather [hbm4b:s9+s3], $0x80, v3, vm0, $0xb8;
	[tilespmem:$0x18400] =	vst v63  }
0x3e: {  	s12 =	simm.s32 $0x7C00  }
0x3f: {  	[tilespmem:s12], [sflag:$0x1] =	stream.indirect_vreg.gather [hbm4b:s10+s3], $0x80, v3, vm0, $0xb8;
	[tilespmem:$0x18400] =	vst v63  }
0x40: {  	v3 =	vld [tilespmem:$0x80];
	_ =	sdelay $0x4  }
0x41: {  	v57 =	vshll.u32 v3, $0x4  }
0x42: {  	v3 =	vand.u32 $0x7, v3;
	v4 =	vand.u32 $0xFFFFFF80, v57  }
0x43: {  	v3 =	vor.u32 v3, v4  }
0x44: {  	v4 =	vperm.xlane v3, v0;
	_ =	sdelay $0x1  }
0x45: {  	v4 =	vadd.s32 v1, v4;
	_ =	sdelay $0x4  }
0x46: {  	[tilespmem:s13], [sflag:$0x2] =	stream.indirect_vreg.gather [hbm4b:s2+s3], $0x80, v4, vm0, $0xb8;
	[tilespmem:$0x18400] =	vst v63  }
0x47: {  	s12 =	simm.s32 $0x8C00  }
0x48: {  	[tilespmem:s12], [sflag:$0x2] =	stream.indirect_vreg.gather [hbm4b:s4+s3], $0x80, v4, vm0, $0xb8;
	[tilespmem:$0x18400] =	vst v63  }
0x49: {  	s12 =	simm.s32 $0x9400  }
0x4a: {  	[tilespmem:s12], [sflag:$0x2] =	stream.indirect_vreg.gather [hbm4b:s5+s3], $0x80, v4, vm0, $0xb8;
	[tilespmem:$0x18400] =	vst v63  }
0x4b: {  	s12 =	simm.s32 $0x9C00  }
0x4c: {  	[tilespmem:s12], [sflag:$0x2] =	stream.indirect_vreg.gather [hbm4b:s6+s3], $0x80, v4, vm0, $0xb8;
	[tilespmem:$0x18400] =	vst v63  }
0x4d: {  	s12 =	simm.s32 $0xA400  }
0x4e: {  	[tilespmem:s12], [sflag:$0x2] =	stream.indirect_vreg.gather [hbm4b:s7+s3], $0x80, v4, vm0, $0xb8;
	[tilespmem:$0x18400] =	vst v63  }
0x4f: {  	v3 =	vperm.xlane v3, v2;
	s12 =	simm.s32 $0xAC00  }
0x50: {  	[tilespmem:s12], [sflag:$0x2] =	stream.indirect_vreg.gather [hbm4b:s8+s3], $0x80, v4, vm0, $0xb8;
	[tilespmem:$0x18400] =	vst v63  }
0x51: {  	v3 =	vadd.s32 v1, v3;
	s12 =	simm.s32 $0xB400  }
0x52: {  	[tilespmem:s12], [sflag:$0x2] =	stream.indirect_vreg.gather [hbm4b:s9+s3], $0x80, v4, vm0, $0xb8;
	[tilespmem:$0x18400] =	vst v63  }
0x53: {  	s12 =	simm.s32 $0xBC00  }
0x54: {  	[tilespmem:s12], [sflag:$0x2] =	stream.indirect_vreg.gather [hbm4b:s10+s3], $0x80, v4, vm0, $0xb8;
	[tilespmem:$0x18400] =	vst v63  }
0x55: {  	s12 =	simm.s32 $0xC400  }
0x56: {  	[tilespmem:s12], [sflag:$0x2] =	stream.indirect_vreg.gather [hbm4b:s2+s3], $0x80, v3, vm0, $0xb8;
	[tilespmem:$0x18400] =	vst v63  }
0x57: {  	s12 =	simm.s32 $0xCC00  }
0x58: {  	[tilespmem:s12], [sflag:$0x2] =	stream.indirect_vreg.gather [hbm4b:s4+s3], $0x80, v3, vm0, $0xb8;
	[tilespmem:$0x18400] =	vst v63  }
0x59: {  	s12 =	simm.s32 $0xD400  }
0x5a: {  	[tilespmem:s12], [sflag:$0x2] =	stream.indirect_vreg.gather [hbm4b:s5+s3], $0x80, v3, vm0, $0xb8;
	[tilespmem:$0x18400] =	vst v63  }
0x5b: {  	s12 =	simm.s32 $0xDC00  }
0x5c: {  	[tilespmem:s12], [sflag:$0x2] =	stream.indirect_vreg.gather [hbm4b:s6+s3], $0x80, v3, vm0, $0xb8;
	[tilespmem:$0x18400] =	vst v63  }
0x5d: {  	s12 =	simm.s32 $0xE400  }
0x5e: {  	[tilespmem:s12], [sflag:$0x2] =	stream.indirect_vreg.gather [hbm4b:s7+s3], $0x80, v3, vm0, $0xb8;
	[tilespmem:$0x18400] =	vst v63  }
0x5f: {  	s12 =	simm.s32 $0xEC00  }
0x60: {  	[tilespmem:s12], [sflag:$0x2] =	stream.indirect_vreg.gather [hbm4b:s8+s3], $0x80, v3, vm0, $0xb8;
	[tilespmem:$0x18400] =	vst v63  }
0x61: {  	s12 =	simm.s32 $0xF400  }
0x62: {  	[tilespmem:s12], [sflag:$0x2] =	stream.indirect_vreg.gather [hbm4b:s9+s3], $0x80, v3, vm0, $0xb8;
	[tilespmem:$0x18400] =	vst v63  }
0x63: {  	s12 =	simm.s32 $0xFC00  }
0x64: {  	[tilespmem:s12], [sflag:$0x2] =	stream.indirect_vreg.gather [hbm4b:s10+s3], $0x80, v3, vm0, $0xb8;
	[tilespmem:$0x18400] =	vst v63  }
0x65: {  	v3 =	vld [tilespmem:$0x100];
	_ =	sdelay $0x4  }
0x66: {  	v58 =	vshll.u32 v3, $0x4  }
0x67: {  	v3 =	vand.u32 $0x7, v3;
	v4 =	vand.u32 $0xFFFFFF80, v58  }
0x68: {  	v3 =	vor.u32 v3, v4  }
0x69: {  	v4 =	vperm.xlane v3, v0;
	_ =	sdelay $0x1  }
0x6a: {  	v4 =	vadd.s32 v1, v4;
	_ =	sdelay $0x3  }
0x6b: {  	s12 =	simm.s32 $0x10400  }
0x6c: {  	[tilespmem:s12], [sflag:$0x3] =	stream.indirect_vreg.gather [hbm4b:s2+s3], $0x80, v4, vm0, $0xb8;
	[tilespmem:$0x18400] =	vst v63  }
0x6d: {  	s12 =	simm.s32 $0x10C00  }
0x6e: {  	[tilespmem:s12], [sflag:$0x3] =	stream.indirect_vreg.gather [hbm4b:s4+s3], $0x80, v4, vm0, $0xb8;
	[tilespmem:$0x18400] =	vst v63  }
0x6f: {  	_ = 	snop  }
0x70: {  	[tilespmem:s15], [sflag:$0x3] =	stream.indirect_vreg.gather [hbm4b:s5+s3], $0x80, v4, vm0, $0xb8;
	[tilespmem:$0x18400] =	vst v63  }
0x71: {  	_ = 	snop  }
0x72: {  	[tilespmem:s16], [sflag:$0x3] =	stream.indirect_vreg.gather [hbm4b:s6+s3], $0x80, v4, vm0, $0xb8;
	[tilespmem:$0x18400] =	vst v63  }
0x73: {  	_ = 	snop  }
0x74: {  	[tilespmem:s17], [sflag:$0x3] =	stream.indirect_vreg.gather [hbm4b:s7+s3], $0x80, v4, vm0, $0xb8;
	[tilespmem:$0x18400] =	vst v63  }
0x75: {  	v3 =	vperm.xlane v3, v2  }
0x76: {  	[tilespmem:s18], [sflag:$0x3] =	stream.indirect_vreg.gather [hbm4b:s8+s3], $0x80, v4, vm0, $0xb8;
	[tilespmem:$0x18400] =	vst v63  }
0x77: {  	v3 =	vadd.s32 v1, v3  }
0x78: {  	[tilespmem:s19], [sflag:$0x3] =	stream.indirect_vreg.gather [hbm4b:s9+s3], $0x80, v4, vm0, $0xb8;
	[tilespmem:$0x18400] =	vst v63  }
0x79: {  	_ = 	snop  }
0x7a: {  	[tilespmem:s20], [sflag:$0x3] =	stream.indirect_vreg.gather [hbm4b:s10+s3], $0x80, v4, vm0, $0xb8;
	[tilespmem:$0x18400] =	vst v63  }
0x7b: {  	_ = 	snop  }
0x7c: {  	[tilespmem:s21], [sflag:$0x3] =	stream.indirect_vreg.gather [hbm4b:s2+s3], $0x80, v3, vm0, $0xb8;
	[tilespmem:$0x18400] =	vst v63  }
0x7d: {  	_ = 	snop  }
0x7e: {  	[tilespmem:s22], [sflag:$0x3] =	stream.indirect_vreg.gather [hbm4b:s4+s3], $0x80, v3, vm0, $0xb8;
	[tilespmem:$0x18400] =	vst v63  }
0x7f: {  	_ = 	snop  }
0x80: {  	[tilespmem:s23], [sflag:$0x3] =	stream.indirect_vreg.gather [hbm4b:s5+s3], $0x80, v3, vm0, $0xb8;
	[tilespmem:$0x18400] =	vst v63  }
0x81: {  	_ = 	snop  }
0x82: {  	[tilespmem:s24], [sflag:$0x3] =	stream.indirect_vreg.gather [hbm4b:s6+s3], $0x80, v3, vm0, $0xb8;
	[tilespmem:$0x18400] =	vst v63  }
0x83: {  	_ = 	snop  }
0x84: {  	[tilespmem:s25], [sflag:$0x3] =	stream.indirect_vreg.gather [hbm4b:s7+s3], $0x80, v3, vm0, $0xb8;
	[tilespmem:$0x18400] =	vst v63  }
0x85: {  	s12 =	simm.s32 $0x16C00  }
0x86: {  	[tilespmem:s12], [sflag:$0x3] =	stream.indirect_vreg.gather [hbm4b:s8+s3], $0x80, v3, vm0, $0xb8;
	[tilespmem:$0x18400] =	vst v63  }
0x87: {  	s12 =	simm.s32 $0x17400  }
0x88: {  	[tilespmem:s12], [sflag:$0x3] =	stream.indirect_vreg.gather [hbm4b:s9+s3], $0x80, v3, vm0, $0xb8;
	[tilespmem:$0x18400] =	vst v63  }
0x89: {  	s12 =	simm.s32 $0x17C00  }
0x8a: {  	[tilespmem:s12], [sflag:$0x3] =	stream.indirect_vreg.gather [hbm4b:s10+s3], $0x80, v3, vm0, $0xb8;
	[tilespmem:$0x18400] =	vst v63  }
0x8b: {  	_ =	swait.ge [sflag:s14], $0x8000  }
0x8c: {  	[sflag:s14] =	ssyncset.done $0x0  }
0x8d: {  	s0 =	rddreg [dreg:$0x4];
	[sflag:s14] =	ssyncadd.s32 $0xFFFF8000  }
0x8e: {  	[hbm4b:s0+s3] =	stream.linear.scatter [tilespmem:s30], [sflag:$0x4], $0x8000, $0x38;
	[tilespmem:$0x18400] =	vst v63  }
0x8f: {  	_ =	swait.ge [sflag:s28], $0x8000  }
0x90: {  	[sflag:s28] =	ssyncset.done $0x0  }
0x91: {  	[sflag:s28] =	ssyncadd.s32 $0xFFFF8000  }
0x92: {  	v3 =	vld [tilespmem:$0x180];
	_ =	sdelay $0x4  }
0x93: {  	v59 =	vshll.u32 v3, $0x4  }
0x94: {  	v3 =	vand.u32 $0x7, v3;
	v4 =	vand.u32 $0xFFFFFF80, v59  }
0x95: {  	v3 =	vor.u32 v3, v4  }
0x96: {  	v4 =	vperm.xlane v3, v0;
	_ =	sdelay $0x1  }
0x97: {  	v4 =	vadd.s32 v1, v4;
	_ =	sdelay $0x4  }
0x98: {  	[tilespmem:s30], [sflag:$0x1] =	stream.indirect_vreg.gather [hbm4b:s2+s3], $0x80, v4, vm0, $0xb8;
	[tilespmem:$0x18400] =	vst v63  }
0x99: {  	s12 =	simm.s32 $0xC00  }
0x9a: {  	[tilespmem:s12], [sflag:$0x1] =	stream.indirect_vreg.gather [hbm4b:s4+s3], $0x80, v4, vm0, $0xb8;
	[tilespmem:$0x18400] =	vst v63  }
0x9b: {  	s12 =	simm.s32 $0x1400  }
0x9c: {  	[tilespmem:s12], [sflag:$0x1] =	stream.indirect_vreg.gather [hbm4b:s5+s3], $0x80, v4, vm0, $0xb8;
	[tilespmem:$0x18400] =	vst v63  }
0x9d: {  	s12 =	simm.s32 $0x1C00  }
0x9e: {  	[tilespmem:s12], [sflag:$0x1] =	stream.indirect_vreg.gather [hbm4b:s6+s3], $0x80, v4, vm0, $0xb8;
	[tilespmem:$0x18400] =	vst v63  }
0x9f: {  	s1 =	simm.s32 $0x2400  }
0xa0: {  	[tilespmem:s1], [sflag:$0x1] =	stream.indirect_vreg.gather [hbm4b:s7+s3], $0x80, v4, vm0, $0xb8;
	[tilespmem:$0x18400] =	vst v63  }
0xa1: {  	s26 =	simm.s32 $0x2C00;
	v3 =	vperm.xlane v3, v2  }
0xa2: {  	[tilespmem:s26], [sflag:$0x1] =	stream.indirect_vreg.gather [hbm4b:s8+s3], $0x80, v4, vm0, $0xb8;
	[tilespmem:$0x18400] =	vst v63  }
0xa3: {  	v3 =	vadd.s32 v1, v3;
	s26 =	simm.s32 $0x3400  }
0xa4: {  	[tilespmem:s26], [sflag:$0x1] =	stream.indirect_vreg.gather [hbm4b:s9+s3], $0x80, v4, vm0, $0xb8;
	[tilespmem:$0x18400] =	vst v63  }
0xa5: {  	s1 =	simm.s32 $0x3C00  }
0xa6: {  	[tilespmem:s1], [sflag:$0x1] =	stream.indirect_vreg.gather [hbm4b:s10+s3], $0x80, v4, vm0, $0xb8;
	[tilespmem:$0x18400] =	vst v63  }
0xa7: {  	s12 =	simm.s32 $0x4400  }
0xa8: {  	[tilespmem:s12], [sflag:$0x1] =	stream.indirect_vreg.gather [hbm4b:s2+s3], $0x80, v3, vm0, $0xb8;
	[tilespmem:$0x18400] =	vst v63  }
0xa9: {  	s26 =	simm.s32 $0x4C00  }
0xaa: {  	[tilespmem:s26], [sflag:$0x1] =	stream.indirect_vreg.gather [hbm4b:s4+s3], $0x80, v3, vm0, $0xb8;
	[tilespmem:$0x18400] =	vst v63  }
0xab: {  	s1 =	simm.s32 $0x5400  }
0xac: {  	[tilespmem:s1], [sflag:$0x1] =	stream.indirect_vreg.gather [hbm4b:s5+s3], $0x80, v3, vm0, $0xb8;
	[tilespmem:$0x18400] =	vst v63  }
0xad: {  	s12 =	simm.s32 $0x5C00  }
0xae: {  	[tilespmem:s12], [sflag:$0x1] =	stream.indirect_vreg.gather [hbm4b:s6+s3], $0x80, v3, vm0, $0xb8;
	[tilespmem:$0x18400] =	vst v63  }
0xaf: {  	s26 =	simm.s32 $0x6400  }
0xb0: {  	[tilespmem:s26], [sflag:$0x1] =	stream.indirect_vreg.gather [hbm4b:s7+s3], $0x80, v3, vm0, $0xb8;
	[tilespmem:$0x18400] =	vst v63  }
0xb1: {  	s1 =	simm.s32 $0x6C00  }
0xb2: {  	[tilespmem:s1], [sflag:$0x1] =	stream.indirect_vreg.gather [hbm4b:s8+s3], $0x80, v3, vm0, $0xb8;
	[tilespmem:$0x18400] =	vst v63  }
0xb3: {  	s12 =	simm.s32 $0x7400  }
0xb4: {  	[tilespmem:s12], [sflag:$0x1] =	stream.indirect_vreg.gather [hbm4b:s9+s3], $0x80, v3, vm0, $0xb8;
	[tilespmem:$0x18400] =	vst v63  }
0xb5: {  	s26 =	simm.s32 $0x7C00  }
0xb6: {  	[tilespmem:s26], [sflag:$0x1] =	stream.indirect_vreg.gather [hbm4b:s10+s3], $0x80, v3, vm0, $0xb8;
	[tilespmem:$0x18400] =	vst v63  }
0xb7: {  	_ =	swait.ge [sflag:s29], $0x8000  }
0xb8: {  	[sflag:s29] =	ssyncset.done $0x0  }
0xb9: {  	s0 =	rddreg [dreg:$0x5];
	[sflag:s29] =	ssyncadd.s32 $0xFFFF8000  }
0xba: {  	[hbm4b:s0+s3] =	stream.linear.scatter [tilespmem:s13], [sflag:$0x5], $0x8000, $0x38;
	[tilespmem:$0x18400] =	vst v63  }
0xbb: {  	_ =	swait.ge [sflag:s31], $0x8000  }
0xbc: {  	[sflag:s31] =	ssyncset.done $0x0  }
0xbd: {  	[sflag:s31] =	ssyncadd.s32 $0xFFFF8000  }
0xbe: {  	v3 =	vld [tilespmem:$0x200];
	_ =	sdelay $0x4  }
0xbf: {  	v60 =	vshll.u32 v3, $0x4  }
0xc0: {  	v3 =	vand.u32 $0x7, v3;
	v4 =	vand.u32 $0xFFFFFF80, v60  }
0xc1: {  	v3 =	vor.u32 v3, v4  }
0xc2: {  	v4 =	vperm.xlane v3, v0;
	_ =	sdelay $0x1  }
0xc3: {  	v4 =	vadd.s32 v1, v4;
	_ =	sdelay $0x4  }
0xc4: {  	[tilespmem:s13], [sflag:$0x2] =	stream.indirect_vreg.gather [hbm4b:s2+s3], $0x80, v4, vm0, $0xb8;
	[tilespmem:$0x18400] =	vst v63  }
0xc5: {  	s1 =	simm.s32 $0x8C00  }
0xc6: {  	[tilespmem:s1], [sflag:$0x2] =	stream.indirect_vreg.gather [hbm4b:s4+s3], $0x80, v4, vm0, $0xb8;
	[tilespmem:$0x18400] =	vst v63  }
0xc7: {  	s12 =	simm.s32 $0x9400  }
0xc8: {  	[tilespmem:s12], [sflag:$0x2] =	stream.indirect_vreg.gather [hbm4b:s5+s3], $0x80, v4, vm0, $0xb8;
	[tilespmem:$0x18400] =	vst v63  }
0xc9: {  	s26 =	simm.s32 $0x9C00  }
0xca: {  	[tilespmem:s26], [sflag:$0x2] =	stream.indirect_vreg.gather [hbm4b:s6+s3], $0x80, v4, vm0, $0xb8;
	[tilespmem:$0x18400] =	vst v63  }
0xcb: {  	s1 =	simm.s32 $0xA400  }
0xcc: {  	[tilespmem:s1], [sflag:$0x2] =	stream.indirect_vreg.gather [hbm4b:s7+s3], $0x80, v4, vm0, $0xb8;
	[tilespmem:$0x18400] =	vst v63  }
0xcd: {  	v3 =	vperm.xlane v3, v2;
	s12 =	simm.s32 $0xAC00  }
0xce: {  	[tilespmem:s12], [sflag:$0x2] =	stream.indirect_vreg.gather [hbm4b:s8+s3], $0x80, v4, vm0, $0xb8;
	[tilespmem:$0x18400] =	vst v63  }
0xcf: {  	v3 =	vadd.s32 v1, v3;
	s26 =	simm.s32 $0xB400  }
0xd0: {  	[tilespmem:s26], [sflag:$0x2] =	stream.indirect_vreg.gather [hbm4b:s9+s3], $0x80, v4, vm0, $0xb8;
	[tilespmem:$0x18400] =	vst v63  }
0xd1: {  	s1 =	simm.s32 $0xBC00  }
0xd2: {  	[tilespmem:s1], [sflag:$0x2] =	stream.indirect_vreg.gather [hbm4b:s10+s3], $0x80, v4, vm0, $0xb8;
	[tilespmem:$0x18400] =	vst v63  }
0xd3: {  	s12 =	simm.s32 $0xC400  }
0xd4: {  	[tilespmem:s12], [sflag:$0x2] =	stream.indirect_vreg.gather [hbm4b:s2+s3], $0x80, v3, vm0, $0xb8;
	[tilespmem:$0x18400] =	vst v63  }
0xd5: {  	s26 =	simm.s32 $0xCC00  }
0xd6: {  	[tilespmem:s26], [sflag:$0x2] =	stream.indirect_vreg.gather [hbm4b:s4+s3], $0x80, v3, vm0, $0xb8;
	[tilespmem:$0x18400] =	vst v63  }
0xd7: {  	s1 =	simm.s32 $0xD400  }
0xd8: {  	[tilespmem:s1], [sflag:$0x2] =	stream.indirect_vreg.gather [hbm4b:s5+s3], $0x80, v3, vm0, $0xb8;
	[tilespmem:$0x18400] =	vst v63  }
0xd9: {  	s12 =	simm.s32 $0xDC00  }
0xda: {  	[tilespmem:s12], [sflag:$0x2] =	stream.indirect_vreg.gather [hbm4b:s6+s3], $0x80, v3, vm0, $0xb8;
	[tilespmem:$0x18400] =	vst v63  }
0xdb: {  	s26 =	simm.s32 $0xE400  }
0xdc: {  	[tilespmem:s26], [sflag:$0x2] =	stream.indirect_vreg.gather [hbm4b:s7+s3], $0x80, v3, vm0, $0xb8;
	[tilespmem:$0x18400] =	vst v63  }
0xdd: {  	s1 =	simm.s32 $0xEC00  }
0xde: {  	[tilespmem:s1], [sflag:$0x2] =	stream.indirect_vreg.gather [hbm4b:s8+s3], $0x80, v3, vm0, $0xb8;
	[tilespmem:$0x18400] =	vst v63  }
0xdf: {  	s12 =	simm.s32 $0xF400  }
0xe0: {  	[tilespmem:s12], [sflag:$0x2] =	stream.indirect_vreg.gather [hbm4b:s9+s3], $0x80, v3, vm0, $0xb8;
	[tilespmem:$0x18400] =	vst v63  }
0xe1: {  	s0 =	simm.s32 $0x3;
	s26 =	simm.s32 $0xFC00  }
0xe2: {  	[tilespmem:s26], [sflag:$0x2] =	stream.indirect_vreg.gather [hbm4b:s10+s3], $0x80, v3, vm0, $0xb8;
	[tilespmem:$0x18400] =	vst v63  }
0xe3: {  	_ =	swait.ge [sflag:s0], $0x8000  }
0xe4: {  	[sflag:s0] =	ssyncset.done $0x0  }
0xe5: {  	s26 =	simm.s32 $0x10400;
	s1 =	rddreg [dreg:$0x6];
	[sflag:s0] =	ssyncadd.s32 $0xFFFF8000  }
0xe6: {  	[hbm4b:s1+s3] =	stream.linear.scatter [tilespmem:s26], [sflag:$0x6], $0x8000, $0x38;
	[tilespmem:$0x18400] =	vst v63  }
0xe7: {  	s1 =	simm.s32 $0x6  }
0xe8: {  	_ =	swait.ge [sflag:s1], $0x8000  }
0xe9: {  	[sflag:s1] =	ssyncset.done $0x0  }
0xea: {  	[sflag:s1] =	ssyncadd.s32 $0xFFFF8000  }
0xeb: {  	v3 =	vld [tilespmem:$0x280];
	_ =	sdelay $0x4  }
0xec: {  	v61 =	vshll.u32 v3, $0x4  }
0xed: {  	v3 =	vand.u32 $0x7, v3;
	v4 =	vand.u32 $0xFFFFFF80, v61  }
0xee: {  	v3 =	vor.u32 v3, v4  }
0xef: {  	v4 =	vperm.xlane v3, v0;
	_ =	sdelay $0x1  }
0xf0: {  	v4 =	vadd.s32 v1, v4;
	_ =	sdelay $0x4  }
0xf1: {  	[tilespmem:s26], [sflag:$0x3] =	stream.indirect_vreg.gather [hbm4b:s2+s3], $0x80, v4, vm0, $0xb8;
	[tilespmem:$0x18400] =	vst v63  }
0xf2: {  	s12 =	simm.s32 $0x10C00  }
0xf3: {  	[tilespmem:s12], [sflag:$0x3] =	stream.indirect_vreg.gather [hbm4b:s4+s3], $0x80, v4, vm0, $0xb8;
	[tilespmem:$0x18400] =	vst v63  }
0xf4: {  	_ = 	snop  }
0xf5: {  	[tilespmem:s15], [sflag:$0x3] =	stream.indirect_vreg.gather [hbm4b:s5+s3], $0x80, v4, vm0, $0xb8;
	[tilespmem:$0x18400] =	vst v63  }
0xf6: {  	_ = 	snop  }
0xf7: {  	[tilespmem:s16], [sflag:$0x3] =	stream.indirect_vreg.gather [hbm4b:s6+s3], $0x80, v4, vm0, $0xb8;
	[tilespmem:$0x18400] =	vst v63  }
0xf8: {  	_ = 	snop  }
0xf9: {  	[tilespmem:s17], [sflag:$0x3] =	stream.indirect_vreg.gather [hbm4b:s7+s3], $0x80, v4, vm0, $0xb8;
	[tilespmem:$0x18400] =	vst v63  }
0xfa: {  	v3 =	vperm.xlane v3, v2  }
0xfb: {  	[tilespmem:s18], [sflag:$0x3] =	stream.indirect_vreg.gather [hbm4b:s8+s3], $0x80, v4, vm0, $0xb8;
	[tilespmem:$0x18400] =	vst v63  }
0xfc: {  	v3 =	vadd.s32 v1, v3  }
0xfd: {  	[tilespmem:s19], [sflag:$0x3] =	stream.indirect_vreg.gather [hbm4b:s9+s3], $0x80, v4, vm0, $0xb8;
	[tilespmem:$0x18400] =	vst v63  }
0xfe: {  	_ = 	snop  }
0xff: {  	[tilespmem:s20], [sflag:$0x3] =	stream.indirect_vreg.gather [hbm4b:s10+s3], $0x80, v4, vm0, $0xb8;
	[tilespmem:$0x18400] =	vst v63  }
0x100: {  	_ = 	snop  }
0x101: {  	[tilespmem:s21], [sflag:$0x3] =	stream.indirect_vreg.gather [hbm4b:s2+s3], $0x80, v3, vm0, $0xb8;
	[tilespmem:$0x18400] =	vst v63  }
0x102: {  	_ = 	snop  }
0x103: {  	[tilespmem:s22], [sflag:$0x3] =	stream.indirect_vreg.gather [hbm4b:s4+s3], $0x80, v3, vm0, $0xb8;
	[tilespmem:$0x18400] =	vst v63  }
0x104: {  	_ = 	snop  }
0x105: {  	[tilespmem:s23], [sflag:$0x3] =	stream.indirect_vreg.gather [hbm4b:s5+s3], $0x80, v3, vm0, $0xb8;
	[tilespmem:$0x18400] =	vst v63  }
0x106: {  	_ = 	snop  }
0x107: {  	[tilespmem:s24], [sflag:$0x3] =	stream.indirect_vreg.gather [hbm4b:s6+s3], $0x80, v3, vm0, $0xb8;
	[tilespmem:$0x18400] =	vst v63  }
0x108: {  	_ = 	snop  }
0x109: {  	[tilespmem:s25], [sflag:$0x3] =	stream.indirect_vreg.gather [hbm4b:s7+s3], $0x80, v3, vm0, $0xb8;
	[tilespmem:$0x18400] =	vst v63  }
0x10a: {  	s12 =	simm.s32 $0x16C00  }
0x10b: {  	[tilespmem:s12], [sflag:$0x3] =	stream.indirect_vreg.gather [hbm4b:s8+s3], $0x80, v3, vm0, $0xb8;
	[tilespmem:$0x18400] =	vst v63  }
0x10c: {  	s12 =	simm.s32 $0x17400  }
0x10d: {  	[tilespmem:s12], [sflag:$0x3] =	stream.indirect_vreg.gather [hbm4b:s9+s3], $0x80, v3, vm0, $0xb8;
	[tilespmem:$0x18400] =	vst v63  }
0x10e: {  	s12 =	simm.s32 $0x17C00  }
0x10f: {  	[tilespmem:s12], [sflag:$0x3] =	stream.indirect_vreg.gather [hbm4b:s10+s3], $0x80, v3, vm0, $0xb8;
	[tilespmem:$0x18400] =	vst v63  }
0x110: {  	_ =	swait.ge [sflag:s14], $0x8000  }
0x111: {  	[sflag:s14] =	ssyncset.done $0x0  }
0x112: {  	s12 =	rddreg [dreg:$0x7];
	[sflag:s14] =	ssyncadd.s32 $0xFFFF8000  }
0x113: {  	[hbm4b:s12+s3] =	stream.linear.scatter [tilespmem:s30], [sflag:$0x4], $0x8000, $0x38;
	[tilespmem:$0x18400] =	vst v63  }
0x114: {  	_ =	swait.ge [sflag:s28], $0x8000  }
0x115: {  	[sflag:s28] =	ssyncset.done $0x0  }
0x116: {  	[sflag:s28] =	ssyncadd.s32 $0xFFFF8000  }
0x117: {  	v3 =	vld [tilespmem:$0x300];
	_ =	sdelay $0x4  }
0x118: {  	v62 =	vshll.u32 v3, $0x4  }
0x119: {  	v3 =	vand.u32 $0x7, v3;
	v4 =	vand.u32 $0xFFFFFF80, v62  }
0x11a: {  	v3 =	vor.u32 v3, v4  }
0x11b: {  	v4 =	vperm.xlane v3, v0;
	_ =	sdelay $0x1  }
0x11c: {  	v4 =	vadd.s32 v1, v4;
	_ =	sdelay $0x4  }
0x11d: {  	[tilespmem:s30], [sflag:$0x1] =	stream.indirect_vreg.gather [hbm4b:s2+s3], $0x80, v4, vm0, $0xb8;
	[tilespmem:$0x18400] =	vst v63  }
0x11e: {  	s12 =	simm.s32 $0xC00  }
0x11f: {  	[tilespmem:s12], [sflag:$0x1] =	stream.indirect_vreg.gather [hbm4b:s4+s3], $0x80, v4, vm0, $0xb8;
	[tilespmem:$0x18400] =	vst v63  }
0x120: {  	s12 =	simm.s32 $0x1400  }
0x121: {  	[tilespmem:s12], [sflag:$0x1] =	stream.indirect_vreg.gather [hbm4b:s5+s3], $0x80, v4, vm0, $0xb8;
	[tilespmem:$0x18400] =	vst v63  }
0x122: {  	s12 =	simm.s32 $0x1C00  }
0x123: {  	[tilespmem:s12], [sflag:$0x1] =	stream.indirect_vreg.gather [hbm4b:s6+s3], $0x80, v4, vm0, $0xb8;
	[tilespmem:$0x18400] =	vst v63  }
0x124: {  	s12 =	simm.s32 $0x2400  }
0x125: {  	[tilespmem:s12], [sflag:$0x1] =	stream.indirect_vreg.gather [hbm4b:s7+s3], $0x80, v4, vm0, $0xb8;
	[tilespmem:$0x18400] =	vst v63  }
0x126: {  	v3 =	vperm.xlane v3, v2;
	s12 =	simm.s32 $0x2C00  }
0x127: {  	[tilespmem:s12], [sflag:$0x1] =	stream.indirect_vreg.gather [hbm4b:s8+s3], $0x80, v4, vm0, $0xb8;
	[tilespmem:$0x18400] =	vst v63  }
0x128: {  	v3 =	vadd.s32 v1, v3;
	s12 =	simm.s32 $0x3400  }
0x129: {  	[tilespmem:s12], [sflag:$0x1] =	stream.indirect_vreg.gather [hbm4b:s9+s3], $0x80, v4, vm0, $0xb8;
	[tilespmem:$0x18400] =	vst v63  }
0x12a: {  	s12 =	simm.s32 $0x3C00  }
0x12b: {  	[tilespmem:s12], [sflag:$0x1] =	stream.indirect_vreg.gather [hbm4b:s10+s3], $0x80, v4, vm0, $0xb8;
	[tilespmem:$0x18400] =	vst v63  }
0x12c: {  	s12 =	simm.s32 $0x4400  }
0x12d: {  	[tilespmem:s12], [sflag:$0x1] =	stream.indirect_vreg.gather [hbm4b:s2+s3], $0x80, v3, vm0, $0xb8;
	[tilespmem:$0x18400] =	vst v63  }
0x12e: {  	s12 =	simm.s32 $0x4C00  }
0x12f: {  	[tilespmem:s12], [sflag:$0x1] =	stream.indirect_vreg.gather [hbm4b:s4+s3], $0x80, v3, vm0, $0xb8;
	[tilespmem:$0x18400] =	vst v63  }
0x130: {  	s12 =	simm.s32 $0x5400  }
0x131: {  	[tilespmem:s12], [sflag:$0x1] =	stream.indirect_vreg.gather [hbm4b:s5+s3], $0x80, v3, vm0, $0xb8;
	[tilespmem:$0x18400] =	vst v63  }
0x132: {  	s12 =	simm.s32 $0x5C00  }
0x133: {  	[tilespmem:s12], [sflag:$0x1] =	stream.indirect_vreg.gather [hbm4b:s6+s3], $0x80, v3, vm0, $0xb8;
	[tilespmem:$0x18400] =	vst v63  }
0x134: {  	s12 =	simm.s32 $0x6400  }
0x135: {  	[tilespmem:s12], [sflag:$0x1] =	stream.indirect_vreg.gather [hbm4b:s7+s3], $0x80, v3, vm0, $0xb8;
	[tilespmem:$0x18400] =	vst v63  }
0x136: {  	s12 =	simm.s32 $0x6C00  }
0x137: {  	[tilespmem:s12], [sflag:$0x1] =	stream.indirect_vreg.gather [hbm4b:s8+s3], $0x80, v3, vm0, $0xb8;
	[tilespmem:$0x18400] =	vst v63  }
0x138: {  	s12 =	simm.s32 $0x7400  }
0x139: {  	[tilespmem:s12], [sflag:$0x1] =	stream.indirect_vreg.gather [hbm4b:s9+s3], $0x80, v3, vm0, $0xb8;
	[tilespmem:$0x18400] =	vst v63  }
0x13a: {  	s12 =	simm.s32 $0x7C00  }
0x13b: {  	[tilespmem:s12], [sflag:$0x1] =	stream.indirect_vreg.gather [hbm4b:s10+s3], $0x80, v3, vm0, $0xb8;
	[tilespmem:$0x18400] =	vst v63  }
0x13c: {  	_ =	swait.ge [sflag:s29], $0x8000  }
0x13d: {  	[sflag:s29] =	ssyncset.done $0x0  }
0x13e: {  	s12 =	rddreg [dreg:$0x8];
	[sflag:s29] =	ssyncadd.s32 $0xFFFF8000  }
0x13f: {  	[hbm4b:s12+s3] =	stream.linear.scatter [tilespmem:s13], [sflag:$0x5], $0x8000, $0x38;
	[tilespmem:$0x18400] =	vst v63  }
0x140: {  	_ =	swait.ge [sflag:s31], $0x8000  }
0x141: {  	[sflag:s31] =	ssyncset.done $0x0  }
0x142: {  	[sflag:s31] =	ssyncadd.s32 $0xFFFF8000  }
0x143: {  	v3 =	vld [tilespmem:$0x380];
	_ =	sdelay $0x4  }
0x144: {  	v63 =	vshll.u32 v3, $0x4  }
0x145: {  	v3 =	vand.u32 $0x7, v3;
	v4 =	vand.u32 $0xFFFFFF80, v63  }
0x146: {  	v3 =	vor.u32 v3, v4  }
0x147: {  	v4 =	vperm.xlane v3, v0;
	_ =	sdelay $0x1  }
0x148: {  	v4 =	vadd.s32 v1, v4;
	_ =	sdelay $0x4  }
0x149: {  	[tilespmem:s13], [sflag:$0x2] =	stream.indirect_vreg.gather [hbm4b:s2+s3], $0x80, v4, vm0, $0xb8;
	[tilespmem:$0x18400] =	vst v63  }
0x14a: {  	s12 =	simm.s32 $0x8C00  }
0x14b: {  	[tilespmem:s12], [sflag:$0x2] =	stream.indirect_vreg.gather [hbm4b:s4+s3], $0x80, v4, vm0, $0xb8;
	[tilespmem:$0x18400] =	vst v63  }
0x14c: {  	s12 =	simm.s32 $0x9400  }
0x14d: {  	[tilespmem:s12], [sflag:$0x2] =	stream.indirect_vreg.gather [hbm4b:s5+s3], $0x80, v4, vm0, $0xb8;
	[tilespmem:$0x18400] =	vst v63  }
0x14e: {  	s12 =	simm.s32 $0x9C00  }
0x14f: {  	[tilespmem:s12], [sflag:$0x2] =	stream.indirect_vreg.gather [hbm4b:s6+s3], $0x80, v4, vm0, $0xb8;
	[tilespmem:$0x18400] =	vst v63  }
0x150: {  	s12 =	simm.s32 $0xA400  }
0x151: {  	[tilespmem:s12], [sflag:$0x2] =	stream.indirect_vreg.gather [hbm4b:s7+s3], $0x80, v4, vm0, $0xb8;
	[tilespmem:$0x18400] =	vst v63  }
0x152: {  	v3 =	vperm.xlane v3, v2;
	s12 =	simm.s32 $0xAC00  }
0x153: {  	[tilespmem:s12], [sflag:$0x2] =	stream.indirect_vreg.gather [hbm4b:s8+s3], $0x80, v4, vm0, $0xb8;
	[tilespmem:$0x18400] =	vst v63  }
0x154: {  	v3 =	vadd.s32 v1, v3;
	s12 =	simm.s32 $0xB400  }
0x155: {  	[tilespmem:s12], [sflag:$0x2] =	stream.indirect_vreg.gather [hbm4b:s9+s3], $0x80, v4, vm0, $0xb8;
	[tilespmem:$0x18400] =	vst v63  }
0x156: {  	s12 =	simm.s32 $0xBC00  }
0x157: {  	[tilespmem:s12], [sflag:$0x2] =	stream.indirect_vreg.gather [hbm4b:s10+s3], $0x80, v4, vm0, $0xb8;
	[tilespmem:$0x18400] =	vst v63  }
0x158: {  	s12 =	simm.s32 $0xC400  }
0x159: {  	[tilespmem:s12], [sflag:$0x2] =	stream.indirect_vreg.gather [hbm4b:s2+s3], $0x80, v3, vm0, $0xb8;
	[tilespmem:$0x18400] =	vst v63  }
0x15a: {  	s12 =	simm.s32 $0xCC00  }
0x15b: {  	[tilespmem:s12], [sflag:$0x2] =	stream.indirect_vreg.gather [hbm4b:s4+s3], $0x80, v3, vm0, $0xb8;
	[tilespmem:$0x18400] =	vst v63  }
0x15c: {  	s12 =	simm.s32 $0xD400  }
0x15d: {  	[tilespmem:s12], [sflag:$0x2] =	stream.indirect_vreg.gather [hbm4b:s5+s3], $0x80, v3, vm0, $0xb8;
	[tilespmem:$0x18400] =	vst v63  }
0x15e: {  	s12 =	simm.s32 $0xDC00  }
0x15f: {  	[tilespmem:s12], [sflag:$0x2] =	stream.indirect_vreg.gather [hbm4b:s6+s3], $0x80, v3, vm0, $0xb8;
	[tilespmem:$0x18400] =	vst v63  }
0x160: {  	s12 =	simm.s32 $0xE400  }
0x161: {  	[tilespmem:s12], [sflag:$0x2] =	stream.indirect_vreg.gather [hbm4b:s7+s3], $0x80, v3, vm0, $0xb8;
	[tilespmem:$0x18400] =	vst v63  }
0x162: {  	s12 =	simm.s32 $0xEC00  }
0x163: {  	[tilespmem:s12], [sflag:$0x2] =	stream.indirect_vreg.gather [hbm4b:s8+s3], $0x80, v3, vm0, $0xb8;
	[tilespmem:$0x18400] =	vst v63  }
0x164: {  	s12 =	simm.s32 $0xF400  }
0x165: {  	[tilespmem:s12], [sflag:$0x2] =	stream.indirect_vreg.gather [hbm4b:s9+s3], $0x80, v3, vm0, $0xb8;
	[tilespmem:$0x18400] =	vst v63  }
0x166: {  	s12 =	simm.s32 $0xFC00  }
0x167: {  	[tilespmem:s12], [sflag:$0x2] =	stream.indirect_vreg.gather [hbm4b:s10+s3], $0x80, v3, vm0, $0xb8;
	[tilespmem:$0x18400] =	vst v63  }
0x168: {  	_ =	swait.ge [sflag:s0], $0x8000  }
0x169: {  	[sflag:s0] =	ssyncset.done $0x0  }
0x16a: {  	s26 =	simm.s32 $0x10400;
	s12 =	rddreg [dreg:$0x9];
	[sflag:s0] =	ssyncadd.s32 $0xFFFF8000  }
0x16b: {  	[hbm4b:s12+s3] =	stream.linear.scatter [tilespmem:s26], [sflag:$0x6], $0x8000, $0x38;
	[tilespmem:$0x18400] =	vst v63  }
0x16c: {  	_ =	swait.ge [sflag:s14], $0x8000  }
0x16d: {  	[sflag:s14] =	ssyncset.done $0x0  }
0x16e: {  	s0 =	rddreg [dreg:$0xa];
	[sflag:s14] =	ssyncadd.s32 $0xFFFF8000  }
0x16f: {  	[hbm4b:s0+s3] =	stream.linear.scatter [tilespmem:s30], [sflag:$0x4], $0x8000, $0x38;
	[tilespmem:$0x18400] =	vst v63  }
0x170: {  	_ =	swait.ge [sflag:s29], $0x8000  }
0x171: {  	[sflag:s29] =	ssyncset.done $0x0  }
0x172: {  	s26 =	rddreg [dreg:$0xb];
	[sflag:s29] =	ssyncadd.s32 $0xFFFF8000  }
0x173: {  	[hbm4b:s26+s3] =	stream.linear.scatter [tilespmem:s13], [sflag:$0x5], $0x8000, $0x38;
	[tilespmem:$0x18400] =	vst v63  }
0x174: {  	_ =	swait.ge [sflag:s1], $0x8000  }
0x175: {  	[sflag:s1] =	ssyncset.done $0x0  }
0x176: {  	[sflag:s1] =	ssyncadd.s32 $0xFFFF8000  }
0x177: {  	p0 =	sne.s32 s11, $0x1;
	_ =	swait.ge [sflag:s28], $0x8000  }
.Ltmp0:
0x178: {  	[sflag:s28] =	ssyncset.done $0x0;
	(pc) =	sbr.rel @p0 .LBB2_1-.Ltmp0, $4  }
0x179: {  	[sflag:s28] =	ssyncadd.s32 $0xFFFF8000  }
0x17a: {  	_ =	swait.ge [sflag:s31], $0x8000  }
0x17b: {  	[sflag:s31] =	ssyncset.done $0x0  }
0x17c: {  	s11 =	sadd.s32 $0xFFFFFFFF, s11;
	[sflag:s31] =	ssyncadd.s32 $0xFFFF8000  }
0x17d: {  	_ =	sfence.sel $0x180000  }
0x17e: {  	[bflag:$0x0] =	sbarrier.arrive $0xFFFF  }
0x17f: {  	_ =	strace $0x9000004A  }
0x180: {  	s0 =	stileid.u32;
	[bflag:$0x2] =	sbarrier.arrive $0xFFFF  }
0x181: {  	p0 =	sne.s32 s0, $0x0;
	s0 =	rddreg [dreg:$0x2]  }
0x182: {  	s0 =	sadd.s32 @!p0 $0x100000, s0  }
0x183: {  	[sflag:s0] =	ssyncadd.tile.s32 @!p0 $0x1;
	_ =	shalt  }
.Lfunc_end2:
_tile_overlayer_lowered:
.L_overlay_start_2:
0x184: {  	(tag) =	ssettag $0x2  }
0x185: {  	s0 =	rddreg [dreg:$0x0];
	s2 =	stileid.u32  }
0x186: {  	s1 =	rddreg [dreg:$0x1];
	p0 =	sne.s32 s2, $0x0  }
0x187: {  	s3 =	rddreg [dreg:$0x2];
	[bflag:$0x3] =	sbarrier.arrive $0xFFFF;
	s2 =	simm.s32 @!p0 $0x1C07  }
0x188: {  	[timem:s3], [sflag:s2] =	dma.local @!p0 [hbm:s0], s1  }
0x189: {  	s0 =	simm.s32 @!p0 $0x7  }
0x18a: {  	_ =	swait.ge @!p0 [sflag:s0], s1  }
0x18b: {  	s1 =	ssub.s32 @!p0 $0x0, s1;
	[sflag:s0] =	ssyncset.done @!p0 $0x0  }
0x18c: {  	[sflag:s0] =	ssyncadd.s32 @!p0 s1  }
0x18d: {  	[bflag:$0x3] =	sbarrier.arrive $0xFFFF  }
0x18e: {  	_ =	shalt  }

// kernel: kernel.14.cloned.1.call-start
scs
__scs_entry_jumppad:
0x0: {  	(pc) =	sbr.rel $0x88, $3  }
0x1: {  	(tag) =	ssettag $0x0;
	lr =	simm.s32 $0x1  }
0x2: {  	[smem:$0x3F9C] =	sst lr;
	_ =	strace $0xD0000000  }
0x3: {  	_ = 	snop  }
0x4: {  	_ = 	snop  }
0x5: {  	_ = 	snop  }
0x6: {  	_ = 	snop  }
0x7: {  	_ = 	snop  }
__scs_overlays_trampoline_lowered:
0x8: {  	[smem:$0x3FAB] =	sst s0  }
0x9: {  	[smem:$0x3FAC] =	sst s1  }
0xa: {  	[smem:$0x3FAD] =	sst s2  }
0xb: {  	[smem:$0x3FAE] =	sst s3  }
0xc: {  	[smem:$0x3FAF] =	sst s4  }
0xd: {  	[smem:$0x3FB0] =	sst s5  }
0xe: {  	[smem:$0x3FB1] =	sst s6  }
0xf: {  	[smem:$0x3FB2] =	sst s7  }
0x10: {  	[smem:$0x3FB3] =	sst s8  }
0x11: {  	[smem:$0x3FB4] =	sst s9;
	s0 =	simm.s32 @!p0 $0x0  }
0x12: {  	s1 =	sld [smem:$0x3F9A];
	s0 =	simm.s32 @p0 $0x1  }
0x13: {  	[smem:$0x3FB5] =	sst s0;
	s0 =	simm.s32 @!p1 $0x0  }
0x14: {  	s2 =	sld [smem:$0x3F99];
	s0 =	simm.s32 @p1 $0x1  }
0x15: {  	[smem:$0x3FB6] =	sst s0;
	s0 =	simm.s32 @!p2 $0x0  }
0x16: {  	s3 =	sld [smem:$0x3FDB];
	s0 =	simm.s32 @p2 $0x1  }
0x17: {  	s4 =	simm.s32 $0x1BF5;
	[smem:$0x3FB8] =	sst s0  }
0x18: {  	s0 =	sld [smem:$0x3F9B];
	_ =	swait.ge [sflag:s4], $0x0  }
0x19: {  	s7 =	sld [smem:$0x3F9C]  }
0x1a: {  	s8 =	sadd.s32 $0xFFFFE003, lr  }
0x1b: {  	s9 =	sadd.s32 $0xFFFFFEF7, lr;
	s5 =	simm.s32 $0xFFFFFFFF;
	p2 =	slt.u32 s8, $0xFFFFF086  }
0x1c: {  	p1 =	slt.u32 s9, $0xF7A;
	s5 =	simm.s32 @!p2 $0x0  }
0x1d: {  	s5 =	simm.s32 @p1 $0x1;
	p0 =	seq.s32 s7, s2  }
0x1e: {  	s7 =	smul.u32 @!p0 $0xF7A, s2;
	p2 =	seq.s32 @!p0 s5, $0x0  }
0x1f: {  	s9 =	smul.u32 $0xF7A, s1;
	s8 =	simm.s32 @!p0 $0x1BF5;
	p2 =	por !p2, p0  }
0x20: {  	[sflag:s8] =	ssyncset.s32 @!p0 $0xFFFFF086;
	s6 =	sadd.s32 @!p0 s3, s7;
	s7 =	simm.s32 @!p0 $0x108  }
0x21: {  	s3 =	sadd.s32 s3, s9;
	s6 =	sadd.s32 @!p0 $0x88, s6;
	s7 =	simm.s32 @p2 $0x1082  }
0x22: {  	[simem:s7], [sflag:s8] =	dma.local @!p0 [hbm:s6], $0xF7A  }
0x23: {  	s9 =	sor.u32 $0xD0000000, s2;
	s6 =	simm.s32 $0x108;
	_ =	swait.ge @!p0 [sflag:s8], $0x0  }
0x24: {  	s3 =	sadd.s32 $0x88, s3;
	s6 =	simm.s32 @!p1 $0x1082;
	[sflag:s4] =	ssyncset.s32 $0xFFFFF086  }
0x25: {  	[simem:s6], [sflag:s4] =	dma.local [hbm:s3], $0xF7A  }
0x26: {  	[smem:$0x3F9C] =	sst s1;
	(tag) =	ssettag s2;
	_ =	strace s9  }
0x27: {  	s1 =	sld [smem:$0x3FAC]  }
0x28: {  	s2 =	sld [smem:$0x3FAD]  }
0x29: {  	s4 =	sld [smem:$0x3FAF]  }
0x2a: {  	p0 =	seq.s32 s5, $0x0;
	s5 =	sld [smem:$0x3FB0]  }
0x2b: {  	s6 =	sld [smem:$0x3FB1]  }
0x2c: {  	s7 =	sld [smem:$0x3FB2]  }
0x2d: {  	s3 =	simm.s32 $0x108;
	s8 =	sld [smem:$0x3FB3]  }
0x2e: {  	s3 =	simm.s32 @!p0 $0x1082;
	s9 =	sld [smem:$0x3FB4]  }
0x2f: {  	lr =	sadd.s32 s0, s3;
	s0 =	sld [smem:$0x3FAB]  }
0x30: {  	s3 =	sld [smem:$0x3FAE]  }
0x31: {  	[smem:$0x3FB7] =	sst s10  }
0x32: {  	s10 =	sld [smem:$0x3FB5];
	_ =	sdelay $0x3  }
0x33: {  	p0 =	seq.s32 s10, $0x1;
	s10 =	sld [smem:$0x3FB7];
	_ =	sdelay $0x3  }
0x34: {  	[smem:$0x3FB7] =	sst s10  }
0x35: {  	s10 =	sld [smem:$0x3FB6];
	_ =	sdelay $0x3  }
0x36: {  	p1 =	seq.s32 s10, $0x1;
	s10 =	sld [smem:$0x3FB7];
	_ =	sdelay $0x3  }
0x37: {  	[smem:$0x3FB7] =	sst s10  }
0x38: {  	s10 =	sld [smem:$0x3FB8]  }
0x39: {  	_ = 	snop;
	(pc) =	sbr.ind lr, $3  }
0x3a: {  	_ = 	snop  }
0x3b: {  	_ = 	snop  }
0x3c: {  	p2 =	seq.s32 s10, $0x1;
	s10 =	sld [smem:$0x3FB7]  }
0x3d: {  	_ =	shalt  }
0x3e: {  	_ =	shalt  }
0x3f: {  	_ =	shalt  }
0x40: {  	_ =	shalt  }
0x41: {  	_ =	shalt  }
0x42: {  	_ =	shalt  }
0x43: {  	_ =	shalt  }
0x44: {  	_ =	shalt  }
0x45: {  	_ =	shalt  }
0x46: {  	_ =	shalt  }
0x47: {  	_ =	shalt  }
0x48: {  	_ =	shalt  }
0x49: {  	_ =	shalt  }
0x4a: {  	_ =	shalt  }
0x4b: {  	_ =	shalt  }
0x4c: {  	_ =	shalt  }
0x4d: {  	_ =	shalt  }
0x4e: {  	_ =	shalt  }
0x4f: {  	_ =	shalt  }
0x50: {  	_ =	shalt  }
0x51: {  	_ =	shalt  }
0x52: {  	_ =	shalt  }
0x53: {  	_ =	shalt  }
0x54: {  	_ =	shalt  }
0x55: {  	_ =	shalt  }
0x56: {  	_ =	shalt  }
0x57: {  	_ =	shalt  }
0x58: {  	_ =	shalt  }
0x59: {  	_ =	shalt  }
0x5a: {  	_ =	shalt  }
0x5b: {  	_ =	shalt  }
0x5c: {  	_ =	shalt  }
0x5d: {  	_ =	shalt  }
0x5e: {  	_ =	shalt  }
0x5f: {  	_ =	shalt  }
0x60: {  	_ =	shalt  }
0x61: {  	_ =	shalt  }
0x62: {  	_ =	shalt  }
0x63: {  	_ =	shalt  }
0x64: {  	_ =	shalt  }
0x65: {  	_ =	shalt  }
0x66: {  	_ =	shalt  }
0x67: {  	_ =	shalt  }
0x68: {  	_ =	shalt  }
0x69: {  	_ =	shalt  }
0x6a: {  	_ =	shalt  }
0x6b: {  	_ =	shalt  }
0x6c: {  	_ =	shalt  }
0x6d: {  	_ =	shalt  }
0x6e: {  	_ =	shalt  }
0x6f: {  	_ =	shalt  }
0x70: {  	_ =	shalt  }
0x71: {  	_ =	shalt  }
0x72: {  	_ =	shalt  }
0x73: {  	_ =	shalt  }
0x74: {  	_ =	shalt  }
0x75: {  	_ =	shalt  }
0x76: {  	_ =	shalt  }
0x77: {  	_ =	shalt  }
0x78: {  	_ =	shalt  }
0x79: {  	_ =	shalt  }
0x7a: {  	_ =	shalt  }
0x7b: {  	_ =	shalt  }
0x7c: {  	_ =	shalt  }
0x7d: {  	_ =	shalt  }
0x7e: {  	_ =	shalt  }
0x7f: {  	_ =	shalt  }
0x80: {  	_ =	shalt  }
0x81: {  	_ =	shalt  }
0x82: {  	_ =	shalt  }
0x83: {  	_ =	shalt  }
0x84: {  	_ =	shalt  }
0x85: {  	_ =	shalt  }
0x86: {  	_ =	shalt  }
0x87: {  	_ =	shalt  }
.Lfunc_end0:
.L_simem_size_0:
called_computation.2_lowered:
.L_overlay_start_0:
0x88: {  	s0 =	sld [smem:$0x3FD9]  }
0x89: {  	s1 =	sld [smem:$0x3FFE];
	_ =	sdelay $0x3  }
0x8a: {  	s0 =	sadd.s32 s1, s0  }
0x8b: {  	[smem:$0x3FC3] =	sst s0  }
0x8c: {  	_ = 	snop  }
0x8d: {  	s0 =	sld [smem:$0x3FD0];
	(tm) =	ssettm $0x1  }
0x8e: {  	s16 =	sld [smem:$0x3FFB];
	_ =	sdelay $0x3  }
0x8f: {  	_ =	strace s16  }
0x90: {  	s1 =	sld [smem:$0x3FFC];
	_ =	sdelay $0x3  }
0x91: {  	_ =	strace s1  }
0x92: {  	s1 =	sld [smem:$0x3FFD];
	_ =	sdelay $0x3  }
0x93: {  	_ =	strace s1  }
0x94: {  	_ =	strace $0x8FFFFFFF  }
0x95: {  	s17 =	sld [smem:$0x3FDB];
	_ =	sdelay $0x1  }
0x96: {  	s2 =	simm.s32 $_scs_section_size  }
0x97: {  	s3 =	simm.s32 $_size__tile_overlayer_lowered;
	s4 =	simm.s32 $_tile_overlayer_lowered  }
0x98: {  	s20 =	simm.s32 $0x1BFF;
	s19 =	sshll.u32 s4, $0x1;
	s1 =	sadd.s32 s2, s17  }
0x99: {  	s5 =	simm.s32 $0x0;
	s18 =	sshll.u32 s3, $0x1;
	s3 =	sadd.s32 s19, s1  }
0x9a: {  	[timem:s5], [sflag:s20] =	dma.local [hbm:s3], s18  }
0x9b: {  	_ =	swait.ge [sflag:s20], s18  }
0x9c: {  	s2 =	ssub.s32 $0x0, s18;
	[sflag:s20] =	ssyncset.done $0x0  }
0x9d: {  	[sflag:s20] =	ssyncadd.s32 s2;
	_ =	sdelay $0x1  }
0x9e: {  	s21 =	simm.s32 $0x1B8B  }
0x9f: {  	_ =	swait.ge [sflag:s21], $0x1  }
0xa0: {  	[sflag:s21] =	ssyncset.done $0x0  }
0xa1: {  	s23 =	simm.s32 $0x1B8E;
	s22 =	sld [smem:$0x3FFE];
	[sflag:s21] =	ssyncadd.s32 $0xFFFFFFFF  }
0xa2: {  	s24 =	simm.s32 $execute0_lowered;
	[smem:$0x3FD2] =	sst s23  }
0xa3: {  	s3 =	sshll.u32 s24, $0x1;
	_ =	strace $0x8000004C;
	[dreg:$0x1] =	wrdreg $0xFFFFFFFF  }
0xa4: {  	s25 =	simm.s32 $_size_execute0_lowered;
	s1 =	sadd.s32 s1, s3;
	[dreg:$0x0] =	wrdreg $0x0  }
0xa5: {  	s3 =	sshll.u32 s25, $0x1;
	[dreg:$0x2] =	wrdreg s1  }
0xa6: {  	[dreg:$0x3] =	wrdreg s3  }
0xa7: {  	[dreg:$0x4] =	wrdreg $0xC0  }
0xa8: {  	_ =	task [dreg:s5], $0x5FFFF  }
0xa9: {  	[dreg:$0x1] =	wrdreg $0xFFFFFFFF  }
0xaa: {  	[dreg:$0x0] =	wrdreg $0x60  }
0xab: {  	[dreg:$0x2] =	wrdreg s22  }
0xac: {  	[dreg:$0x3] =	wrdreg s0  }
0xad: {  	[dreg:$0x4] =	wrdreg $0x9  }
0xae: {  	_ =	task.clear_ibuf [dreg:s5], $0x5FFFF;
	_ =	strace $0x9000004C  }
0xaf: {  	s26 =	simm.s32 $0x9;
	_ =	strace $0x8000004E  }
0xb0: {  	_ =	swait.ge [sflag:s26], $0x1  }
0xb1: {  	[sflag:s26] =	ssyncadd.s32 $0xFFFFFFFF  }
0xb2: {  	_ =	strace $0x9000004E  }
0xb3: {  	_ =	sfence  }
0xb4: {  	s28 =	sld [smem:$0x0];
	_ =	sdelay $0x1  }
0xb5: {  	s29 =	srdreg.scid  }
0xb6: {  	s30 =	sshll.u32 s29, $0xD;
	s31 =	sshrl.u32 s29, $0x2  }
0xb7: {  	s2 =	sand.u32 $0x4000, s30;
	s1 =	sand.u32 $0x1, s29;
	s0 =	sadd.s32 s31, s28  }
0xb8: {  	s1 =	sor.u32 s2, s1;
	s0 =	sshll.u32 s0, $0x11  }
0xb9: {  	s0 =	sor.u32 s0, s1  }
0xba: {  	s0 =	sadd.s32 $0x8F2B, s0  }
0xbb: {  	[sflag:s0] =	ssyncadd.remote.s32 $0x1  }
0xbc: {  	_ =	sfence.sel $0xFFFF  }
0xbd: {  	[dreg:$0x0] =	wrdreg $0xFFFFFFFF;
	(pc) =	sbr.abs _section_cstart, $3  }
0xbe: {  	[dreg:$0x1] =	wrdreg $0xFFFFFFFF  }
0xbf: {  	_ =	task.clear_ibuf [dreg:s5], $0x2FFFF;
	_ =	strace $0x9FFFFFFF  }
0xc0: {  	(tm) =	ssettm $0x7FFFFFFF  }
0xc1: {  	_ =	shalt  }
tec
execute0_lowered:
.L_overlay_start_1:
0x0: {  	(tag) =	ssettag $0x1  }
0x1: {  	s2 =	rddreg [dreg:$0x0]  }
0x2: {  	s1 =	rddreg [dreg:$0x1];
	s3 =	simm.s32 $0x0  }
0x3: {  	[smem:$0x7FF] =	sst s3  }
0x4: {  	s0 =	rddreg [dreg:$0x2];
	s4 =	sadd.s32 $0x1000, s2;
	_ =	strace $0x8000004D  }
0x5: {  	[tilespmem:s3], [sflag:$0x1] =	stream.linear.gather [hbm4b:s4+s3], $0x1000, $0x38;
	[tilespmem:$0x5000] =	vst v63  }
0x6: {  	s5 =	simm.s32 $0x1000;
	s30 =	sadd.s32 $0x1200, s2  }
0x7: {  	[tilespmem:s5], [sflag:$0x1] =	stream.linear.gather [hbm4b:s30+s3], $0x1000, $0x38;
	[tilespmem:$0x5000] =	vst v63  }
0x8: {  	s31 =	simm.s32 $0x2000;
	s2 =	sadd.s32 $0x202200, s2  }
0x9: {  	[tilespmem:s31], [sflag:$0x1] =	stream.linear.gather [hbm4b:s2+s3], $0x2000, $0x38;
	[tilespmem:$0x5000] =	vst v63  }
0xa: {  	v0 =	vimm.f32 $0.0e+00;
	s4 =	simm.s32 $0x0;
	s2 =	stileid.u32;
	s3 =	simm.s32 $0x40  }
.LBB2_1:
0xb: {  	p0 =	sne.s32 s3, $0x3FC0;
	[tilespmem:s4+$0x4000] =	vst v0;
	s4 =	smov.u32 s3;
	s3 =	sadd.s32 $0x40, s3  }
.Ltmp0:
0xc: {  	(pc) =	sbr.rel @p0 .LBB2_1-.Ltmp0, $2  }
0xd: {  	_ =	sdelay $0x2  }
0xe: {  	s4 =	sshra.s32 s4, $0x2  }
0xf: {  	[tilespmem:s4+$0x4000] =	vst v0;
	s31 =	simm.s32 $0x1  }
0x10: {  	_ =	swait.ge [sflag:s31], $0x1000  }
0x11: {  	[sflag:s31] =	ssyncset.done $0x0  }
0x12: {  	[sflag:s31] =	ssyncadd.s32 $0xFFFFF000  }
0x13: {  	_ =	swait.ge [sflag:s31], $0x1000  }
0x14: {  	[sflag:s31] =	ssyncset.done $0x0  }
0x15: {  	[sflag:s31] =	ssyncadd.s32 $0xFFFFF000  }
0x16: {  	_ =	swait.ge [sflag:s31], $0x2000  }
0x17: {  	s3 =	sshll.u32 s2, $0xC;
	[sflag:s31] =	ssyncset.done $0x0  }
0x18: {  	s4 =	simm.s32 $0x0;
	s5 =	simm.s32 $0x4000;
	v0 =	vmov s3;
	[sflag:s31] =	ssyncadd.s32 $0xFFFFE000  }
.LBB2_3:
0x19: {  	s6 =	sshra.s32 s4, $0x2  }
0x1a: {  	v1 =	vld [tilespmem:s6+$0x2000];
	_ =	sdelay $0x4  }
0x1b: {  	v2 =	vsub.s32 v1, v0  }
0x1c: {  	v1 =	vand.u32 $0x7F, v1;
	vm0 =	vlt.u32 v2, $0x1000;
	v2 =	vand.u32 $0xFFFFFF80, v2  }
0x1d: {  	v3 =	vld [tilespmem:s6+$0x0];
	v1 =	vor.u32 v1, v2;
	_ =	sdelay $0x4  }
0x1e: {  	[tilespmem:v1+s5+$0x0] =	vst.idx.msk vm0, v3  }
0x1f: {  	v1 =	vld [tilespmem:s6+$0x2010];
	_ =	sdelay $0x4  }
0x20: {  	v2 =	vsub.s32 v1, v0  }
0x21: {  	v1 =	vand.u32 $0x7F, v1;
	vm9 =	vlt.u32 v2, $0x1000;
	v2 =	vand.u32 $0xFFFFFF80, v2  }
0x22: {  	v3 =	vld [tilespmem:s6+$0x10];
	v1 =	vor.u32 v1, v2;
	_ =	sdelay $0x4  }
0x23: {  	[tilespmem:v1+s5+$0x0] =	vst.idx.msk vm9, v3  }
0x24: {  	v1 =	vld [tilespmem:s6+$0x2020];
	_ =	sdelay $0x4  }
0x25: {  	v2 =	vsub.s32 v1, v0  }
0x26: {  	v1 =	vand.u32 $0x7F, v1;
	vm10 =	vlt.u32 v2, $0x1000;
	v2 =	vand.u32 $0xFFFFFF80, v2  }
0x27: {  	v3 =	vld [tilespmem:s6+$0x20];
	v1 =	vor.u32 v1, v2;
	_ =	sdelay $0x4  }
0x28: {  	[tilespmem:v1+s5+$0x0] =	vst.idx.msk vm10, v3  }
0x29: {  	v1 =	vld [tilespmem:s6+$0x2030];
	_ =	sdelay $0x4  }
0x2a: {  	v2 =	vsub.s32 v1, v0  }
0x2b: {  	v1 =	vand.u32 $0x7F, v1;
	vm11 =	vlt.u32 v2, $0x1000;
	v2 =	vand.u32 $0xFFFFFF80, v2  }
0x2c: {  	v3 =	vld [tilespmem:s6+$0x30];
	v1 =	vor.u32 v1, v2;
	_ =	sdelay $0x4  }
0x2d: {  	[tilespmem:v1+s5+$0x0] =	vst.idx.msk vm11, v3  }
0x2e: {  	v1 =	vld [tilespmem:s6+$0x2040];
	_ =	sdelay $0x4  }
0x2f: {  	v2 =	vsub.s32 v1, v0  }
0x30: {  	v1 =	vand.u32 $0x7F, v1;
	vm12 =	vlt.u32 v2, $0x1000;
	v2 =	vand.u32 $0xFFFFFF80, v2  }
0x31: {  	v3 =	vld [tilespmem:s6+$0x40];
	v1 =	vor.u32 v1, v2;
	_ =	sdelay $0x4  }
0x32: {  	[tilespmem:v1+s5+$0x0] =	vst.idx.msk vm12, v3  }
0x33: {  	v1 =	vld [tilespmem:s6+$0x2050];
	_ =	sdelay $0x4  }
0x34: {  	v2 =	vsub.s32 v1, v0  }
0x35: {  	v1 =	vand.u32 $0x7F, v1;
	vm13 =	vlt.u32 v2, $0x1000;
	v2 =	vand.u32 $0xFFFFFF80, v2  }
0x36: {  	v3 =	vld [tilespmem:s6+$0x50];
	v1 =	vor.u32 v1, v2;
	_ =	sdelay $0x4  }
0x37: {  	[tilespmem:v1+s5+$0x0] =	vst.idx.msk vm13, v3  }
0x38: {  	v1 =	vld [tilespmem:s6+$0x2060];
	_ =	sdelay $0x4  }
0x39: {  	v2 =	vsub.s32 v1, v0  }
0x3a: {  	v1 =	vand.u32 $0x7F, v1;
	vm14 =	vlt.u32 v2, $0x1000;
	v2 =	vand.u32 $0xFFFFFF80, v2  }
0x3b: {  	v3 =	vld [tilespmem:s6+$0x60];
	v1 =	vor.u32 v1, v2;
	_ =	sdelay $0x4  }
0x3c: {  	[tilespmem:v1+s5+$0x0] =	vst.idx.msk vm14, v3  }
0x3d: {  	v1 =	vld [tilespmem:s6+$0x2070];
	_ =	sdelay $0x4  }
0x3e: {  	v2 =	vsub.s32 v1, v0  }
0x3f: {  	v1 =	vand.u32 $0x7F, v1;
	vm15 =	vlt.u32 v2, $0x1000;
	v2 =	vand.u32 $0xFFFFFF80, v2  }
0x40: {  	p0 =	sne.s32 s4, $0x7E00;
	v3 =	vld [tilespmem:s6+$0x70];
	v1 =	vor.u32 v1, v2  }
.Ltmp1:
0x41: {  	_ = 	snop;
	(pc) =	sbr.rel @p0 .LBB2_3-.Ltmp1, $2  }
0x42: {  	_ =	sdelay $0x2  }
0x43: {  	s4 =	sadd.s32 $0x200, s4;
	[tilespmem:v1+s5+$0x0] =	vst.idx.msk vm15, v3  }
0x44: {  	s4 =	sshll.u32 s2, $0x7  }
0x45: {  	s3 =	sand.u32 $0x8000, s3;
	s4 =	sand.u32 $0x380, s4  }
0x46: {  	s3 =	sor.u32 s4, s3  }
0x47: {  	s29 =	simm.s32 $0x80;
	s30 =	simm.s32 $0x400;
	s3 =	sshrl.u32 s3, $0x3  }
0x48: {  	s5 =	simm.s32 $0x4000;
	s31 =	simm.s32 $0x2;
	s1 =	sadd.s32 s1, s3  }
0x49: {  	[hbm4b:s1+s29] =	stream.strided.scatter [tilespmem:s5], [sflag:$0x2], $0x1000, s30, s29, $0x38;
	[tilespmem:$0x5000] =	vst v63  }
0x4a: {  	_ =	swait.ge [sflag:s31], $0x1000  }
0x4b: {  	[sflag:s31] =	ssyncset.done $0x0  }
0x4c: {  	[sflag:s31] =	ssyncadd.s32 $0xFFFFF000  }
0x4d: {  	_ =	sfence.sel $0x180000  }
0x4e: {  	[bflag:$0x0] =	sbarrier.arrive $0xFFFF  }
0x4f: {  	p0 =	sne.s32 s2, $0x0;
	_ =	strace $0x9000004D  }
0x50: {  	s0 =	sadd.s32 @!p0 $0x100000, s0;
	[bflag:$0x2] =	sbarrier.arrive $0xFFFF  }
0x51: {  	[sflag:s0] =	ssyncadd.tile.s32 @!p0 $0x1;
	_ =	shalt  }
.Lfunc_end2:
_tile_overlayer_lowered:
.L_overlay_start_2:
0x52: {  	(tag) =	ssettag $0x2  }
0x53: {  	s0 =	rddreg [dreg:$0x0];
	s2 =	stileid.u32  }
0x54: {  	s1 =	rddreg [dreg:$0x1];
	p0 =	sne.s32 s2, $0x0  }
0x55: {  	s3 =	rddreg [dreg:$0x2];
	[bflag:$0x3] =	sbarrier.arrive $0xFFFF;
	s2 =	simm.s32 @!p0 $0x1C02  }
0x56: {  	[timem:s3], [sflag:s2] =	dma.local @!p0 [hbm:s0], s1  }
0x57: {  	s0 =	simm.s32 @!p0 $0x2  }
0x58: {  	_ =	swait.ge @!p0 [sflag:s0], s1  }
0x59: {  	s1 =	ssub.s32 @!p0 $0x0, s1;
	[sflag:s0] =	ssyncset.done @!p0 $0x0  }
0x5a: {  	[sflag:s0] =	ssyncadd.s32 @!p0 s1  }
0x5b: {  	[bflag:$0x3] =	sbarrier.arrive $0xFFFF  }
0x5c: {  	_ =	shalt  }

// kernel: kernel.8.cloned.1.call-start
scs
__scs_entry_jumppad:
0x0: {  	(pc) =	sbr.rel $0x88, $3  }
0x1: {  	(tag) =	ssettag $0x0;
	lr =	simm.s32 $0x1  }
0x2: {  	[smem:$0x3F9C] =	sst lr;
	_ =	strace $0xD0000000  }
0x3: {  	_ = 	snop  }
0x4: {  	_ = 	snop  }
0x5: {  	_ = 	snop  }
0x6: {  	_ = 	snop  }
0x7: {  	_ = 	snop  }
__scs_overlays_trampoline_lowered:
0x8: {  	[smem:$0x3FAB] =	sst s0  }
0x9: {  	[smem:$0x3FAC] =	sst s1  }
0xa: {  	[smem:$0x3FAD] =	sst s2  }
0xb: {  	[smem:$0x3FAE] =	sst s3  }
0xc: {  	[smem:$0x3FAF] =	sst s4  }
0xd: {  	[smem:$0x3FB0] =	sst s5  }
0xe: {  	[smem:$0x3FB1] =	sst s6  }
0xf: {  	[smem:$0x3FB2] =	sst s7  }
0x10: {  	[smem:$0x3FB3] =	sst s8  }
0x11: {  	[smem:$0x3FB4] =	sst s9;
	s0 =	simm.s32 @!p0 $0x0  }
0x12: {  	s1 =	sld [smem:$0x3F9A];
	s0 =	simm.s32 @p0 $0x1  }
0x13: {  	[smem:$0x3FB5] =	sst s0;
	s0 =	simm.s32 @!p1 $0x0  }
0x14: {  	s2 =	sld [smem:$0x3F99];
	s0 =	simm.s32 @p1 $0x1  }
0x15: {  	[smem:$0x3FB6] =	sst s0;
	s0 =	simm.s32 @!p2 $0x0  }
0x16: {  	s3 =	sld [smem:$0x3FDB];
	s0 =	simm.s32 @p2 $0x1  }
0x17: {  	s4 =	simm.s32 $0x1BF5;
	[smem:$0x3FB8] =	sst s0  }
0x18: {  	s0 =	sld [smem:$0x3F9B];
	_ =	swait.ge [sflag:s4], $0x0  }
0x19: {  	s7 =	sld [smem:$0x3F9C]  }
0x1a: {  	s8 =	sadd.s32 $0xFFFFE003, lr  }
0x1b: {  	s9 =	sadd.s32 $0xFFFFFEF7, lr;
	s5 =	simm.s32 $0xFFFFFFFF;
	p2 =	slt.u32 s8, $0xFFFFF086  }
0x1c: {  	p1 =	slt.u32 s9, $0xF7A;
	s5 =	simm.s32 @!p2 $0x0  }
0x1d: {  	s5 =	simm.s32 @p1 $0x1;
	p0 =	seq.s32 s7, s2  }
0x1e: {  	s7 =	smul.u32 @!p0 $0xF7A, s2;
	p2 =	seq.s32 @!p0 s5, $0x0  }
0x1f: {  	s9 =	smul.u32 $0xF7A, s1;
	s8 =	simm.s32 @!p0 $0x1BF5;
	p2 =	por !p2, p0  }
0x20: {  	[sflag:s8] =	ssyncset.s32 @!p0 $0xFFFFF086;
	s6 =	sadd.s32 @!p0 s3, s7;
	s7 =	simm.s32 @!p0 $0x108  }
0x21: {  	s3 =	sadd.s32 s3, s9;
	s6 =	sadd.s32 @!p0 $0x88, s6;
	s7 =	simm.s32 @p2 $0x1082  }
0x22: {  	[simem:s7], [sflag:s8] =	dma.local @!p0 [hbm:s6], $0xF7A  }
0x23: {  	s9 =	sor.u32 $0xD0000000, s2;
	s6 =	simm.s32 $0x108;
	_ =	swait.ge @!p0 [sflag:s8], $0x0  }
0x24: {  	s3 =	sadd.s32 $0x88, s3;
	s6 =	simm.s32 @!p1 $0x1082;
	[sflag:s4] =	ssyncset.s32 $0xFFFFF086  }
0x25: {  	[simem:s6], [sflag:s4] =	dma.local [hbm:s3], $0xF7A  }
0x26: {  	[smem:$0x3F9C] =	sst s1;
	(tag) =	ssettag s2;
	_ =	strace s9  }
0x27: {  	s1 =	sld [smem:$0x3FAC]  }
0x28: {  	s2 =	sld [smem:$0x3FAD]  }
0x29: {  	s4 =	sld [smem:$0x3FAF]  }
0x2a: {  	p0 =	seq.s32 s5, $0x0;
	s5 =	sld [smem:$0x3FB0]  }
0x2b: {  	s6 =	sld [smem:$0x3FB1]  }
0x2c: {  	s7 =	sld [smem:$0x3FB2]  }
0x2d: {  	s3 =	simm.s32 $0x108;
	s8 =	sld [smem:$0x3FB3]  }
0x2e: {  	s3 =	simm.s32 @!p0 $0x1082;
	s9 =	sld [smem:$0x3FB4]  }
0x2f: {  	lr =	sadd.s32 s0, s3;
	s0 =	sld [smem:$0x3FAB]  }
0x30: {  	s3 =	sld [smem:$0x3FAE]  }
0x31: {  	[smem:$0x3FB7] =	sst s10  }
0x32: {  	s10 =	sld [smem:$0x3FB5];
	_ =	sdelay $0x3  }
0x33: {  	p0 =	seq.s32 s10, $0x1;
	s10 =	sld [smem:$0x3FB7];
	_ =	sdelay $0x3  }
0x34: {  	[smem:$0x3FB7] =	sst s10  }
0x35: {  	s10 =	sld [smem:$0x3FB6];
	_ =	sdelay $0x3  }
0x36: {  	p1 =	seq.s32 s10, $0x1;
	s10 =	sld [smem:$0x3FB7];
	_ =	sdelay $0x3  }
0x37: {  	[smem:$0x3FB7] =	sst s10  }
0x38: {  	s10 =	sld [smem:$0x3FB8]  }
0x39: {  	_ = 	snop;
	(pc) =	sbr.ind lr, $3  }
0x3a: {  	_ = 	snop  }
0x3b: {  	_ = 	snop  }
0x3c: {  	p2 =	seq.s32 s10, $0x1;
	s10 =	sld [smem:$0x3FB7]  }
0x3d: {  	_ =	shalt  }
0x3e: {  	_ =	shalt  }
0x3f: {  	_ =	shalt  }
0x40: {  	_ =	shalt  }
0x41: {  	_ =	shalt  }
0x42: {  	_ =	shalt  }
0x43: {  	_ =	shalt  }
0x44: {  	_ =	shalt  }
0x45: {  	_ =	shalt  }
0x46: {  	_ =	shalt  }
0x47: {  	_ =	shalt  }
0x48: {  	_ =	shalt  }
0x49: {  	_ =	shalt  }
0x4a: {  	_ =	shalt  }
0x4b: {  	_ =	shalt  }
0x4c: {  	_ =	shalt  }
0x4d: {  	_ =	shalt  }
0x4e: {  	_ =	shalt  }
0x4f: {  	_ =	shalt  }
0x50: {  	_ =	shalt  }
0x51: {  	_ =	shalt  }
0x52: {  	_ =	shalt  }
0x53: {  	_ =	shalt  }
0x54: {  	_ =	shalt  }
0x55: {  	_ =	shalt  }
0x56: {  	_ =	shalt  }
0x57: {  	_ =	shalt  }
0x58: {  	_ =	shalt  }
0x59: {  	_ =	shalt  }
0x5a: {  	_ =	shalt  }
0x5b: {  	_ =	shalt  }
0x5c: {  	_ =	shalt  }
0x5d: {  	_ =	shalt  }
0x5e: {  	_ =	shalt  }
0x5f: {  	_ =	shalt  }
0x60: {  	_ =	shalt  }
0x61: {  	_ =	shalt  }
0x62: {  	_ =	shalt  }
0x63: {  	_ =	shalt  }
0x64: {  	_ =	shalt  }
0x65: {  	_ =	shalt  }
0x66: {  	_ =	shalt  }
0x67: {  	_ =	shalt  }
0x68: {  	_ =	shalt  }
0x69: {  	_ =	shalt  }
0x6a: {  	_ =	shalt  }
0x6b: {  	_ =	shalt  }
0x6c: {  	_ =	shalt  }
0x6d: {  	_ =	shalt  }
0x6e: {  	_ =	shalt  }
0x6f: {  	_ =	shalt  }
0x70: {  	_ =	shalt  }
0x71: {  	_ =	shalt  }
0x72: {  	_ =	shalt  }
0x73: {  	_ =	shalt  }
0x74: {  	_ =	shalt  }
0x75: {  	_ =	shalt  }
0x76: {  	_ =	shalt  }
0x77: {  	_ =	shalt  }
0x78: {  	_ =	shalt  }
0x79: {  	_ =	shalt  }
0x7a: {  	_ =	shalt  }
0x7b: {  	_ =	shalt  }
0x7c: {  	_ =	shalt  }
0x7d: {  	_ =	shalt  }
0x7e: {  	_ =	shalt  }
0x7f: {  	_ =	shalt  }
0x80: {  	_ =	shalt  }
0x81: {  	_ =	shalt  }
0x82: {  	_ =	shalt  }
0x83: {  	_ =	shalt  }
0x84: {  	_ =	shalt  }
0x85: {  	_ =	shalt  }
0x86: {  	_ =	shalt  }
0x87: {  	_ =	shalt  }
.Lfunc_end0:
.L_simem_size_0:
called_computation_lowered:
.L_overlay_start_0:
0x88: {  	s2 =	sld [smem:$0x3FD9]  }
0x89: {  	s3 =	sld [smem:$0x3FFE];
	_ =	sdelay $0x1  }
0x8a: {  	s1 =	srdreg.scid  }
0x8b: {  	s0 =	sand.u32 $0x1, s1  }
0x8c: {  	s17 =	sshll.u32 s0, $0xA;
	s2 =	sadd.s32 s3, s2  }
0x8d: {  	s2 =	sadd.s32 s2, s17  }
0x8e: {  	[smem:$0x3FC3] =	sst s2  }
0x8f: {  	_ = 	snop  }
0x90: {  	s2 =	sld [smem:$0x3FC9]  }
0x91: {  	s18 =	sld [smem:$0x3FD0];
	(tm) =	ssettm $0x1  }
0x92: {  	s4 =	sld [smem:$0x3FFB];
	_ =	sdelay $0x3  }
0x93: {  	_ =	strace s4  }
0x94: {  	s4 =	sld [smem:$0x3FFC];
	_ =	sdelay $0x3  }
0x95: {  	_ =	strace s4  }
0x96: {  	s4 =	sld [smem:$0x3FFD];
	_ =	sdelay $0x3  }
0x97: {  	_ =	strace s4  }
0x98: {  	_ =	strace $0x8FFFFFFF  }
0x99: {  	s19 =	sld [smem:$0x3FDB];
	_ =	sdelay $0x1  }
0x9a: {  	s5 =	simm.s32 $_scs_section_size  }
0x9b: {  	s6 =	simm.s32 $_size__tile_overlayer_lowered;
	s7 =	simm.s32 $_tile_overlayer_lowered  }
0x9c: {  	s22 =	simm.s32 $0x1BFF;
	s21 =	sshll.u32 s7, $0x1;
	s4 =	sadd.s32 s5, s19  }
0x9d: {  	s8 =	simm.s32 $0x0;
	s20 =	sshll.u32 s6, $0x1;
	s6 =	sadd.s32 s21, s4  }
0x9e: {  	[timem:s8], [sflag:s22] =	dma.local [hbm:s6], s20  }
0x9f: {  	_ =	swait.ge [sflag:s22], s20  }
0xa0: {  	s5 =	ssub.s32 $0x0, s20;
	[sflag:s22] =	ssyncset.done $0x0  }
0xa1: {  	[sflag:s22] =	ssyncadd.s32 s5;
	_ =	sdelay $0x1  }
0xa2: {  	s23 =	simm.s32 $0x1B8B  }
0xa3: {  	_ =	swait.ge [sflag:s23], $0x1  }
0xa4: {  	[sflag:s23] =	ssyncset.done $0x0  }
0xa5: {  	s25 =	simm.s32 $0x1B8E;
	s24 =	sld [smem:$0x3FFE];
	[sflag:s23] =	ssyncadd.s32 $0xFFFFFFFF  }
0xa6: {  	s26 =	simm.s32 $execute0_lowered;
	[smem:$0x3FD2] =	sst s25  }
0xa7: {  	s6 =	sshll.u32 s26, $0x1;
	_ =	strace $0x80000046;
	[dreg:$0x1] =	wrdreg $0xFFFFFFFF  }
0xa8: {  	s28 =	simm.s32 $_size_execute0_lowered;
	s4 =	sadd.s32 s4, s6;
	[dreg:$0x0] =	wrdreg $0x0  }
0xa9: {  	s6 =	sshll.u32 s28, $0x1;
	[dreg:$0x2] =	wrdreg s4  }
0xaa: {  	[dreg:$0x3] =	wrdreg s6  }
0xab: {  	[dreg:$0x4] =	wrdreg $0xC0  }
0xac: {  	_ =	task [dreg:s8], $0x5FFFF  }
0xad: {  	[dreg:$0x1] =	wrdreg $0xFFFFFFFF  }
0xae: {  	[dreg:$0x0] =	wrdreg $0x60  }
0xaf: {  	[dreg:$0x2] =	wrdreg s18  }
0xb0: {  	[dreg:$0x3] =	wrdreg s2  }
0xb1: {  	[dreg:$0x4] =	wrdreg s24  }
0xb2: {  	[dreg:$0x5] =	wrdreg $0x9  }
0xb3: {  	_ =	task.clear_ibuf [dreg:s8], $0x6FFFF;
	_ =	strace $0x90000046  }
0xb4: {  	s29 =	simm.s32 $0x9;
	_ =	strace $0x80000048  }
0xb5: {  	_ =	swait.ge [sflag:s29], $0x1  }
0xb6: {  	[sflag:s29] =	ssyncadd.s32 $0xFFFFFFFF  }
0xb7: {  	_ =	strace $0x90000048  }
0xb8: {  	_ =	sfence  }
0xb9: {  	s30 =	sld [smem:$0x0];
	_ =	sdelay $0x2  }
0xba: {  	s31 =	sshll.u32 s1, $0xD;
	s1 =	sshrl.u32 s1, $0x2  }
0xbb: {  	s3 =	sand.u32 $0x4000, s31;
	s1 =	sadd.s32 s1, s30  }
0xbc: {  	s0 =	sor.u32 s3, s0;
	s1 =	sshll.u32 s1, $0x11  }
0xbd: {  	s0 =	sor.u32 s1, s0  }
0xbe: {  	s0 =	sadd.s32 $0x8F2B, s0  }
0xbf: {  	[sflag:s0] =	ssyncadd.remote.s32 $0x1  }
0xc0: {  	_ =	sfence.sel $0xFFFF  }
0xc1: {  	[dreg:$0x0] =	wrdreg $0xFFFFFFFF;
	(pc) =	sbr.abs _section_cstart, $3  }
0xc2: {  	[dreg:$0x1] =	wrdreg $0xFFFFFFFF  }
0xc3: {  	_ =	task.clear_ibuf [dreg:s8], $0x2FFFF;
	_ =	strace $0x9FFFFFFF  }
0xc4: {  	(tm) =	ssettm $0x7FFFFFFF  }
0xc5: {  	_ =	shalt  }
tec
execute0_lowered:
.L_overlay_start_1:
0x0: {  	(tag) =	ssettag $0x1  }
0x1: {  	s0 =	rddreg [dreg:$0x0]  }
0x2: {  	s1 =	rddreg [dreg:$0x1]  }
0x3: {  	s2 =	rddreg [dreg:$0x2]  }
0x4: {  	s3 =	simm.s32 $0x0;
	s4 =	srdreg.scid;
	s5 =	stileid.u32  }
0x5: {  	s14 =	simm.s32 $0x1;
	s28 =	simm.s32 $0x4;
	s29 =	simm.s32 $0x2  }
0x6: {  	s31 =	simm.s32 $0x5;
	s30 =	simm.s32 $0x400;
	s15 =	simm.s32 $0x11400  }
0x7: {  	s16 =	simm.s32 $0x11C00;
	s17 =	simm.s32 $0x12400;
	[smem:$0x7FF] =	sst s3  }
0x8: {  	s4 =	sand.u32 $0x1, s4;
	s5 =	sshll.u32 s5, $0x1;
	s7 =	sadd.s32 $0x400, s1  }
0x9: {  	s8 =	sadd.s32 $0x500, s1;
	s9 =	sadd.s32 $0x600, s1;
	s5 =	sor.u32 s4, s5  }
0xa: {  	s10 =	sadd.s32 $0x700, s1;
	s6 =	sshll.u32 s5, $0xF;
	s5 =	sshll.u32 s5, $0x7  }
0xb: {  	_ =	strace $0x80000047;
	s2 =	sadd.s32 s6, s2;
	s0 =	sadd.s32 s0, s5  }
0xc: {  	s4 =	ssub.s32 $0x2, s4;
	[dreg:$0x4] =	wrdreg s0;
	s19 =	sadd.s32 $0x1200, s2  }
0xd: {  	s18 =	sshrl.u32 s4, $0x1;
	s20 =	sadd.s32 $0x2200, s2;
	[dreg:$0x5] =	wrdreg s19  }
0xe: {  	s11 =	ssub.s32 s4, s18;
	s21 =	sadd.s32 $0x3200, s2;
	[dreg:$0x6] =	wrdreg s20  }
0xf: {  	s4 =	sadd.s32 $0x100, s1;
	s22 =	sadd.s32 $0x4200, s2;
	[dreg:$0x7] =	wrdreg s21  }
0x10: {  	s5 =	sadd.s32 $0x200, s1;
	s23 =	sadd.s32 $0x5200, s2;
	[dreg:$0x8] =	wrdreg s22  }
0x11: {  	s6 =	sadd.s32 $0x300, s1;
	s24 =	sadd.s32 $0x6200, s2;
	[dreg:$0x9] =	wrdreg s23  }
0x12: {  	s18 =	simm.s32 $0x12C00;
	s25 =	sadd.s32 $0x7200, s2;
	[dreg:$0xa] =	wrdreg s24  }
0x13: {  	s26 =	sadd.s32 $0x8200, s2;
	s11 =	smax.u32 s11, $0x1;
	[dreg:$0xb] =	wrdreg s25  }
0x14: {  	v2 =	vlaneseq.u32;
	s2 =	simm.s32 $0x8400;
	[dreg:$0xc] =	wrdreg s26;
	s19 =	simm.s32 $0x13400  }
0x15: {  	vm0 =	vmmov $0xffff;
	v1 =	vshrl.u32 v2, $0x3;
	s20 =	simm.s32 $0x13C00;
	s21 =	simm.s32 $0x14400;
	s22 =	simm.s32 $0x14C00  }
0x16: {  	v0 =	vand.u32 $0x7, v2;
	v2 =	vor.u32 $0x8, v2;
	v1 =	vmul.u32 $0x8, v1;
	s23 =	simm.s32 $0x15400;
	s24 =	simm.s32 $0x15C00;
	s25 =	simm.s32 $0x16400  }
.LBB2_1:
0x17: {  	s12 =	rddreg [dreg:$0x4];
	s13 =	simm.s32 $0x7  }
0x18: {  	[tilespmem:s3], [sflag:$0x7] =	stream.linear.gather [hbm4b:s12+s3], $0x400, $0x38;
	[tilespmem:$0x18400] =	vst v63  }
0x19: {  	_ =	swait.ge [sflag:s13], $0x400  }
0x1a: {  	[sflag:s13] =	ssyncset.done $0x0  }
0x1b: {  	[sflag:s13] =	ssyncadd.s32 $0xFFFFFC00  }
0x1c: {  	v3 =	vld [tilespmem:$0x0];
	_ =	sdelay $0x4  }
0x1d: {  	v4 =	vshll.u32 v3, $0x4  }
0x1e: {  	v3 =	vand.u32 $0x7, v3;
	v4 =	vand.u32 $0xFFFFFF80, v4  }
0x1f: {  	v3 =	vor.u32 v3, v4  }
0x20: {  	v4 =	vperm.xlane v3, v0;
	_ =	sdelay $0x1  }
0x21: {  	v4 =	vadd.s32 v1, v4;
	_ =	sdelay $0x4  }
0x22: {  	[tilespmem:s30], [sflag:$0x1] =	stream.indirect_vreg.gather [hbm4b:s1+s3], $0x80, v4, vm0, $0xb8;
	[tilespmem:$0x18400] =	vst v63  }
0x23: {  	s0 =	simm.s32 $0xC00  }
0x24: {  	[tilespmem:s0], [sflag:$0x1] =	stream.indirect_vreg.gather [hbm4b:s4+s3], $0x80, v4, vm0, $0xb8;
	[tilespmem:$0x18400] =	vst v63  }
0x25: {  	s26 =	simm.s32 $0x1400  }
0x26: {  	[tilespmem:s26], [sflag:$0x1] =	stream.indirect_vreg.gather [hbm4b:s5+s3], $0x80, v4, vm0, $0xb8;
	[tilespmem:$0x18400] =	vst v63  }
0x27: {  	s12 =	simm.s32 $0x1C00  }
0x28: {  	[tilespmem:s12], [sflag:$0x1] =	stream.indirect_vreg.gather [hbm4b:s6+s3], $0x80, v4, vm0, $0xb8;
	[tilespmem:$0x18400] =	vst v63  }
0x29: {  	s13 =	simm.s32 $0x2400  }
0x2a: {  	[tilespmem:s13], [sflag:$0x1] =	stream.indirect_vreg.gather [hbm4b:s7+s3], $0x80, v4, vm0, $0xb8;
	[tilespmem:$0x18400] =	vst v63  }
0x2b: {  	v3 =	vperm.xlane v3, v2;
	s26 =	simm.s32 $0x2C00  }
0x2c: {  	[tilespmem:s26], [sflag:$0x1] =	stream.indirect_vreg.gather [hbm4b:s8+s3], $0x80, v4, vm0, $0xb8;
	[tilespmem:$0x18400] =	vst v63  }
0x2d: {  	v3 =	vadd.s32 v1, v3;
	s12 =	simm.s32 $0x3400  }
0x2e: {  	[tilespmem:s12], [sflag:$0x1] =	stream.indirect_vreg.gather [hbm4b:s9+s3], $0x80, v4, vm0, $0xb8;
	[tilespmem:$0x18400] =	vst v63  }
0x2f: {  	s12 =	simm.s32 $0x3C00  }
0x30: {  	[tilespmem:s12], [sflag:$0x1] =	stream.indirect_vreg.gather [hbm4b:s10+s3], $0x80, v4, vm0, $0xb8;
	[tilespmem:$0x18400] =	vst v63  }
0x31: {  	s12 =	simm.s32 $0x4400  }
0x32: {  	[tilespmem:s12], [sflag:$0x1] =	stream.indirect_vreg.gather [hbm4b:s1+s3], $0x80, v3, vm0, $0xb8;
	[tilespmem:$0x18400] =	vst v63  }
0x33: {  	s12 =	simm.s32 $0x4C00  }
0x34: {  	[tilespmem:s12], [sflag:$0x1] =	stream.indirect_vreg.gather [hbm4b:s4+s3], $0x80, v3, vm0, $0xb8;
	[tilespmem:$0x18400] =	vst v63  }
0x35: {  	s12 =	simm.s32 $0x5400  }
0x36: {  	[tilespmem:s12], [sflag:$0x1] =	stream.indirect_vreg.gather [hbm4b:s5+s3], $0x80, v3, vm0, $0xb8;
	[tilespmem:$0x18400] =	vst v63  }
0x37: {  	s12 =	simm.s32 $0x5C00  }
0x38: {  	[tilespmem:s12], [sflag:$0x1] =	stream.indirect_vreg.gather [hbm4b:s6+s3], $0x80, v3, vm0, $0xb8;
	[tilespmem:$0x18400] =	vst v63  }
0x39: {  	s12 =	simm.s32 $0x6400  }
0x3a: {  	[tilespmem:s12], [sflag:$0x1] =	stream.indirect_vreg.gather [hbm4b:s7+s3], $0x80, v3, vm0, $0xb8;
	[tilespmem:$0x18400] =	vst v63  }
0x3b: {  	s12 =	simm.s32 $0x6C00  }
0x3c: {  	[tilespmem:s12], [sflag:$0x1] =	stream.indirect_vreg.gather [hbm4b:s8+s3], $0x80, v3, vm0, $0xb8;
	[tilespmem:$0x18400] =	vst v63  }
0x3d: {  	s12 =	simm.s32 $0x7400  }
0x3e: {  	[tilespmem:s12], [sflag:$0x1] =	stream.indirect_vreg.gather [hbm4b:s9+s3], $0x80, v3, vm0, $0xb8;
	[tilespmem:$0x18400] =	vst v63  }
0x3f: {  	s12 =	simm.s32 $0x7C00  }
0x40: {  	[tilespmem:s12], [sflag:$0x1] =	stream.indirect_vreg.gather [hbm4b:s10+s3], $0x80, v3, vm0, $0xb8;
	[tilespmem:$0x18400] =	vst v63  }
0x41: {  	v3 =	vld [tilespmem:$0x80];
	_ =	sdelay $0x4  }
0x42: {  	v57 =	vshll.u32 v3, $0x4  }
0x43: {  	v3 =	vand.u32 $0x7, v3;
	v4 =	vand.u32 $0xFFFFFF80, v57  }
0x44: {  	v3 =	vor.u32 v3, v4  }
0x45: {  	v4 =	vperm.xlane v3, v0;
	_ =	sdelay $0x1  }
0x46: {  	v4 =	vadd.s32 v1, v4;
	_ =	sdelay $0x4  }
0x47: {  	[tilespmem:s2], [sflag:$0x2] =	stream.indirect_vreg.gather [hbm4b:s1+s3], $0x80, v4, vm0, $0xb8;
	[tilespmem:$0x18400] =	vst v63  }
0x48: {  	s12 =	simm.s32 $0x8C00  }
0x49: {  	[tilespmem:s12], [sflag:$0x2] =	stream.indirect_vreg.gather [hbm4b:s4+s3], $0x80, v4, vm0, $0xb8;
	[tilespmem:$0x18400] =	vst v63  }
0x4a: {  	s12 =	simm.s32 $0x9400  }
0x4b: {  	[tilespmem:s12], [sflag:$0x2] =	stream.indirect_vreg.gather [hbm4b:s5+s3], $0x80, v4, vm0, $0xb8;
	[tilespmem:$0x18400] =	vst v63  }
0x4c: {  	s12 =	simm.s32 $0x9C00  }
0x4d: {  	[tilespmem:s12], [sflag:$0x2] =	stream.indirect_vreg.gather [hbm4b:s6+s3], $0x80, v4, vm0, $0xb8;
	[tilespmem:$0x18400] =	vst v63  }
0x4e: {  	s12 =	simm.s32 $0xA400  }
0x4f: {  	[tilespmem:s12], [sflag:$0x2] =	stream.indirect_vreg.gather [hbm4b:s7+s3], $0x80, v4, vm0, $0xb8;
	[tilespmem:$0x18400] =	vst v63  }
0x50: {  	v3 =	vperm.xlane v3, v2;
	s12 =	simm.s32 $0xAC00  }
0x51: {  	[tilespmem:s12], [sflag:$0x2] =	stream.indirect_vreg.gather [hbm4b:s8+s3], $0x80, v4, vm0, $0xb8;
	[tilespmem:$0x18400] =	vst v63  }
0x52: {  	v3 =	vadd.s32 v1, v3;
	s12 =	simm.s32 $0xB400  }
0x53: {  	[tilespmem:s12], [sflag:$0x2] =	stream.indirect_vreg.gather [hbm4b:s9+s3], $0x80, v4, vm0, $0xb8;
	[tilespmem:$0x18400] =	vst v63  }
0x54: {  	s12 =	simm.s32 $0xBC00  }
0x55: {  	[tilespmem:s12], [sflag:$0x2] =	stream.indirect_vreg.gather [hbm4b:s10+s3], $0x80, v4, vm0, $0xb8;
	[tilespmem:$0x18400] =	vst v63  }
0x56: {  	s12 =	simm.s32 $0xC400  }
0x57: {  	[tilespmem:s12], [sflag:$0x2] =	stream.indirect_vreg.gather [hbm4b:s1+s3], $0x80, v3, vm0, $0xb8;
	[tilespmem:$0x18400] =	vst v63  }
0x58: {  	s12 =	simm.s32 $0xCC00  }
0x59: {  	[tilespmem:s12], [sflag:$0x2] =	stream.indirect_vreg.gather [hbm4b:s4+s3], $0x80, v3, vm0, $0xb8;
	[tilespmem:$0x18400] =	vst v63  }
0x5a: {  	s12 =	simm.s32 $0xD400  }
0x5b: {  	[tilespmem:s12], [sflag:$0x2] =	stream.indirect_vreg.gather [hbm4b:s5+s3], $0x80, v3, vm0, $0xb8;
	[tilespmem:$0x18400] =	vst v63  }
0x5c: {  	s12 =	simm.s32 $0xDC00  }
0x5d: {  	[tilespmem:s12], [sflag:$0x2] =	stream.indirect_vreg.gather [hbm4b:s6+s3], $0x80, v3, vm0, $0xb8;
	[tilespmem:$0x18400] =	vst v63  }
0x5e: {  	s12 =	simm.s32 $0xE400  }
0x5f: {  	[tilespmem:s12], [sflag:$0x2] =	stream.indirect_vreg.gather [hbm4b:s7+s3], $0x80, v3, vm0, $0xb8;
	[tilespmem:$0x18400] =	vst v63  }
0x60: {  	s12 =	simm.s32 $0xEC00  }
0x61: {  	[tilespmem:s12], [sflag:$0x2] =	stream.indirect_vreg.gather [hbm4b:s8+s3], $0x80, v3, vm0, $0xb8;
	[tilespmem:$0x18400] =	vst v63  }
0x62: {  	s12 =	simm.s32 $0xF400  }
0x63: {  	[tilespmem:s12], [sflag:$0x2] =	stream.indirect_vreg.gather [hbm4b:s9+s3], $0x80, v3, vm0, $0xb8;
	[tilespmem:$0x18400] =	vst v63  }
0x64: {  	s12 =	simm.s32 $0xFC00  }
0x65: {  	[tilespmem:s12], [sflag:$0x2] =	stream.indirect_vreg.gather [hbm4b:s10+s3], $0x80, v3, vm0, $0xb8;
	[tilespmem:$0x18400] =	vst v63  }
0x66: {  	v3 =	vld [tilespmem:$0x100];
	_ =	sdelay $0x4  }
0x67: {  	v58 =	vshll.u32 v3, $0x4  }
0x68: {  	v3 =	vand.u32 $0x7, v3;
	v4 =	vand.u32 $0xFFFFFF80, v58  }
0x69: {  	v3 =	vor.u32 v3, v4  }
0x6a: {  	v4 =	vperm.xlane v3, v0;
	_ =	sdelay $0x1  }
0x6b: {  	v4 =	vadd.s32 v1, v4;
	_ =	sdelay $0x3  }
0x6c: {  	s12 =	simm.s32 $0x10400  }
0x6d: {  	[tilespmem:s12], [sflag:$0x3] =	stream.indirect_vreg.gather [hbm4b:s1+s3], $0x80, v4, vm0, $0xb8;
	[tilespmem:$0x18400] =	vst v63  }
0x6e: {  	s12 =	simm.s32 $0x10C00  }
0x6f: {  	[tilespmem:s12], [sflag:$0x3] =	stream.indirect_vreg.gather [hbm4b:s4+s3], $0x80, v4, vm0, $0xb8;
	[tilespmem:$0x18400] =	vst v63  }
0x70: {  	_ = 	snop  }
0x71: {  	[tilespmem:s15], [sflag:$0x3] =	stream.indirect_vreg.gather [hbm4b:s5+s3], $0x80, v4, vm0, $0xb8;
	[tilespmem:$0x18400] =	vst v63  }
0x72: {  	_ = 	snop  }
0x73: {  	[tilespmem:s16], [sflag:$0x3] =	stream.indirect_vreg.gather [hbm4b:s6+s3], $0x80, v4, vm0, $0xb8;
	[tilespmem:$0x18400] =	vst v63  }
0x74: {  	_ = 	snop  }
0x75: {  	[tilespmem:s17], [sflag:$0x3] =	stream.indirect_vreg.gather [hbm4b:s7+s3], $0x80, v4, vm0, $0xb8;
	[tilespmem:$0x18400] =	vst v63  }
0x76: {  	v3 =	vperm.xlane v3, v2  }
0x77: {  	[tilespmem:s18], [sflag:$0x3] =	stream.indirect_vreg.gather [hbm4b:s8+s3], $0x80, v4, vm0, $0xb8;
	[tilespmem:$0x18400] =	vst v63  }
0x78: {  	v3 =	vadd.s32 v1, v3  }
0x79: {  	[tilespmem:s19], [sflag:$0x3] =	stream.indirect_vreg.gather [hbm4b:s9+s3], $0x80, v4, vm0, $0xb8;
	[tilespmem:$0x18400] =	vst v63  }
0x7a: {  	_ = 	snop  }
0x7b: {  	[tilespmem:s20], [sflag:$0x3] =	stream.indirect_vreg.gather [hbm4b:s10+s3], $0x80, v4, vm0, $0xb8;
	[tilespmem:$0x18400] =	vst v63  }
0x7c: {  	_ = 	snop  }
0x7d: {  	[tilespmem:s21], [sflag:$0x3] =	stream.indirect_vreg.gather [hbm4b:s1+s3], $0x80, v3, vm0, $0xb8;
	[tilespmem:$0x18400] =	vst v63  }
0x7e: {  	_ = 	snop  }
0x7f: {  	[tilespmem:s22], [sflag:$0x3] =	stream.indirect_vreg.gather [hbm4b:s4+s3], $0x80, v3, vm0, $0xb8;
	[tilespmem:$0x18400] =	vst v63  }
0x80: {  	_ = 	snop  }
0x81: {  	[tilespmem:s23], [sflag:$0x3] =	stream.indirect_vreg.gather [hbm4b:s5+s3], $0x80, v3, vm0, $0xb8;
	[tilespmem:$0x18400] =	vst v63  }
0x82: {  	_ = 	snop  }
0x83: {  	[tilespmem:s24], [sflag:$0x3] =	stream.indirect_vreg.gather [hbm4b:s6+s3], $0x80, v3, vm0, $0xb8;
	[tilespmem:$0x18400] =	vst v63  }
0x84: {  	_ = 	snop  }
0x85: {  	[tilespmem:s25], [sflag:$0x3] =	stream.indirect_vreg.gather [hbm4b:s7+s3], $0x80, v3, vm0, $0xb8;
	[tilespmem:$0x18400] =	vst v63  }
0x86: {  	s12 =	simm.s32 $0x16C00  }
0x87: {  	[tilespmem:s12], [sflag:$0x3] =	stream.indirect_vreg.gather [hbm4b:s8+s3], $0x80, v3, vm0, $0xb8;
	[tilespmem:$0x18400] =	vst v63  }
0x88: {  	s12 =	simm.s32 $0x17400  }
0x89: {  	[tilespmem:s12], [sflag:$0x3] =	stream.indirect_vreg.gather [hbm4b:s9+s3], $0x80, v3, vm0, $0xb8;
	[tilespmem:$0x18400] =	vst v63  }
0x8a: {  	s12 =	simm.s32 $0x17C00  }
0x8b: {  	[tilespmem:s12], [sflag:$0x3] =	stream.indirect_vreg.gather [hbm4b:s10+s3], $0x80, v3, vm0, $0xb8;
	[tilespmem:$0x18400] =	vst v63  }
0x8c: {  	_ =	swait.ge [sflag:s14], $0x8000  }
0x8d: {  	[sflag:s14] =	ssyncset.done $0x0  }
0x8e: {  	s0 =	rddreg [dreg:$0x5];
	[sflag:s14] =	ssyncadd.s32 $0xFFFF8000  }
0x8f: {  	[hbm4b:s0+s3] =	stream.linear.scatter [tilespmem:s30], [sflag:$0x4], $0x8000, $0x38;
	[tilespmem:$0x18400] =	vst v63  }
0x90: {  	_ =	swait.ge [sflag:s28], $0x8000  }
0x91: {  	[sflag:s28] =	ssyncset.done $0x0  }
0x92: {  	[sflag:s28] =	ssyncadd.s32 $0xFFFF8000  }
0x93: {  	v3 =	vld [tilespmem:$0x180];
	_ =	sdelay $0x4  }
0x94: {  	v59 =	vshll.u32 v3, $0x4  }
0x95: {  	v3 =	vand.u32 $0x7, v3;
	v4 =	vand.u32 $0xFFFFFF80, v59  }
0x96: {  	v3 =	vor.u32 v3, v4  }
0x97: {  	v4 =	vperm.xlane v3, v0;
	_ =	sdelay $0x1  }
0x98: {  	v4 =	vadd.s32 v1, v4;
	_ =	sdelay $0x4  }
0x99: {  	[tilespmem:s30], [sflag:$0x1] =	stream.indirect_vreg.gather [hbm4b:s1+s3], $0x80, v4, vm0, $0xb8;
	[tilespmem:$0x18400] =	vst v63  }
0x9a: {  	s12 =	simm.s32 $0xC00  }
0x9b: {  	[tilespmem:s12], [sflag:$0x1] =	stream.indirect_vreg.gather [hbm4b:s4+s3], $0x80, v4, vm0, $0xb8;
	[tilespmem:$0x18400] =	vst v63  }
0x9c: {  	s12 =	simm.s32 $0x1400  }
0x9d: {  	[tilespmem:s12], [sflag:$0x1] =	stream.indirect_vreg.gather [hbm4b:s5+s3], $0x80, v4, vm0, $0xb8;
	[tilespmem:$0x18400] =	vst v63  }
0x9e: {  	s12 =	simm.s32 $0x1C00  }
0x9f: {  	[tilespmem:s12], [sflag:$0x1] =	stream.indirect_vreg.gather [hbm4b:s6+s3], $0x80, v4, vm0, $0xb8;
	[tilespmem:$0x18400] =	vst v63  }
0xa0: {  	s13 =	simm.s32 $0x2400  }
0xa1: {  	[tilespmem:s13], [sflag:$0x1] =	stream.indirect_vreg.gather [hbm4b:s7+s3], $0x80, v4, vm0, $0xb8;
	[tilespmem:$0x18400] =	vst v63  }
0xa2: {  	s26 =	simm.s32 $0x2C00;
	v3 =	vperm.xlane v3, v2  }
0xa3: {  	[tilespmem:s26], [sflag:$0x1] =	stream.indirect_vreg.gather [hbm4b:s8+s3], $0x80, v4, vm0, $0xb8;
	[tilespmem:$0x18400] =	vst v63  }
0xa4: {  	v3 =	vadd.s32 v1, v3;
	s12 =	simm.s32 $0x3400  }
0xa5: {  	[tilespmem:s12], [sflag:$0x1] =	stream.indirect_vreg.gather [hbm4b:s9+s3], $0x80, v4, vm0, $0xb8;
	[tilespmem:$0x18400] =	vst v63  }
0xa6: {  	s13 =	simm.s32 $0x3C00  }
0xa7: {  	[tilespmem:s13], [sflag:$0x1] =	stream.indirect_vreg.gather [hbm4b:s10+s3], $0x80, v4, vm0, $0xb8;
	[tilespmem:$0x18400] =	vst v63  }
0xa8: {  	s26 =	simm.s32 $0x4400  }
0xa9: {  	[tilespmem:s26], [sflag:$0x1] =	stream.indirect_vreg.gather [hbm4b:s1+s3], $0x80, v3, vm0, $0xb8;
	[tilespmem:$0x18400] =	vst v63  }
0xaa: {  	s12 =	simm.s32 $0x4C00  }
0xab: {  	[tilespmem:s12], [sflag:$0x1] =	stream.indirect_vreg.gather [hbm4b:s4+s3], $0x80, v3, vm0, $0xb8;
	[tilespmem:$0x18400] =	vst v63  }
0xac: {  	s13 =	simm.s32 $0x5400  }
0xad: {  	[tilespmem:s13], [sflag:$0x1] =	stream.indirect_vreg.gather [hbm4b:s5+s3], $0x80, v3, vm0, $0xb8;
	[tilespmem:$0x18400] =	vst v63  }
0xae: {  	s26 =	simm.s32 $0x5C00  }
0xaf: {  	[tilespmem:s26], [sflag:$0x1] =	stream.indirect_vreg.gather [hbm4b:s6+s3], $0x80, v3, vm0, $0xb8;
	[tilespmem:$0x18400] =	vst v63  }
0xb0: {  	s12 =	simm.s32 $0x6400  }
0xb1: {  	[tilespmem:s12], [sflag:$0x1] =	stream.indirect_vreg.gather [hbm4b:s7+s3], $0x80, v3, vm0, $0xb8;
	[tilespmem:$0x18400] =	vst v63  }
0xb2: {  	s13 =	simm.s32 $0x6C00  }
0xb3: {  	[tilespmem:s13], [sflag:$0x1] =	stream.indirect_vreg.gather [hbm4b:s8+s3], $0x80, v3, vm0, $0xb8;
	[tilespmem:$0x18400] =	vst v63  }
0xb4: {  	s26 =	simm.s32 $0x7400  }
0xb5: {  	[tilespmem:s26], [sflag:$0x1] =	stream.indirect_vreg.gather [hbm4b:s9+s3], $0x80, v3, vm0, $0xb8;
	[tilespmem:$0x18400] =	vst v63  }
0xb6: {  	s12 =	simm.s32 $0x7C00  }
0xb7: {  	[tilespmem:s12], [sflag:$0x1] =	stream.indirect_vreg.gather [hbm4b:s10+s3], $0x80, v3, vm0, $0xb8;
	[tilespmem:$0x18400] =	vst v63  }
0xb8: {  	_ =	swait.ge [sflag:s29], $0x8000  }
0xb9: {  	[sflag:s29] =	ssyncset.done $0x0  }
0xba: {  	s13 =	rddreg [dreg:$0x6];
	[sflag:s29] =	ssyncadd.s32 $0xFFFF8000  }
0xbb: {  	[hbm4b:s13+s3] =	stream.linear.scatter [tilespmem:s2], [sflag:$0x5], $0x8000, $0x38;
	[tilespmem:$0x18400] =	vst v63  }
0xbc: {  	_ =	swait.ge [sflag:s31], $0x8000  }
0xbd: {  	[sflag:s31] =	ssyncset.done $0x0  }
0xbe: {  	[sflag:s31] =	ssyncadd.s32 $0xFFFF8000  }
0xbf: {  	v3 =	vld [tilespmem:$0x200];
	_ =	sdelay $0x4  }
0xc0: {  	v60 =	vshll.u32 v3, $0x4  }
0xc1: {  	v3 =	vand.u32 $0x7, v3;
	v4 =	vand.u32 $0xFFFFFF80, v60  }
0xc2: {  	v3 =	vor.u32 v3, v4  }
0xc3: {  	v4 =	vperm.xlane v3, v0;
	_ =	sdelay $0x1  }
0xc4: {  	v4 =	vadd.s32 v1, v4;
	_ =	sdelay $0x4  }
0xc5: {  	[tilespmem:s2], [sflag:$0x2] =	stream.indirect_vreg.gather [hbm4b:s1+s3], $0x80, v4, vm0, $0xb8;
	[tilespmem:$0x18400] =	vst v63  }
0xc6: {  	s26 =	simm.s32 $0x8C00  }
0xc7: {  	[tilespmem:s26], [sflag:$0x2] =	stream.indirect_vreg.gather [hbm4b:s4+s3], $0x80, v4, vm0, $0xb8;
	[tilespmem:$0x18400] =	vst v63  }
0xc8: {  	s12 =	simm.s32 $0x9400  }
0xc9: {  	[tilespmem:s12], [sflag:$0x2] =	stream.indirect_vreg.gather [hbm4b:s5+s3], $0x80, v4, vm0, $0xb8;
	[tilespmem:$0x18400] =	vst v63  }
0xca: {  	s13 =	simm.s32 $0x9C00  }
0xcb: {  	[tilespmem:s13], [sflag:$0x2] =	stream.indirect_vreg.gather [hbm4b:s6+s3], $0x80, v4, vm0, $0xb8;
	[tilespmem:$0x18400] =	vst v63  }
0xcc: {  	s26 =	simm.s32 $0xA400  }
0xcd: {  	[tilespmem:s26], [sflag:$0x2] =	stream.indirect_vreg.gather [hbm4b:s7+s3], $0x80, v4, vm0, $0xb8;
	[tilespmem:$0x18400] =	vst v63  }
0xce: {  	v3 =	vperm.xlane v3, v2;
	s12 =	simm.s32 $0xAC00  }
0xcf: {  	[tilespmem:s12], [sflag:$0x2] =	stream.indirect_vreg.gather [hbm4b:s8+s3], $0x80, v4, vm0, $0xb8;
	[tilespmem:$0x18400] =	vst v63  }
0xd0: {  	v3 =	vadd.s32 v1, v3;
	s13 =	simm.s32 $0xB400  }
0xd1: {  	[tilespmem:s13], [sflag:$0x2] =	stream.indirect_vreg.gather [hbm4b:s9+s3], $0x80, v4, vm0, $0xb8;
	[tilespmem:$0x18400] =	vst v63  }
0xd2: {  	s26 =	simm.s32 $0xBC00  }
0xd3: {  	[tilespmem:s26], [sflag:$0x2] =	stream.indirect_vreg.gather [hbm4b:s10+s3], $0x80, v4, vm0, $0xb8;
	[tilespmem:$0x18400] =	vst v63  }
0xd4: {  	s12 =	simm.s32 $0xC400  }
0xd5: {  	[tilespmem:s12], [sflag:$0x2] =	stream.indirect_vreg.gather [hbm4b:s1+s3], $0x80, v3, vm0, $0xb8;
	[tilespmem:$0x18400] =	vst v63  }
0xd6: {  	s13 =	simm.s32 $0xCC00  }
0xd7: {  	[tilespmem:s13], [sflag:$0x2] =	stream.indirect_vreg.gather [hbm4b:s4+s3], $0x80, v3, vm0, $0xb8;
	[tilespmem:$0x18400] =	vst v63  }
0xd8: {  	s26 =	simm.s32 $0xD400  }
0xd9: {  	[tilespmem:s26], [sflag:$0x2] =	stream.indirect_vreg.gather [hbm4b:s5+s3], $0x80, v3, vm0, $0xb8;
	[tilespmem:$0x18400] =	vst v63  }
0xda: {  	s12 =	simm.s32 $0xDC00  }
0xdb: {  	[tilespmem:s12], [sflag:$0x2] =	stream.indirect_vreg.gather [hbm4b:s6+s3], $0x80, v3, vm0, $0xb8;
	[tilespmem:$0x18400] =	vst v63  }
0xdc: {  	s13 =	simm.s32 $0xE400  }
0xdd: {  	[tilespmem:s13], [sflag:$0x2] =	stream.indirect_vreg.gather [hbm4b:s7+s3], $0x80, v3, vm0, $0xb8;
	[tilespmem:$0x18400] =	vst v63  }
0xde: {  	s26 =	simm.s32 $0xEC00  }
0xdf: {  	[tilespmem:s26], [sflag:$0x2] =	stream.indirect_vreg.gather [hbm4b:s8+s3], $0x80, v3, vm0, $0xb8;
	[tilespmem:$0x18400] =	vst v63  }
0xe0: {  	s12 =	simm.s32 $0xF400  }
0xe1: {  	[tilespmem:s12], [sflag:$0x2] =	stream.indirect_vreg.gather [hbm4b:s9+s3], $0x80, v3, vm0, $0xb8;
	[tilespmem:$0x18400] =	vst v63  }
0xe2: {  	s0 =	simm.s32 $0x3;
	s13 =	simm.s32 $0xFC00  }
0xe3: {  	[tilespmem:s13], [sflag:$0x2] =	stream.indirect_vreg.gather [hbm4b:s10+s3], $0x80, v3, vm0, $0xb8;
	[tilespmem:$0x18400] =	vst v63  }
0xe4: {  	_ =	swait.ge [sflag:s0], $0x8000  }
0xe5: {  	[sflag:s0] =	ssyncset.done $0x0  }
0xe6: {  	s13 =	simm.s32 $0x10400;
	s26 =	rddreg [dreg:$0x7];
	[sflag:s0] =	ssyncadd.s32 $0xFFFF8000  }
0xe7: {  	[hbm4b:s26+s3] =	stream.linear.scatter [tilespmem:s13], [sflag:$0x6], $0x8000, $0x38;
	[tilespmem:$0x18400] =	vst v63  }
0xe8: {  	s26 =	simm.s32 $0x6  }
0xe9: {  	_ =	swait.ge [sflag:s26], $0x8000  }
0xea: {  	[sflag:s26] =	ssyncset.done $0x0  }
0xeb: {  	[sflag:s26] =	ssyncadd.s32 $0xFFFF8000  }
0xec: {  	v3 =	vld [tilespmem:$0x280];
	_ =	sdelay $0x4  }
0xed: {  	v61 =	vshll.u32 v3, $0x4  }
0xee: {  	v3 =	vand.u32 $0x7, v3;
	v4 =	vand.u32 $0xFFFFFF80, v61  }
0xef: {  	v3 =	vor.u32 v3, v4  }
0xf0: {  	v4 =	vperm.xlane v3, v0;
	_ =	sdelay $0x1  }
0xf1: {  	v4 =	vadd.s32 v1, v4;
	_ =	sdelay $0x4  }
0xf2: {  	[tilespmem:s13], [sflag:$0x3] =	stream.indirect_vreg.gather [hbm4b:s1+s3], $0x80, v4, vm0, $0xb8;
	[tilespmem:$0x18400] =	vst v63  }
0xf3: {  	s12 =	simm.s32 $0x10C00  }
0xf4: {  	[tilespmem:s12], [sflag:$0x3] =	stream.indirect_vreg.gather [hbm4b:s4+s3], $0x80, v4, vm0, $0xb8;
	[tilespmem:$0x18400] =	vst v63  }
0xf5: {  	_ = 	snop  }
0xf6: {  	[tilespmem:s15], [sflag:$0x3] =	stream.indirect_vreg.gather [hbm4b:s5+s3], $0x80, v4, vm0, $0xb8;
	[tilespmem:$0x18400] =	vst v63  }
0xf7: {  	_ = 	snop  }
0xf8: {  	[tilespmem:s16], [sflag:$0x3] =	stream.indirect_vreg.gather [hbm4b:s6+s3], $0x80, v4, vm0, $0xb8;
	[tilespmem:$0x18400] =	vst v63  }
0xf9: {  	_ = 	snop  }
0xfa: {  	[tilespmem:s17], [sflag:$0x3] =	stream.indirect_vreg.gather [hbm4b:s7+s3], $0x80, v4, vm0, $0xb8;
	[tilespmem:$0x18400] =	vst v63  }
0xfb: {  	v3 =	vperm.xlane v3, v2  }
0xfc: {  	[tilespmem:s18], [sflag:$0x3] =	stream.indirect_vreg.gather [hbm4b:s8+s3], $0x80, v4, vm0, $0xb8;
	[tilespmem:$0x18400] =	vst v63  }
0xfd: {  	v3 =	vadd.s32 v1, v3  }
0xfe: {  	[tilespmem:s19], [sflag:$0x3] =	stream.indirect_vreg.gather [hbm4b:s9+s3], $0x80, v4, vm0, $0xb8;
	[tilespmem:$0x18400] =	vst v63  }
0xff: {  	_ = 	snop  }
0x100: {  	[tilespmem:s20], [sflag:$0x3] =	stream.indirect_vreg.gather [hbm4b:s10+s3], $0x80, v4, vm0, $0xb8;
	[tilespmem:$0x18400] =	vst v63  }
0x101: {  	_ = 	snop  }
0x102: {  	[tilespmem:s21], [sflag:$0x3] =	stream.indirect_vreg.gather [hbm4b:s1+s3], $0x80, v3, vm0, $0xb8;
	[tilespmem:$0x18400] =	vst v63  }
0x103: {  	_ = 	snop  }
0x104: {  	[tilespmem:s22], [sflag:$0x3] =	stream.indirect_vreg.gather [hbm4b:s4+s3], $0x80, v3, vm0, $0xb8;
	[tilespmem:$0x18400] =	vst v63  }
0x105: {  	_ = 	snop  }
0x106: {  	[tilespmem:s23], [sflag:$0x3] =	stream.indirect_vreg.gather [hbm4b:s5+s3], $0x80, v3, vm0, $0xb8;
	[tilespmem:$0x18400] =	vst v63  }
0x107: {  	_ = 	snop  }
0x108: {  	[tilespmem:s24], [sflag:$0x3] =	stream.indirect_vreg.gather [hbm4b:s6+s3], $0x80, v3, vm0, $0xb8;
	[tilespmem:$0x18400] =	vst v63  }
0x109: {  	_ = 	snop  }
0x10a: {  	[tilespmem:s25], [sflag:$0x3] =	stream.indirect_vreg.gather [hbm4b:s7+s3], $0x80, v3, vm0, $0xb8;
	[tilespmem:$0x18400] =	vst v63  }
0x10b: {  	s12 =	simm.s32 $0x16C00  }
0x10c: {  	[tilespmem:s12], [sflag:$0x3] =	stream.indirect_vreg.gather [hbm4b:s8+s3], $0x80, v3, vm0, $0xb8;
	[tilespmem:$0x18400] =	vst v63  }
0x10d: {  	s12 =	simm.s32 $0x17400  }
0x10e: {  	[tilespmem:s12], [sflag:$0x3] =	stream.indirect_vreg.gather [hbm4b:s9+s3], $0x80, v3, vm0, $0xb8;
	[tilespmem:$0x18400] =	vst v63  }
0x10f: {  	s12 =	simm.s32 $0x17C00  }
0x110: {  	[tilespmem:s12], [sflag:$0x3] =	stream.indirect_vreg.gather [hbm4b:s10+s3], $0x80, v3, vm0, $0xb8;
	[tilespmem:$0x18400] =	vst v63  }
0x111: {  	_ =	swait.ge [sflag:s14], $0x8000  }
0x112: {  	[sflag:s14] =	ssyncset.done $0x0  }
0x113: {  	s12 =	rddreg [dreg:$0x8];
	[sflag:s14] =	ssyncadd.s32 $0xFFFF8000  }
0x114: {  	[hbm4b:s12+s3] =	stream.linear.scatter [tilespmem:s30], [sflag:$0x4], $0x8000, $0x38;
	[tilespmem:$0x18400] =	vst v63  }
0x115: {  	_ =	swait.ge [sflag:s28], $0x8000  }
0x116: {  	[sflag:s28] =	ssyncset.done $0x0  }
0x117: {  	[sflag:s28] =	ssyncadd.s32 $0xFFFF8000  }
0x118: {  	v3 =	vld [tilespmem:$0x300];
	_ =	sdelay $0x4  }
0x119: {  	v62 =	vshll.u32 v3, $0x4  }
0x11a: {  	v3 =	vand.u32 $0x7, v3;
	v4 =	vand.u32 $0xFFFFFF80, v62  }
0x11b: {  	v3 =	vor.u32 v3, v4  }
0x11c: {  	v4 =	vperm.xlane v3, v0;
	_ =	sdelay $0x1  }
0x11d: {  	v4 =	vadd.s32 v1, v4;
	_ =	sdelay $0x4  }
0x11e: {  	[tilespmem:s30], [sflag:$0x1] =	stream.indirect_vreg.gather [hbm4b:s1+s3], $0x80, v4, vm0, $0xb8;
	[tilespmem:$0x18400] =	vst v63  }
0x11f: {  	s12 =	simm.s32 $0xC00  }
0x120: {  	[tilespmem:s12], [sflag:$0x1] =	stream.indirect_vreg.gather [hbm4b:s4+s3], $0x80, v4, vm0, $0xb8;
	[tilespmem:$0x18400] =	vst v63  }
0x121: {  	s12 =	simm.s32 $0x1400  }
0x122: {  	[tilespmem:s12], [sflag:$0x1] =	stream.indirect_vreg.gather [hbm4b:s5+s3], $0x80, v4, vm0, $0xb8;
	[tilespmem:$0x18400] =	vst v63  }
0x123: {  	s12 =	simm.s32 $0x1C00  }
0x124: {  	[tilespmem:s12], [sflag:$0x1] =	stream.indirect_vreg.gather [hbm4b:s6+s3], $0x80, v4, vm0, $0xb8;
	[tilespmem:$0x18400] =	vst v63  }
0x125: {  	s12 =	simm.s32 $0x2400  }
0x126: {  	[tilespmem:s12], [sflag:$0x1] =	stream.indirect_vreg.gather [hbm4b:s7+s3], $0x80, v4, vm0, $0xb8;
	[tilespmem:$0x18400] =	vst v63  }
0x127: {  	v3 =	vperm.xlane v3, v2;
	s12 =	simm.s32 $0x2C00  }
0x128: {  	[tilespmem:s12], [sflag:$0x1] =	stream.indirect_vreg.gather [hbm4b:s8+s3], $0x80, v4, vm0, $0xb8;
	[tilespmem:$0x18400] =	vst v63  }
0x129: {  	v3 =	vadd.s32 v1, v3;
	s12 =	simm.s32 $0x3400  }
0x12a: {  	[tilespmem:s12], [sflag:$0x1] =	stream.indirect_vreg.gather [hbm4b:s9+s3], $0x80, v4, vm0, $0xb8;
	[tilespmem:$0x18400] =	vst v63  }
0x12b: {  	s12 =	simm.s32 $0x3C00  }
0x12c: {  	[tilespmem:s12], [sflag:$0x1] =	stream.indirect_vreg.gather [hbm4b:s10+s3], $0x80, v4, vm0, $0xb8;
	[tilespmem:$0x18400] =	vst v63  }
0x12d: {  	s12 =	simm.s32 $0x4400  }
0x12e: {  	[tilespmem:s12], [sflag:$0x1] =	stream.indirect_vreg.gather [hbm4b:s1+s3], $0x80, v3, vm0, $0xb8;
	[tilespmem:$0x18400] =	vst v63  }
0x12f: {  	s12 =	simm.s32 $0x4C00  }
0x130: {  	[tilespmem:s12], [sflag:$0x1] =	stream.indirect_vreg.gather [hbm4b:s4+s3], $0x80, v3, vm0, $0xb8;
	[tilespmem:$0x18400] =	vst v63  }
0x131: {  	s12 =	simm.s32 $0x5400  }
0x132: {  	[tilespmem:s12], [sflag:$0x1] =	stream.indirect_vreg.gather [hbm4b:s5+s3], $0x80, v3, vm0, $0xb8;
	[tilespmem:$0x18400] =	vst v63  }
0x133: {  	s12 =	simm.s32 $0x5C00  }
0x134: {  	[tilespmem:s12], [sflag:$0x1] =	stream.indirect_vreg.gather [hbm4b:s6+s3], $0x80, v3, vm0, $0xb8;
	[tilespmem:$0x18400] =	vst v63  }
0x135: {  	s12 =	simm.s32 $0x6400  }
0x136: {  	[tilespmem:s12], [sflag:$0x1] =	stream.indirect_vreg.gather [hbm4b:s7+s3], $0x80, v3, vm0, $0xb8;
	[tilespmem:$0x18400] =	vst v63  }
0x137: {  	s12 =	simm.s32 $0x6C00  }
0x138: {  	[tilespmem:s12], [sflag:$0x1] =	stream.indirect_vreg.gather [hbm4b:s8+s3], $0x80, v3, vm0, $0xb8;
	[tilespmem:$0x18400] =	vst v63  }
0x139: {  	s12 =	simm.s32 $0x7400  }
0x13a: {  	[tilespmem:s12], [sflag:$0x1] =	stream.indirect_vreg.gather [hbm4b:s9+s3], $0x80, v3, vm0, $0xb8;
	[tilespmem:$0x18400] =	vst v63  }
0x13b: {  	s12 =	simm.s32 $0x7C00  }
0x13c: {  	[tilespmem:s12], [sflag:$0x1] =	stream.indirect_vreg.gather [hbm4b:s10+s3], $0x80, v3, vm0, $0xb8;
	[tilespmem:$0x18400] =	vst v63  }
0x13d: {  	_ =	swait.ge [sflag:s29], $0x8000  }
0x13e: {  	[sflag:s29] =	ssyncset.done $0x0  }
0x13f: {  	s12 =	rddreg [dreg:$0x9];
	[sflag:s29] =	ssyncadd.s32 $0xFFFF8000  }
0x140: {  	[hbm4b:s12+s3] =	stream.linear.scatter [tilespmem:s2], [sflag:$0x5], $0x8000, $0x38;
	[tilespmem:$0x18400] =	vst v63  }
0x141: {  	_ =	swait.ge [sflag:s31], $0x8000  }
0x142: {  	[sflag:s31] =	ssyncset.done $0x0  }
0x143: {  	[sflag:s31] =	ssyncadd.s32 $0xFFFF8000  }
0x144: {  	v3 =	vld [tilespmem:$0x380];
	_ =	sdelay $0x4  }
0x145: {  	v63 =	vshll.u32 v3, $0x4  }
0x146: {  	v3 =	vand.u32 $0x7, v3;
	v4 =	vand.u32 $0xFFFFFF80, v63  }
0x147: {  	v3 =	vor.u32 v3, v4  }
0x148: {  	v4 =	vperm.xlane v3, v0;
	_ =	sdelay $0x1  }
0x149: {  	v4 =	vadd.s32 v1, v4;
	_ =	sdelay $0x4  }
0x14a: {  	[tilespmem:s2], [sflag:$0x2] =	stream.indirect_vreg.gather [hbm4b:s1+s3], $0x80, v4, vm0, $0xb8;
	[tilespmem:$0x18400] =	vst v63  }
0x14b: {  	s12 =	simm.s32 $0x8C00  }
0x14c: {  	[tilespmem:s12], [sflag:$0x2] =	stream.indirect_vreg.gather [hbm4b:s4+s3], $0x80, v4, vm0, $0xb8;
	[tilespmem:$0x18400] =	vst v63  }
0x14d: {  	s12 =	simm.s32 $0x9400  }
0x14e: {  	[tilespmem:s12], [sflag:$0x2] =	stream.indirect_vreg.gather [hbm4b:s5+s3], $0x80, v4, vm0, $0xb8;
	[tilespmem:$0x18400] =	vst v63  }
0x14f: {  	s12 =	simm.s32 $0x9C00  }
0x150: {  	[tilespmem:s12], [sflag:$0x2] =	stream.indirect_vreg.gather [hbm4b:s6+s3], $0x80, v4, vm0, $0xb8;
	[tilespmem:$0x18400] =	vst v63  }
0x151: {  	s12 =	simm.s32 $0xA400  }
0x152: {  	[tilespmem:s12], [sflag:$0x2] =	stream.indirect_vreg.gather [hbm4b:s7+s3], $0x80, v4, vm0, $0xb8;
	[tilespmem:$0x18400] =	vst v63  }
0x153: {  	v3 =	vperm.xlane v3, v2;
	s12 =	simm.s32 $0xAC00  }
0x154: {  	[tilespmem:s12], [sflag:$0x2] =	stream.indirect_vreg.gather [hbm4b:s8+s3], $0x80, v4, vm0, $0xb8;
	[tilespmem:$0x18400] =	vst v63  }
0x155: {  	v3 =	vadd.s32 v1, v3;
	s12 =	simm.s32 $0xB400  }
0x156: {  	[tilespmem:s12], [sflag:$0x2] =	stream.indirect_vreg.gather [hbm4b:s9+s3], $0x80, v4, vm0, $0xb8;
	[tilespmem:$0x18400] =	vst v63  }
0x157: {  	s12 =	simm.s32 $0xBC00  }
0x158: {  	[tilespmem:s12], [sflag:$0x2] =	stream.indirect_vreg.gather [hbm4b:s10+s3], $0x80, v4, vm0, $0xb8;
	[tilespmem:$0x18400] =	vst v63  }
0x159: {  	s12 =	simm.s32 $0xC400  }
0x15a: {  	[tilespmem:s12], [sflag:$0x2] =	stream.indirect_vreg.gather [hbm4b:s1+s3], $0x80, v3, vm0, $0xb8;
	[tilespmem:$0x18400] =	vst v63  }
0x15b: {  	s12 =	simm.s32 $0xCC00  }
0x15c: {  	[tilespmem:s12], [sflag:$0x2] =	stream.indirect_vreg.gather [hbm4b:s4+s3], $0x80, v3, vm0, $0xb8;
	[tilespmem:$0x18400] =	vst v63  }
0x15d: {  	s12 =	simm.s32 $0xD400  }
0x15e: {  	[tilespmem:s12], [sflag:$0x2] =	stream.indirect_vreg.gather [hbm4b:s5+s3], $0x80, v3, vm0, $0xb8;
	[tilespmem:$0x18400] =	vst v63  }
0x15f: {  	s12 =	simm.s32 $0xDC00  }
0x160: {  	[tilespmem:s12], [sflag:$0x2] =	stream.indirect_vreg.gather [hbm4b:s6+s3], $0x80, v3, vm0, $0xb8;
	[tilespmem:$0x18400] =	vst v63  }
0x161: {  	s12 =	simm.s32 $0xE400  }
0x162: {  	[tilespmem:s12], [sflag:$0x2] =	stream.indirect_vreg.gather [hbm4b:s7+s3], $0x80, v3, vm0, $0xb8;
	[tilespmem:$0x18400] =	vst v63  }
0x163: {  	s12 =	simm.s32 $0xEC00  }
0x164: {  	[tilespmem:s12], [sflag:$0x2] =	stream.indirect_vreg.gather [hbm4b:s8+s3], $0x80, v3, vm0, $0xb8;
	[tilespmem:$0x18400] =	vst v63  }
0x165: {  	s12 =	simm.s32 $0xF400  }
0x166: {  	[tilespmem:s12], [sflag:$0x2] =	stream.indirect_vreg.gather [hbm4b:s9+s3], $0x80, v3, vm0, $0xb8;
	[tilespmem:$0x18400] =	vst v63  }
0x167: {  	s12 =	simm.s32 $0xFC00  }
0x168: {  	[tilespmem:s12], [sflag:$0x2] =	stream.indirect_vreg.gather [hbm4b:s10+s3], $0x80, v3, vm0, $0xb8;
	[tilespmem:$0x18400] =	vst v63  }
0x169: {  	_ =	swait.ge [sflag:s0], $0x8000  }
0x16a: {  	[sflag:s0] =	ssyncset.done $0x0  }
0x16b: {  	s13 =	simm.s32 $0x10400;
	s12 =	rddreg [dreg:$0xa];
	[sflag:s0] =	ssyncadd.s32 $0xFFFF8000  }
0x16c: {  	[hbm4b:s12+s3] =	stream.linear.scatter [tilespmem:s13], [sflag:$0x6], $0x8000, $0x38;
	[tilespmem:$0x18400] =	vst v63  }
0x16d: {  	_ =	swait.ge [sflag:s14], $0x8000  }
0x16e: {  	[sflag:s14] =	ssyncset.done $0x0  }
0x16f: {  	s0 =	rddreg [dreg:$0xb];
	[sflag:s14] =	ssyncadd.s32 $0xFFFF8000  }
0x170: {  	[hbm4b:s0+s3] =	stream.linear.scatter [tilespmem:s30], [sflag:$0x4], $0x8000, $0x38;
	[tilespmem:$0x18400] =	vst v63  }
0x171: {  	_ =	swait.ge [sflag:s29], $0x8000  }
0x172: {  	[sflag:s29] =	ssyncset.done $0x0  }
0x173: {  	s13 =	rddreg [dreg:$0xc];
	[sflag:s29] =	ssyncadd.s32 $0xFFFF8000  }
0x174: {  	[hbm4b:s13+s3] =	stream.linear.scatter [tilespmem:s2], [sflag:$0x5], $0x8000, $0x38;
	[tilespmem:$0x18400] =	vst v63  }
0x175: {  	_ =	swait.ge [sflag:s26], $0x8000  }
0x176: {  	[sflag:s26] =	ssyncset.done $0x0  }
0x177: {  	[sflag:s26] =	ssyncadd.s32 $0xFFFF8000  }
0x178: {  	p0 =	sne.s32 s11, $0x1;
	_ =	swait.ge [sflag:s28], $0x8000  }
.Ltmp0:
0x179: {  	[sflag:s28] =	ssyncset.done $0x0;
	(pc) =	sbr.rel @p0 .LBB2_1-.Ltmp0, $4  }
0x17a: {  	[sflag:s28] =	ssyncadd.s32 $0xFFFF8000  }
0x17b: {  	_ =	swait.ge [sflag:s31], $0x8000  }
0x17c: {  	[sflag:s31] =	ssyncset.done $0x0  }
0x17d: {  	s11 =	sadd.s32 $0xFFFFFFFF, s11;
	[sflag:s31] =	ssyncadd.s32 $0xFFFF8000  }
0x17e: {  	_ =	sfence.sel $0x180000  }
0x17f: {  	[bflag:$0x0] =	sbarrier.arrive $0xFFFF  }
0x180: {  	_ =	strace $0x90000047  }
0x181: {  	s0 =	stileid.u32;
	[bflag:$0x2] =	sbarrier.arrive $0xFFFF  }
0x182: {  	p0 =	sne.s32 s0, $0x0;
	s0 =	rddreg [dreg:$0x3]  }
0x183: {  	s0 =	sadd.s32 @!p0 $0x100000, s0  }
0x184: {  	[sflag:s0] =	ssyncadd.tile.s32 @!p0 $0x1;
	_ =	shalt  }
.Lfunc_end2:
_tile_overlayer_lowered:
.L_overlay_start_2:
0x185: {  	(tag) =	ssettag $0x2  }
0x186: {  	s0 =	rddreg [dreg:$0x0];
	s2 =	stileid.u32  }
0x187: {  	s1 =	rddreg [dreg:$0x1];
	p0 =	sne.s32 s2, $0x0  }
0x188: {  	s3 =	rddreg [dreg:$0x2];
	[bflag:$0x3] =	sbarrier.arrive $0xFFFF;
	s2 =	simm.s32 @!p0 $0x1C07  }
0x189: {  	[timem:s3], [sflag:s2] =	dma.local @!p0 [hbm:s0], s1  }
0x18a: {  	s0 =	simm.s32 @!p0 $0x7  }
0x18b: {  	_ =	swait.ge @!p0 [sflag:s0], s1  }
0x18c: {  	s1 =	ssub.s32 @!p0 $0x0, s1;
	[sflag:s0] =	ssyncset.done @!p0 $0x0  }
0x18d: {  	[sflag:s0] =	ssyncadd.s32 @!p0 s1  }
0x18e: {  	[bflag:$0x3] =	sbarrier.arrive $0xFFFF  }
0x18f: {  	_ =	shalt  }

</sc_bundles>
